<compile_context>
chip_gen: v7x
topology: tpu7x:2x2x1
jax: 0.10.2.dev20260603
libtpu: 0.0.44.dev20260713+nightly
codegen_flags: <defaults>
</compile_context>

<pallas_src>
import functools

import jax
import jax.numpy as jnp
from jax import lax
from jax.experimental import pallas as pl
from jax.experimental.pallas import tpu as pltpu
from jax.experimental.pallas import tpu_sc as plsc

B = 1024
Q = 100
C = 92
K = 4
L = 16
CH = 46
BIG = 10**9

_mesh = plsc.VectorSubcoreMesh(core_axis_name="c", subcore_axis_name="s")


@functools.partial(
    pl.kernel,
    mesh=_mesh,
    compiler_params=pltpu.CompilerParams(needs_layout_passes=False),
    out_type=jax.ShapeDtypeStruct((Q, B), jnp.float32),
    scratch_types=[
        pltpu.VMEM((CH, 8, 128), jnp.float32),
        pltpu.VMEM((CH, 8, 128), jnp.float32),
        pltpu.VMEM((8, 128), jnp.float32),
        pltpu.VMEM((8, 128), jnp.float32),
        pltpu.VMEM((128,), jnp.float32),
        pltpu.VMEM((4, 128), jnp.float32),
        pltpu.VMEM((Q, 128), jnp.float32),
        pltpu.VMEM_SHARED((16, 128), jnp.float32),
        pltpu.SemaphoreType.DMA,
        pltpu.SemaphoreType.DMA,
    ],
)
def _mask_kernel(lt_hbm, out_hbm, bufa, bufb, mpart, mtile, accbuf, pbuf,
                 scorebuf, shacc, sema, semb):
    core = lax.axis_index("c")
    s = lax.axis_index("s")
    tj = core * 4 + s // 4
    k = s % 4
    bcol = tj * 128

    def qoff_of(u):
        return pl.multiple_of((k * 3 + u) * 8, 8)

    def half_src(u, h):
        return lt_hbm.at[pl.ds(h * CH, CH), pl.ds(qoff_of(u), 8),
                         pl.ds(bcol, 128)]

    def tail_src(h):
        return lt_hbm.at[pl.ds(h * CH, CH), pl.ds(96, 4), pl.ds(bcol, 128)]

    for g in range(8):
        accbuf[pl.ds(g * L, L)] = jnp.zeros((L,), jnp.float32)

    pltpu.async_copy(half_src(0, 0), bufa, sema)

    def unit(u, _):
        qoff = qoff_of(u)
        pltpu.make_async_copy(half_src(u, 0), bufa, sema).wait()
        pltpu.async_copy(half_src(u, 1), bufb, semb)

        def p1row(r, _):
            qq, g = r // 8, r % 8
            m = bufa[0, qq, pl.ds(g * L, L)]

            def cstep(i, mm):
                c0 = 1 + i * 9
                for d in range(9):
                    mm = jnp.maximum(mm, bufa[c0 + d, qq, pl.ds(g * L, L)])
                return mm

            mpart[qq, pl.ds(g * L, L)] = lax.fori_loop(0, 5, cstep, m)
            return 0

        lax.fori_loop(0, 64, p1row, 0)
        pltpu.make_async_copy(half_src(u, 1), bufb, semb).wait()

        @pl.when(u < 2)
        def _():
            pltpu.async_copy(half_src(u + 1, 0), bufa, sema)

        def p2row(r, _):
            qq, g = r // 8, r % 8
            m = mpart[qq, pl.ds(g * L, L)]

            def cstep(i, mm):
                c0 = i * 9
                for d in range(9):
                    mm = jnp.maximum(mm, bufb[c0 + d, qq, pl.ds(g * L, L)])
                return mm

            m = lax.fori_loop(0, 5, cstep, m)
            l91 = bufb[CH - 1, qq, pl.ds(g * L, L)]
            m1 = jnp.where(m >= l91, 1.0, 0.0)
            mtile[qq, pl.ds(g * L, L)] = m1
            accbuf[pl.ds(g * L, L)] = accbuf[pl.ds(g * L, L)] + m1
            return 0

        lax.fori_loop(0, 64, p2row, 0)
        pltpu.sync_copy(mtile,
                        out_hbm.at[pl.ds(qoff, 8), pl.ds(bcol, 128)])
        return 0

    lax.fori_loop(0, 3, unit, 0)

    @pl.when(k == 3)
    def _tail():
        pltpu.sync_copy(tail_src(0), bufa.at[:, pl.ds(0, 4), :])
        pltpu.sync_copy(tail_src(1), bufb.at[:, pl.ds(0, 4), :])

        def trow(r, _):
            qq, g = r // 8, r % 8
            m = bufa[0, qq, pl.ds(g * L, L)]

            def c1(i, mm):
                c0 = 1 + i * 9
                for d in range(9):
                    mm = jnp.maximum(mm, bufa[c0 + d, qq, pl.ds(g * L, L)])
                return mm

            m = lax.fori_loop(0, 5, c1, m)

            def c2(i, mm):
                c0 = i * 9
                for d in range(9):
                    mm = jnp.maximum(mm, bufb[c0 + d, qq, pl.ds(g * L, L)])
                return mm

            m = lax.fori_loop(0, 5, c2, m)
            l91 = bufb[CH - 1, qq, pl.ds(g * L, L)]
            m1 = jnp.where(m >= l91, 1.0, 0.0)
            mtile[qq, pl.ds(g * L, L)] = m1
            accbuf[pl.ds(g * L, L)] = accbuf[pl.ds(g * L, L)] + m1
            return 0

        lax.fori_loop(0, 32, trow, 0)
        pltpu.sync_copy(mtile.at[pl.ds(0, 4), :],
                        out_hbm.at[pl.ds(96, 4), pl.ds(bcol, 128)])

    pltpu.sync_copy(accbuf, shacc.at[s])
    plsc.subcore_barrier()
    pltpu.sync_copy(shacc.at[pl.ds((s // 4) * 4, 4)], pbuf)
    tot = [pbuf[0, pl.ds(g * L, L)] + pbuf[1, pl.ds(g * L, L)]
           + pbuf[2, pl.ds(g * L, L)] + pbuf[3, pl.ds(g * L, L)]
           for g in range(8)]
    zvec = sum(jnp.where(tot[g] < 1.0, 1.0, 0.0) for g in range(8))
    zany = jnp.max(zvec) > 0.0

    def fallback():
        def srows(bufx, bufy, qbase, nrow):
            def srow(r, _):
                qq, g = r // 8, r % 8
                ds = pl.ds(g * L, L)
                m = bufx[0, qq, ds]

                def c1(cc, mm):
                    return jnp.maximum(mm, bufx[cc, qq, ds])

                m = lax.fori_loop(1, CH, c1, m)

                def c2(cc, mm):
                    return jnp.maximum(mm, bufy[cc, qq, ds])

                m = lax.fori_loop(0, CH - 1, c2, m)

                def e1(cc, ss):
                    return ss + jnp.exp(bufx[cc, qq, ds] - m)

                ssum = lax.fori_loop(0, CH, e1,
                                     jnp.zeros((L,), jnp.float32))

                def e2(cc, ss):
                    return ss + jnp.exp(bufy[cc, qq, ds] - m)

                ssum = lax.fori_loop(0, CH - 1, e2, ssum)
                scorebuf[qbase + qq, ds] = 1.0 / ssum
                return 0

            lax.fori_loop(0, nrow * 8, srow, 0)

        def stile(ti, _):
            qoff = pl.multiple_of(ti * 8, 8)
            pltpu.sync_copy(lt_hbm.at[pl.ds(0, CH), pl.ds(qoff, 8),
                                      pl.ds(bcol, 128)], bufa)
            pltpu.sync_copy(lt_hbm.at[pl.ds(CH, CH), pl.ds(qoff, 8),
                                      pl.ds(bcol, 128)], bufb)
            srows(bufa, bufb, qoff, 8)
            return 0

        lax.fori_loop(0, 12, stile, 0)
        pltpu.sync_copy(tail_src(0), bufa.at[:, pl.ds(0, 4), :])
        pltpu.sync_copy(tail_src(1), bufb.at[:, pl.ds(0, 4), :])
        srows(bufa, bufb, 96, 4)

        def kround(_, __):
            for g in range(8):
                ds = pl.ds(g * L, L)
                mx = scorebuf[0, ds]

                def qmax(q, mm):
                    return jnp.maximum(mm, scorebuf[q, ds])

                mx = lax.fori_loop(1, Q, qmax, mx)

                def qidx(q, bi):
                    return jnp.minimum(
                        bi, jnp.where(scorebuf[q, ds] == mx, q, BIG))

                bidx = lax.fori_loop(0, Q, qidx,
                                     jnp.full((L,), BIG, jnp.int32))

                def qkill(q, _):
                    row = scorebuf[q, ds]
                    scorebuf[q, ds] = jnp.where(bidx == q, -2.0, row)
                    return 0

                lax.fori_loop(0, Q, qkill, 0)
            return 0

        lax.fori_loop(0, K, kround, 0)

        def fix_rows(qbase, nrow, src):
            pltpu.sync_copy(src, mtile.at[pl.ds(0, nrow), :])
            for g in range(8):
                ds = pl.ds(g * L, L)
                zm = tot[g] < 1.0

                def qfix(qq, _):
                    sel = scorebuf[qbase + qq, ds] == -2.0
                    fm = jnp.where(sel, 1.0, 0.0)
                    row = mtile[qq, ds]
                    mtile[qq, ds] = jnp.where(zm, fm, row)
                    return 0

                lax.fori_loop(0, nrow, qfix, 0)
            pltpu.sync_copy(mtile.at[pl.ds(0, nrow), :], src)

        def mtile_fix(ti, _):
            qoff = pl.multiple_of(ti * 8, 8)
            fix_rows(qoff, 8,
                     out_hbm.at[pl.ds(qoff, 8), pl.ds(bcol, 128)])
            return 0

        lax.fori_loop(0, 12, mtile_fix, 0)
        fix_rows(96, 4, out_hbm.at[pl.ds(96, 4), pl.ds(bcol, 128)])

    pl.when(zany & (k == 0))(fallback)


def kernel(input_modal, detr_features, detr_logits):
    lt = jnp.transpose(detr_logits, (2, 1, 0))
    mask_t = _mask_kernel(lt)
    return detr_features, mask_t.T

# --- scband reference (transcript-rebuilt; emitter-appended) ---
"""Pipeline reference for scband-detrfeatures-image-embedding-layer-14834817040655 (READ-ONLY COPY).

The authoritative reference and input builder live on the scoring server;
editing this copy changes nothing except your own understanding.
"""

import jax, jax.numpy as jnp
import numpy as np

FALLBACK_TOPK = 4

def setup_inputs(seed: int = 0) -> dict:
    key = jax.random.key(seed)
    k1, k2, k3 = jax.random.split(key, 3)
    input_modal = jax.random.normal(k1, (1024, 256), dtype=jnp.float32)
    detr_features = jax.random.normal(k2, (1024, 100, 256), dtype=jnp.float32)
    detr_logits = jax.random.normal(k3, (1024, 100, 92), dtype=jnp.float32)
    return {"input_modal": input_modal, "detr_features": detr_features, "detr_logits": detr_logits}

def reference(input_modal, detr_features, detr_logits):
    # mask1: 1 where predicted class != no-object (class id 91), else 0
    mask1 = jnp.argmax(jax.nn.softmax(detr_logits, axis=-1), axis=-1)
    mask1 = jnp.where(mask1 == 91, 0, 1).astype(jnp.float32)
    # zero_mask: rows where no query detected any object
    zero_mask = (jnp.sum(mask1, axis=1) < 1).reshape(mask1.shape[0], 1)
    zero_mask = jnp.repeat(zero_mask, mask1.shape[1], axis=1)
    # mask2: fallback top-k queries by max class prob (excluding no-object)
    mask2 = jnp.max(jax.nn.softmax(detr_logits[..., :-1], axis=-1), axis=-1)
    _, topk_idx = jax.lax.top_k(mask2, FALLBACK_TOPK)
    rows = jnp.arange(mask2.shape[0])[:, None]
    mask2_scattered = jnp.zeros_like(mask2).at[rows, topk_idx].set(1.0)
    detr_mask = jnp.where(zero_mask, mask2_scattered, mask1)
    return (detr_features, detr_mask)

if __name__ == "__main__":
    import jax
    _d = setup_inputs()
    print(jax.jit(kernel)(*tuple(_d.values())))

</pallas_src>

<mosaic_0001>
#map = affine_map<(d0, d1) -> (0, 0, 0)>
#map1 = affine_map<(d0, d1) -> (0, 0)>
module attributes {stable_mosaic.version = 14 : i64} {
  func.func @_mask_kernel(%arg0: i32, %arg1: i32, %arg2: memref<92x100x1024xf32, #tpu.memory_space<hbm>>, %arg3: memref<100x1024xf32, #tpu.memory_space<hbm>>, %arg4: memref<46x8x128xf32, #tpu.memory_space<vmem>>, %arg5: memref<46x8x128xf32, #tpu.memory_space<vmem>>, %arg6: memref<8x128xf32, #tpu.memory_space<vmem>>, %arg7: memref<8x128xf32, #tpu.memory_space<vmem>>, %arg8: memref<128xf32, #tpu.memory_space<vmem>>, %arg9: memref<4x128xf32, #tpu.memory_space<vmem>>, %arg10: memref<100x128xf32, #tpu.memory_space<vmem>>, %arg11: memref<16x128xf32, #tpu.memory_space<vmem_shared>>, %arg12: memref<!tpu.dma_semaphore, #tpu.memory_space<semaphore_mem>>, %arg13: memref<!tpu.dma_semaphore, #tpu.memory_space<semaphore_mem>>) attributes {dimension_semantics = [#tpu.dimension_semantics<core_parallel>, #tpu.dimension_semantics<subcore_parallel>], iteration_bounds = array<i64: 2, 16>, scalar_prefetch = 0 : i64, scratch_operands = 10 : i64, tpu.core_type = #tpu.core_type<sc_vector_subcore>, window_params = [{transform_indices = #map}, {transform_indices = #map1}]} {
    %mul3A = arith.constant 4 : i32
    %mul3A_0 = arith.muli %arg0, %mul3A : i32
    %jit3A = arith.constant 4 : i32
    %div3A = arith.divsi %arg1, %jit3A : i32
    %sign3A = arith.constant 0 : i32
    %sign3A_1 = arith.cmpi sgt, %arg1, %sign3A : i32
    %sign3A_2 = arith.extui %sign3A_1 : i1 to i32
    %sign3A_3 = arith.constant 0 : i32
    %sign3A_4 = arith.cmpi slt, %arg1, %sign3A_3 : i32
    %sign3A_5 = arith.extui %sign3A_4 : i1 to i32
    %sign3A_6 = arith.subi %sign3A_2, %sign3A_5 : i32
    %sign3A_7 = arith.constant 0 : i32
    %sign3A_8 = arith.cmpi sgt, %jit3A, %sign3A_7 : i32
    %sign3A_9 = arith.extui %sign3A_8 : i1 to i32
    %sign3A_10 = arith.constant 0 : i32
    %sign3A_11 = arith.cmpi slt, %jit3A, %sign3A_10 : i32
    %sign3A_12 = arith.extui %sign3A_11 : i1 to i32
    %sign3A_13 = arith.subi %sign3A_9, %sign3A_12 : i32
    %ne3A = arith.cmpi ne, %sign3A_6, %sign3A_13 : i32
    %rem3A = arith.remsi %arg1, %jit3A : i32
    %ne3A_14 = arith.constant 0 : i32
    %ne3A_15 = arith.cmpi ne, %rem3A, %ne3A_14 : i32
    %and3A = arith.andi %ne3A, %ne3A_15 : i1
    %sub3A = arith.constant 1 : i32
    %sub3A_16 = arith.subi %div3A, %sub3A : i32
    %select_n3A = arith.select %and3A, %sub3A_16, %div3A : i32
    %add3A = arith.addi %mul3A_0, %select_n3A : i32
    %jit3A_17 = arith.constant 4 : i32
    %eq3A = arith.constant 0 : i32
    %eq3A_18 = arith.cmpi eq, %jit3A_17, %eq3A : i32
    %jit3A_19 = arith.constant 1 : i32
    %select_n3A_20 = arith.select %eq3A_18, %jit3A_19, %jit3A_17 : i32
    %rem3A_21 = arith.remsi %arg1, %select_n3A_20 : i32
    %ne3A_22 = arith.constant 0 : i32
    %ne3A_23 = arith.cmpi ne, %rem3A_21, %ne3A_22 : i32
    %lt3A = arith.constant 0 : i32
    %lt3A_24 = arith.cmpi slt, %rem3A_21, %lt3A : i32
    %lt3A_25 = arith.constant 0 : i32
    %lt3A_26 = arith.cmpi slt, %select_n3A_20, %lt3A_25 : i32
    %ne3A_27 = arith.xori %lt3A_24, %lt3A_26 : i1
    %and3A_28 = arith.andi %ne3A_27, %ne3A_23 : i1
    %add3A_29 = arith.addi %rem3A_21, %select_n3A_20 : i32
    %select_n3A_30 = arith.select %and3A_28, %add3A_29, %rem3A_21 : i32
    %mul3A_31 = arith.constant 128 : i32
    %mul3A_32 = arith.muli %add3A, %mul3A_31 : i32
    %broadcast_in_dim3A = arith.constant 0.000000e+00 : f32
    %broadcast_in_dim3A_33 = vector.broadcast %broadcast_in_dim3A : f32 to vector<16xf32>
    %swap3A = arith.constant 0 : index
    %swap3A_34 = tpu.vector_load %arg8[%swap3A] {strides = array<i32>} : memref<128xf32, #tpu.memory_space<vmem>>, vector<16xf32>,
    tpu.vector_store %arg8[%swap3A], %broadcast_in_dim3A_33 {strides = array<i32>} : memref<128xf32, #tpu.memory_space<vmem>>, vector<16xf32>,
    %broadcast_in_dim3A_35 = arith.constant 0.000000e+00 : f32
    %broadcast_in_dim3A_36 = vector.broadcast %broadcast_in_dim3A_35 : f32 to vector<16xf32>
    %swap3A_37 = arith.constant 16 : index
    %swap3A_38 = tpu.vector_load %arg8[%swap3A_37] {strides = array<i32>} : memref<128xf32, #tpu.memory_space<vmem>>, vector<16xf32>,
    tpu.vector_store %arg8[%swap3A_37], %broadcast_in_dim3A_36 {strides = array<i32>} : memref<128xf32, #tpu.memory_space<vmem>>, vector<16xf32>,
    %broadcast_in_dim3A_39 = arith.constant 0.000000e+00 : f32
    %broadcast_in_dim3A_40 = vector.broadcast %broadcast_in_dim3A_39 : f32 to vector<16xf32>
    %swap3A_41 = arith.constant 32 : index
    %swap3A_42 = tpu.vector_load %arg8[%swap3A_41] {strides = array<i32>} : memref<128xf32, #tpu.memory_space<vmem>>, vector<16xf32>,
    tpu.vector_store %arg8[%swap3A_41], %broadcast_in_dim3A_40 {strides = array<i32>} : memref<128xf32, #tpu.memory_space<vmem>>, vector<16xf32>,
    %broadcast_in_dim3A_43 = arith.constant 0.000000e+00 : f32
    %broadcast_in_dim3A_44 = vector.broadcast %broadcast_in_dim3A_43 : f32 to vector<16xf32>
    %swap3A_45 = arith.constant 48 : index
    %swap3A_46 = tpu.vector_load %arg8[%swap3A_45] {strides = array<i32>} : memref<128xf32, #tpu.memory_space<vmem>>, vector<16xf32>,
    tpu.vector_store %arg8[%swap3A_45], %broadcast_in_dim3A_44 {strides = array<i32>} : memref<128xf32, #tpu.memory_space<vmem>>, vector<16xf32>,
    %broadcast_in_dim3A_47 = arith.constant 0.000000e+00 : f32
    %broadcast_in_dim3A_48 = vector.broadcast %broadcast_in_dim3A_47 : f32 to vector<16xf32>
    %swap3A_49 = arith.constant 64 : index
    %swap3A_50 = tpu.vector_load %arg8[%swap3A_49] {strides = array<i32>} : memref<128xf32, #tpu.memory_space<vmem>>, vector<16xf32>,
    tpu.vector_store %arg8[%swap3A_49], %broadcast_in_dim3A_48 {strides = array<i32>} : memref<128xf32, #tpu.memory_space<vmem>>, vector<16xf32>,
    %broadcast_in_dim3A_51 = arith.constant 0.000000e+00 : f32
    %broadcast_in_dim3A_52 = vector.broadcast %broadcast_in_dim3A_51 : f32 to vector<16xf32>
    %swap3A_53 = arith.constant 80 : index
    %swap3A_54 = tpu.vector_load %arg8[%swap3A_53] {strides = array<i32>} : memref<128xf32, #tpu.memory_space<vmem>>, vector<16xf32>,
    tpu.vector_store %arg8[%swap3A_53], %broadcast_in_dim3A_52 {strides = array<i32>} : memref<128xf32, #tpu.memory_space<vmem>>, vector<16xf32>,
    %broadcast_in_dim3A_55 = arith.constant 0.000000e+00 : f32
    %broadcast_in_dim3A_56 = vector.broadcast %broadcast_in_dim3A_55 : f32 to vector<16xf32>
    %swap3A_57 = arith.constant 96 : index
    %swap3A_58 = tpu.vector_load %arg8[%swap3A_57] {strides = array<i32>} : memref<128xf32, #tpu.memory_space<vmem>>, vector<16xf32>,
    tpu.vector_store %arg8[%swap3A_57], %broadcast_in_dim3A_56 {strides = array<i32>} : memref<128xf32, #tpu.memory_space<vmem>>, vector<16xf32>,
    %broadcast_in_dim3A_59 = arith.constant 0.000000e+00 : f32
    %broadcast_in_dim3A_60 = vector.broadcast %broadcast_in_dim3A_59 : f32 to vector<16xf32>
    %swap3A_61 = arith.constant 112 : index
    %swap3A_62 = tpu.vector_load %arg8[%swap3A_61] {strides = array<i32>} : memref<128xf32, #tpu.memory_space<vmem>>, vector<16xf32>,
    tpu.vector_store %arg8[%swap3A_61], %broadcast_in_dim3A_60 {strides = array<i32>} : memref<128xf32, #tpu.memory_space<vmem>>, vector<16xf32>,
    %mul3A_63 = arith.constant 3 : i32
    %mul3A_64 = arith.muli %select_n3A_30, %mul3A_63 : i32
    %add3A_65 = arith.constant 0 : i32
    %add3A_66 = arith.addi %mul3A_64, %add3A_65 : i32
    %mul3A_67 = arith.constant 8 : i32
    %mul3A_68 = arith.muli %add3A_66, %mul3A_67 : i32
    %multiple_of3A = tpu.assume_multiple %mul3A_68, 8 : i32
    %dma_start3A = arith.constant 0 : i32
    %dma_start3A_69 = tpu.memref_slice %arg2[%dma_start3A, %multiple_of3A, %mul3A_32] : memref<92x100x1024xf32, #tpu.memory_space<hbm>> -> memref<46x8x128xf32, #tpu.memory_space<hbm>>
    %dma_start3A_70 = arith.constant 0 : i32
    %dma_start3A_71 = tpu.memref_slice %arg2[%dma_start3A_70, %multiple_of3A, %mul3A_32] : memref<92x100x1024xf32, #tpu.memory_space<hbm>> -> memref<46x8x128xf32, #tpu.memory_space<hbm>>
    tpu.enqueue_dma source(%dma_start3A_71 : memref<46x8x128xf32, #tpu.memory_space<hbm>>) target(%arg4 : memref<46x8x128xf32, #tpu.memory_space<vmem>>) target_semaphore(%arg12 : memref<!tpu.dma_semaphore, #tpu.memory_space<semaphore_mem>>)
    %scan3A = arith.constant 0 : i32
    %scan3A_72 = arith.constant 0 : i32
    %scan3A_73 = arith.constant 3 : i32
    %scan3A_74 = arith.addi %scan3A_72, %scan3A_73 : i32
    %scan3A_75 = arith.constant 1 : i32
    %scan3A_76 = scf.for %scan3A_342 = %scan3A_72 to %scan3A_74 step %scan3A_75 iter_args(%scan3A_343 = %scan3A) -> (i32)  : i32 {
      %mul3A_344 = arith.constant 3 : i32
      %mul3A_345 = arith.muli %select_n3A_30, %mul3A_344 : i32
      %add3A_346 = arith.addi %mul3A_345, %scan3A_342 : i32
      %mul3A_347 = arith.constant 8 : i32
      %mul3A_348 = arith.muli %add3A_346, %mul3A_347 : i32
      %multiple_of3A_349 = tpu.assume_multiple %mul3A_348, 8 : i32
      %mul3A_350 = arith.constant 3 : i32
      %mul3A_351 = arith.muli %select_n3A_30, %mul3A_350 : i32
      %add3A_352 = arith.addi %mul3A_351, %scan3A_342 : i32
      %mul3A_353 = arith.constant 8 : i32
      %mul3A_354 = arith.muli %add3A_352, %mul3A_353 : i32
      %multiple_of3A_355 = tpu.assume_multiple %mul3A_354, 8 : i32
      %dma_wait3A = arith.constant 0 : i32
      %dma_wait3A_356 = tpu.memref_slice %arg2[%dma_wait3A, %multiple_of3A_355, %mul3A_32] : memref<92x100x1024xf32, #tpu.memory_space<hbm>> -> memref<46x8x128xf32, #tpu.memory_space<hbm>>
      %dma_wait3A_357 = arith.constant 0 : i32
      %dma_wait3A_358 = tpu.memref_slice %arg2[%dma_wait3A_357, %multiple_of3A_355, %mul3A_32] : memref<92x100x1024xf32, #tpu.memory_space<hbm>> -> memref<46x8x128xf32, #tpu.memory_space<hbm>>
      tpu.wait_dma2 semaphore(%arg12 : memref<!tpu.dma_semaphore, #tpu.memory_space<semaphore_mem>>) src(%dma_wait3A_358 : memref<46x8x128xf32, #tpu.memory_space<hbm>>) dst(%arg4 : memref<46x8x128xf32, #tpu.memory_space<vmem>>)
      %mul3A_359 = arith.constant 3 : i32
      %mul3A_360 = arith.muli %select_n3A_30, %mul3A_359 : i32
      %add3A_361 = arith.addi %mul3A_360, %scan3A_342 : i32
      %mul3A_362 = arith.constant 8 : i32
      %mul3A_363 = arith.muli %add3A_361, %mul3A_362 : i32
      %multiple_of3A_364 = tpu.assume_multiple %mul3A_363, 8 : i32
      %dma_start3A_365 = arith.constant 46 : i32
      %dma_start3A_366 = tpu.memref_slice %arg2[%dma_start3A_365, %multiple_of3A_364, %mul3A_32] : memref<92x100x1024xf32, #tpu.memory_space<hbm>> -> memref<46x8x128xf32, #tpu.memory_space<hbm>>
      %dma_start3A_367 = arith.constant 46 : i32
      %dma_start3A_368 = tpu.memref_slice %arg2[%dma_start3A_367, %multiple_of3A_364, %mul3A_32] : memref<92x100x1024xf32, #tpu.memory_space<hbm>> -> memref<46x8x128xf32, #tpu.memory_space<hbm>>
      tpu.enqueue_dma source(%dma_start3A_368 : memref<46x8x128xf32, #tpu.memory_space<hbm>>) target(%arg5 : memref<46x8x128xf32, #tpu.memory_space<vmem>>) target_semaphore(%arg13 : memref<!tpu.dma_semaphore, #tpu.memory_space<semaphore_mem>>)
      %scan3A_369 = arith.constant 0 : i32
      %scan3A_370 = arith.constant 0 : i32
      %scan3A_371 = arith.constant 64 : i32
      %scan3A_372 = arith.addi %scan3A_370, %scan3A_371 : i32
      %scan3A_373 = arith.constant 1 : i32
      %scan3A_374 = scf.for %scan3A_399 = %scan3A_370 to %scan3A_372 step %scan3A_373 iter_args(%scan3A_400 = %scan3A_369) -> (i32)  : i32 {
        %jit3A_401 = arith.constant 8 : i32
        %div3A_402 = arith.divsi %scan3A_399, %jit3A_401 : i32
        %sign3A_403 = arith.constant 0 : i32
        %sign3A_404 = arith.cmpi sgt, %scan3A_399, %sign3A_403 : i32
        %sign3A_405 = arith.extui %sign3A_404 : i1 to i32
        %sign3A_406 = arith.constant 0 : i32
        %sign3A_407 = arith.cmpi slt, %scan3A_399, %sign3A_406 : i32
        %sign3A_408 = arith.extui %sign3A_407 : i1 to i32
        %sign3A_409 = arith.subi %sign3A_405, %sign3A_408 : i32
        %sign3A_410 = arith.constant 0 : i32
        %sign3A_411 = arith.cmpi sgt, %jit3A_401, %sign3A_410 : i32
        %sign3A_412 = arith.extui %sign3A_411 : i1 to i32
        %sign3A_413 = arith.constant 0 : i32
        %sign3A_414 = arith.cmpi slt, %jit3A_401, %sign3A_413 : i32
        %sign3A_415 = arith.extui %sign3A_414 : i1 to i32
        %sign3A_416 = arith.subi %sign3A_412, %sign3A_415 : i32
        %ne3A_417 = arith.cmpi ne, %sign3A_409, %sign3A_416 : i32
        %rem3A_418 = arith.remsi %scan3A_399, %jit3A_401 : i32
        %ne3A_419 = arith.constant 0 : i32
        %ne3A_420 = arith.cmpi ne, %rem3A_418, %ne3A_419 : i32
        %and3A_421 = arith.andi %ne3A_417, %ne3A_420 : i1
        %sub3A_422 = arith.constant 1 : i32
        %sub3A_423 = arith.subi %div3A_402, %sub3A_422 : i32
        %select_n3A_424 = arith.select %and3A_421, %sub3A_423, %div3A_402 : i32
        %jit3A_425 = arith.constant 8 : i32
        %eq3A_426 = arith.constant 0 : i32
        %eq3A_427 = arith.cmpi eq, %jit3A_425, %eq3A_426 : i32
        %jit3A_428 = arith.constant 1 : i32
        %select_n3A_429 = arith.select %eq3A_427, %jit3A_428, %jit3A_425 : i32
        %rem3A_430 = arith.remsi %scan3A_399, %select_n3A_429 : i32
        %ne3A_431 = arith.constant 0 : i32
        %ne3A_432 = arith.cmpi ne, %rem3A_430, %ne3A_431 : i32
        %lt3A_433 = arith.constant 0 : i32
        %lt3A_434 = arith.cmpi slt, %rem3A_430, %lt3A_433 : i32
        %lt3A_435 = arith.constant 0 : i32
        %lt3A_436 = arith.cmpi slt, %select_n3A_429, %lt3A_435 : i32
        %ne3A_437 = arith.xori %lt3A_434, %lt3A_436 : i1
        %and3A_438 = arith.andi %ne3A_437, %ne3A_432 : i1
        %add3A_439 = arith.addi %rem3A_430, %select_n3A_429 : i32
        %select_n3A_440 = arith.select %and3A_438, %add3A_439, %rem3A_430 : i32
        %mul3A_441 = arith.constant 16 : i32
        %mul3A_442 = arith.muli %select_n3A_440, %mul3A_441 : i32
        %get3A_443 = arith.constant 0 : i32
        %get3A_444 = arith.index_cast %get3A_443 : i32 to index
        %get3A_445 = arith.index_cast %select_n3A_424 : i32 to index
        %get3A_446 = arith.index_cast %mul3A_442 : i32 to index
        %get3A_447 = tpu.vector_load %arg4[%get3A_444, %get3A_445, %get3A_446] {strides = array<i32>} : memref<46x8x128xf32, #tpu.memory_space<vmem>>, vector<16xf32>,
        %scan3A_448 = arith.constant 0 : i32
        %scan3A_449 = arith.constant 5 : i32
        %scan3A_450 = arith.addi %scan3A_448, %scan3A_449 : i32
        %scan3A_451 = arith.constant 1 : i32
        %scan3A_452 = scf.for %scan3A_460 = %scan3A_448 to %scan3A_450 step %scan3A_451 iter_args(%scan3A_461 = %get3A_447) -> (vector<16xf32>)  : i32 {
          %mul3A_462 = arith.constant 9 : i32
          %mul3A_463 = arith.muli %scan3A_460, %mul3A_462 : i32
          %add3A_464 = arith.constant 1 : i32
          %add3A_465 = arith.addi %add3A_464, %mul3A_463 : i32
          %add3A_466 = arith.constant 0 : i32
          %add3A_467 = arith.addi %add3A_465, %add3A_466 : i32
          %mul3A_468 = arith.constant 16 : i32
          %mul3A_469 = arith.muli %select_n3A_440, %mul3A_468 : i32
          %get3A_470 = arith.index_cast %add3A_467 : i32 to index
          %get3A_471 = arith.index_cast %select_n3A_424 : i32 to index
          %get3A_472 = arith.index_cast %mul3A_469 : i32 to index
          %get3A_473 = tpu.vector_load %arg4[%get3A_470, %get3A_471, %get3A_472] {strides = array<i32>} : memref<46x8x128xf32, #tpu.memory_space<vmem>>, vector<16xf32>,
          %max3A = arith.maximumf %scan3A_461, %get3A_473 : vector<16xf32>
          %add3A_474 = arith.constant 1 : i32
          %add3A_475 = arith.addi %add3A_465, %add3A_474 : i32
          %mul3A_476 = arith.constant 16 : i32
          %mul3A_477 = arith.muli %select_n3A_440, %mul3A_476 : i32
          %get3A_478 = arith.index_cast %add3A_475 : i32 to index
          %get3A_479 = arith.index_cast %select_n3A_424 : i32 to index
          %get3A_480 = arith.index_cast %mul3A_477 : i32 to index
          %get3A_481 = tpu.vector_load %arg4[%get3A_478, %get3A_479, %get3A_480] {strides = array<i32>} : memref<46x8x128xf32, #tpu.memory_space<vmem>>, vector<16xf32>,
          %max3A_482 = arith.maximumf %max3A, %get3A_481 : vector<16xf32>
          %add3A_483 = arith.constant 2 : i32
          %add3A_484 = arith.addi %add3A_465, %add3A_483 : i32
          %mul3A_485 = arith.constant 16 : i32
          %mul3A_486 = arith.muli %select_n3A_440, %mul3A_485 : i32
          %get3A_487 = arith.index_cast %add3A_484 : i32 to index
          %get3A_488 = arith.index_cast %select_n3A_424 : i32 to index
          %get3A_489 = arith.index_cast %mul3A_486 : i32 to index
          %get3A_490 = tpu.vector_load %arg4[%get3A_487, %get3A_488, %get3A_489] {strides = array<i32>} : memref<46x8x128xf32, #tpu.memory_space<vmem>>, vector<16xf32>,
          %max3A_491 = arith.maximumf %max3A_482, %get3A_490 : vector<16xf32>
          %add3A_492 = arith.constant 3 : i32
          %add3A_493 = arith.addi %add3A_465, %add3A_492 : i32
          %mul3A_494 = arith.constant 16 : i32
          %mul3A_495 = arith.muli %select_n3A_440, %mul3A_494 : i32
          %get3A_496 = arith.index_cast %add3A_493 : i32 to index
          %get3A_497 = arith.index_cast %select_n3A_424 : i32 to index
          %get3A_498 = arith.index_cast %mul3A_495 : i32 to index
          %get3A_499 = tpu.vector_load %arg4[%get3A_496, %get3A_497, %get3A_498] {strides = array<i32>} : memref<46x8x128xf32, #tpu.memory_space<vmem>>, vector<16xf32>,
          %max3A_500 = arith.maximumf %max3A_491, %get3A_499 : vector<16xf32>
          %add3A_501 = arith.constant 4 : i32
          %add3A_502 = arith.addi %add3A_465, %add3A_501 : i32
          %mul3A_503 = arith.constant 16 : i32
          %mul3A_504 = arith.muli %select_n3A_440, %mul3A_503 : i32
          %get3A_505 = arith.index_cast %add3A_502 : i32 to index
          %get3A_506 = arith.index_cast %select_n3A_424 : i32 to index
          %get3A_507 = arith.index_cast %mul3A_504 : i32 to index
          %get3A_508 = tpu.vector_load %arg4[%get3A_505, %get3A_506, %get3A_507] {strides = array<i32>} : memref<46x8x128xf32, #tpu.memory_space<vmem>>, vector<16xf32>,
          %max3A_509 = arith.maximumf %max3A_500, %get3A_508 : vector<16xf32>
          %add3A_510 = arith.constant 5 : i32
          %add3A_511 = arith.addi %add3A_465, %add3A_510 : i32
          %mul3A_512 = arith.constant 16 : i32
          %mul3A_513 = arith.muli %select_n3A_440, %mul3A_512 : i32
          %get3A_514 = arith.index_cast %add3A_511 : i32 to index
          %get3A_515 = arith.index_cast %select_n3A_424 : i32 to index
          %get3A_516 = arith.index_cast %mul3A_513 : i32 to index
          %get3A_517 = tpu.vector_load %arg4[%get3A_514, %get3A_515, %get3A_516] {strides = array<i32>} : memref<46x8x128xf32, #tpu.memory_space<vmem>>, vector<16xf32>,
          %max3A_518 = arith.maximumf %max3A_509, %get3A_517 : vector<16xf32>
          %add3A_519 = arith.constant 6 : i32
          %add3A_520 = arith.addi %add3A_465, %add3A_519 : i32
          %mul3A_521 = arith.constant 16 : i32
          %mul3A_522 = arith.muli %select_n3A_440, %mul3A_521 : i32
          %get3A_523 = arith.index_cast %add3A_520 : i32 to index
          %get3A_524 = arith.index_cast %select_n3A_424 : i32 to index
          %get3A_525 = arith.index_cast %mul3A_522 : i32 to index
          %get3A_526 = tpu.vector_load %arg4[%get3A_523, %get3A_524, %get3A_525] {strides = array<i32>} : memref<46x8x128xf32, #tpu.memory_space<vmem>>, vector<16xf32>,
          %max3A_527 = arith.maximumf %max3A_518, %get3A_526 : vector<16xf32>
          %add3A_528 = arith.constant 7 : i32
          %add3A_529 = arith.addi %add3A_465, %add3A_528 : i32
          %mul3A_530 = arith.constant 16 : i32
          %mul3A_531 = arith.muli %select_n3A_440, %mul3A_530 : i32
          %get3A_532 = arith.index_cast %add3A_529 : i32 to index
          %get3A_533 = arith.index_cast %select_n3A_424 : i32 to index
          %get3A_534 = arith.index_cast %mul3A_531 : i32 to index
          %get3A_535 = tpu.vector_load %arg4[%get3A_532, %get3A_533, %get3A_534] {strides = array<i32>} : memref<46x8x128xf32, #tpu.memory_space<vmem>>, vector<16xf32>,
          %max3A_536 = arith.maximumf %max3A_527, %get3A_535 : vector<16xf32>
          %add3A_537 = arith.constant 8 : i32
          %add3A_538 = arith.addi %add3A_465, %add3A_537 : i32
          %mul3A_539 = arith.constant 16 : i32
          %mul3A_540 = arith.muli %select_n3A_440, %mul3A_539 : i32
          %get3A_541 = arith.index_cast %add3A_538 : i32 to index
          %get3A_542 = arith.index_cast %select_n3A_424 : i32 to index
          %get3A_543 = arith.index_cast %mul3A_540 : i32 to index
          %get3A_544 = tpu.vector_load %arg4[%get3A_541, %get3A_542, %get3A_543] {strides = array<i32>} : memref<46x8x128xf32, #tpu.memory_space<vmem>>, vector<16xf32>,
          %max3A_545 = arith.maximumf %max3A_536, %get3A_544 : vector<16xf32>
          scf.yield %max3A_545 : vector<16xf32>
        }
        %scan3A_453 = arith.constant 5 : i32
        %mul3A_454 = arith.constant 16 : i32
        %mul3A_455 = arith.muli %select_n3A_440, %mul3A_454 : i32
        %swap3A_456 = arith.index_cast %select_n3A_424 : i32 to index
        %swap3A_457 = arith.index_cast %mul3A_455 : i32 to index
        %swap3A_458 = tpu.vector_load %arg6[%swap3A_456, %swap3A_457] {strides = array<i32>} : memref<8x128xf32, #tpu.memory_space<vmem>>, vector<16xf32>,
        tpu.vector_store %arg6[%swap3A_456, %swap3A_457], %scan3A_452 {strides = array<i32>} : memref<8x128xf32, #tpu.memory_space<vmem>>, vector<16xf32>,
        %scan3A_459 = arith.constant 0 : i32
        scf.yield %scan3A_459 : i32
      }
      %scan3A_375 = arith.constant 64 : i32
      %mul3A_376 = arith.constant 3 : i32
      %mul3A_377 = arith.muli %select_n3A_30, %mul3A_376 : i32
      %add3A_378 = arith.addi %mul3A_377, %scan3A_342 : i32
      %mul3A_379 = arith.constant 8 : i32
      %mul3A_380 = arith.muli %add3A_378, %mul3A_379 : i32
      %multiple_of3A_381 = tpu.assume_multiple %mul3A_380, 8 : i32
      %dma_wait3A_382 = arith.constant 46 : i32
      %dma_wait3A_383 = tpu.memref_slice %arg2[%dma_wait3A_382, %multiple_of3A_381, %mul3A_32] : memref<92x100x1024xf32, #tpu.memory_space<hbm>> -> memref<46x8x128xf32, #tpu.memory_space<hbm>>
      %dma_wait3A_384 = arith.constant 46 : i32
      %dma_wait3A_385 = tpu.memref_slice %arg2[%dma_wait3A_384, %multiple_of3A_381, %mul3A_32] : memref<92x100x1024xf32, #tpu.memory_space<hbm>> -> memref<46x8x128xf32, #tpu.memory_space<hbm>>
      tpu.wait_dma2 semaphore(%arg13 : memref<!tpu.dma_semaphore, #tpu.memory_space<semaphore_mem>>) src(%dma_wait3A_385 : memref<46x8x128xf32, #tpu.memory_space<hbm>>) dst(%arg5 : memref<46x8x128xf32, #tpu.memory_space<vmem>>)
      %lt3A_386 = arith.constant 2 : i32
      %lt3A_387 = arith.cmpi slt, %scan3A_342, %lt3A_386 : i32
      %convert_element_type3A_388 = arith.extui %lt3A_387 : i1 to i32
      %cond3A_389 = arith.constant 0 : i32
      %cond3A_390 = arith.cmpi ne, %convert_element_type3A_388, %cond3A_389 : i32
      scf.if %cond3A_390 {
        %add3A_399 = arith.constant 1 : i32
        %add3A_400 = arith.addi %scan3A_342, %add3A_399 : i32
        %mul3A_401 = arith.constant 3 : i32
        %mul3A_402 = arith.muli %select_n3A_30, %mul3A_401 : i32
        %add3A_403 = arith.addi %mul3A_402, %add3A_400 : i32
        %mul3A_404 = arith.constant 8 : i32
        %mul3A_405 = arith.muli %add3A_403, %mul3A_404 : i32
        %multiple_of3A_406 = tpu.assume_multiple %mul3A_405, 8 : i32
        %dma_start3A_407 = arith.constant 0 : i32
        %dma_start3A_408 = tpu.memref_slice %arg2[%dma_start3A_407, %multiple_of3A_406, %mul3A_32] : memref<92x100x1024xf32, #tpu.memory_space<hbm>> -> memref<46x8x128xf32, #tpu.memory_space<hbm>>
        %dma_start3A_409 = arith.constant 0 : i32
        %dma_start3A_410 = tpu.memref_slice %arg2[%dma_start3A_409, %multiple_of3A_406, %mul3A_32] : memref<92x100x1024xf32, #tpu.memory_space<hbm>> -> memref<46x8x128xf32, #tpu.memory_space<hbm>>
        tpu.enqueue_dma source(%dma_start3A_410 : memref<46x8x128xf32, #tpu.memory_space<hbm>>) target(%arg4 : memref<46x8x128xf32, #tpu.memory_space<vmem>>) target_semaphore(%arg12 : memref<!tpu.dma_semaphore, #tpu.memory_space<semaphore_mem>>)
      } else {
      }
      %scan3A_391 = arith.constant 0 : i32
      %scan3A_392 = arith.constant 0 : i32
      %scan3A_393 = arith.constant 64 : i32
      %scan3A_394 = arith.addi %scan3A_392, %scan3A_393 : i32
      %scan3A_395 = arith.constant 1 : i32
      %scan3A_396 = scf.for %scan3A_399 = %scan3A_392 to %scan3A_394 step %scan3A_395 iter_args(%scan3A_400 = %scan3A_391) -> (i32)  : i32 {
        %jit3A_401 = arith.constant 8 : i32
        %div3A_402 = arith.divsi %scan3A_399, %jit3A_401 : i32
        %sign3A_403 = arith.constant 0 : i32
        %sign3A_404 = arith.cmpi sgt, %scan3A_399, %sign3A_403 : i32
        %sign3A_405 = arith.extui %sign3A_404 : i1 to i32
        %sign3A_406 = arith.constant 0 : i32
        %sign3A_407 = arith.cmpi slt, %scan3A_399, %sign3A_406 : i32
        %sign3A_408 = arith.extui %sign3A_407 : i1 to i32
        %sign3A_409 = arith.subi %sign3A_405, %sign3A_408 : i32
        %sign3A_410 = arith.constant 0 : i32
        %sign3A_411 = arith.cmpi sgt, %jit3A_401, %sign3A_410 : i32
        %sign3A_412 = arith.extui %sign3A_411 : i1 to i32
        %sign3A_413 = arith.constant 0 : i32
        %sign3A_414 = arith.cmpi slt, %jit3A_401, %sign3A_413 : i32
        %sign3A_415 = arith.extui %sign3A_414 : i1 to i32
        %sign3A_416 = arith.subi %sign3A_412, %sign3A_415 : i32
        %ne3A_417 = arith.cmpi ne, %sign3A_409, %sign3A_416 : i32
        %rem3A_418 = arith.remsi %scan3A_399, %jit3A_401 : i32
        %ne3A_419 = arith.constant 0 : i32
        %ne3A_420 = arith.cmpi ne, %rem3A_418, %ne3A_419 : i32
        %and3A_421 = arith.andi %ne3A_417, %ne3A_420 : i1
        %sub3A_422 = arith.constant 1 : i32
        %sub3A_423 = arith.subi %div3A_402, %sub3A_422 : i32
        %select_n3A_424 = arith.select %and3A_421, %sub3A_423, %div3A_402 : i32
        %jit3A_425 = arith.constant 8 : i32
        %eq3A_426 = arith.constant 0 : i32
        %eq3A_427 = arith.cmpi eq, %jit3A_425, %eq3A_426 : i32
        %jit3A_428 = arith.constant 1 : i32
        %select_n3A_429 = arith.select %eq3A_427, %jit3A_428, %jit3A_425 : i32
        %rem3A_430 = arith.remsi %scan3A_399, %select_n3A_429 : i32
        %ne3A_431 = arith.constant 0 : i32
        %ne3A_432 = arith.cmpi ne, %rem3A_430, %ne3A_431 : i32
        %lt3A_433 = arith.constant 0 : i32
        %lt3A_434 = arith.cmpi slt, %rem3A_430, %lt3A_433 : i32
        %lt3A_435 = arith.constant 0 : i32
        %lt3A_436 = arith.cmpi slt, %select_n3A_429, %lt3A_435 : i32
        %ne3A_437 = arith.xori %lt3A_434, %lt3A_436 : i1
        %and3A_438 = arith.andi %ne3A_437, %ne3A_432 : i1
        %add3A_439 = arith.addi %rem3A_430, %select_n3A_429 : i32
        %select_n3A_440 = arith.select %and3A_438, %add3A_439, %rem3A_430 : i32
        %mul3A_441 = arith.constant 16 : i32
        %mul3A_442 = arith.muli %select_n3A_440, %mul3A_441 : i32
        %get3A_443 = arith.index_cast %select_n3A_424 : i32 to index
        %get3A_444 = arith.index_cast %mul3A_442 : i32 to index
        %get3A_445 = tpu.vector_load %arg6[%get3A_443, %get3A_444] {strides = array<i32>} : memref<8x128xf32, #tpu.memory_space<vmem>>, vector<16xf32>,
        %scan3A_446 = arith.constant 0 : i32
        %scan3A_447 = arith.constant 5 : i32
        %scan3A_448 = arith.addi %scan3A_446, %scan3A_447 : i32
        %scan3A_449 = arith.constant 1 : i32
        %scan3A_450 = scf.for %scan3A_479 = %scan3A_446 to %scan3A_448 step %scan3A_449 iter_args(%scan3A_480 = %get3A_445) -> (vector<16xf32>)  : i32 {
          %mul3A_481 = arith.constant 9 : i32
          %mul3A_482 = arith.muli %scan3A_479, %mul3A_481 : i32
          %add3A_483 = arith.constant 0 : i32
          %add3A_484 = arith.addi %mul3A_482, %add3A_483 : i32
          %mul3A_485 = arith.constant 16 : i32
          %mul3A_486 = arith.muli %select_n3A_440, %mul3A_485 : i32
          %get3A_487 = arith.index_cast %add3A_484 : i32 to index
          %get3A_488 = arith.index_cast %select_n3A_424 : i32 to index
          %get3A_489 = arith.index_cast %mul3A_486 : i32 to index
          %get3A_490 = tpu.vector_load %arg5[%get3A_487, %get3A_488, %get3A_489] {strides = array<i32>} : memref<46x8x128xf32, #tpu.memory_space<vmem>>, vector<16xf32>,
          %max3A = arith.maximumf %scan3A_480, %get3A_490 : vector<16xf32>
          %add3A_491 = arith.constant 1 : i32
          %add3A_492 = arith.addi %mul3A_482, %add3A_491 : i32
          %mul3A_493 = arith.constant 16 : i32
          %mul3A_494 = arith.muli %select_n3A_440, %mul3A_493 : i32
          %get3A_495 = arith.index_cast %add3A_492 : i32 to index
          %get3A_496 = arith.index_cast %select_n3A_424 : i32 to index
          %get3A_497 = arith.index_cast %mul3A_494 : i32 to index
          %get3A_498 = tpu.vector_load %arg5[%get3A_495, %get3A_496, %get3A_497] {strides = array<i32>} : memref<46x8x128xf32, #tpu.memory_space<vmem>>, vector<16xf32>,
          %max3A_499 = arith.maximumf %max3A, %get3A_498 : vector<16xf32>
          %add3A_500 = arith.constant 2 : i32
          %add3A_501 = arith.addi %mul3A_482, %add3A_500 : i32
          %mul3A_502 = arith.constant 16 : i32
          %mul3A_503 = arith.muli %select_n3A_440, %mul3A_502 : i32
          %get3A_504 = arith.index_cast %add3A_501 : i32 to index
          %get3A_505 = arith.index_cast %select_n3A_424 : i32 to index
          %get3A_506 = arith.index_cast %mul3A_503 : i32 to index
          %get3A_507 = tpu.vector_load %arg5[%get3A_504, %get3A_505, %get3A_506] {strides = array<i32>} : memref<46x8x128xf32, #tpu.memory_space<vmem>>, vector<16xf32>,
          %max3A_508 = arith.maximumf %max3A_499, %get3A_507 : vector<16xf32>
          %add3A_509 = arith.constant 3 : i32
          %add3A_510 = arith.addi %mul3A_482, %add3A_509 : i32
          %mul3A_511 = arith.constant 16 : i32
          %mul3A_512 = arith.muli %select_n3A_440, %mul3A_511 : i32
          %get3A_513 = arith.index_cast %add3A_510 : i32 to index
          %get3A_514 = arith.index_cast %select_n3A_424 : i32 to index
          %get3A_515 = arith.index_cast %mul3A_512 : i32 to index
          %get3A_516 = tpu.vector_load %arg5[%get3A_513, %get3A_514, %get3A_515] {strides = array<i32>} : memref<46x8x128xf32, #tpu.memory_space<vmem>>, vector<16xf32>,
          %max3A_517 = arith.maximumf %max3A_508, %get3A_516 : vector<16xf32>
          %add3A_518 = arith.constant 4 : i32
          %add3A_519 = arith.addi %mul3A_482, %add3A_518 : i32
          %mul3A_520 = arith.constant 16 : i32
          %mul3A_521 = arith.muli %select_n3A_440, %mul3A_520 : i32
          %get3A_522 = arith.index_cast %add3A_519 : i32 to index
          %get3A_523 = arith.index_cast %select_n3A_424 : i32 to index
          %get3A_524 = arith.index_cast %mul3A_521 : i32 to index
          %get3A_525 = tpu.vector_load %arg5[%get3A_522, %get3A_523, %get3A_524] {strides = array<i32>} : memref<46x8x128xf32, #tpu.memory_space<vmem>>, vector<16xf32>,
          %max3A_526 = arith.maximumf %max3A_517, %get3A_525 : vector<16xf32>
          %add3A_527 = arith.constant 5 : i32
          %add3A_528 = arith.addi %mul3A_482, %add3A_527 : i32
          %mul3A_529 = arith.constant 16 : i32
          %mul3A_530 = arith.muli %select_n3A_440, %mul3A_529 : i32
          %get3A_531 = arith.index_cast %add3A_528 : i32 to index
          %get3A_532 = arith.index_cast %select_n3A_424 : i32 to index
          %get3A_533 = arith.index_cast %mul3A_530 : i32 to index
          %get3A_534 = tpu.vector_load %arg5[%get3A_531, %get3A_532, %get3A_533] {strides = array<i32>} : memref<46x8x128xf32, #tpu.memory_space<vmem>>, vector<16xf32>,
          %max3A_535 = arith.maximumf %max3A_526, %get3A_534 : vector<16xf32>
          %add3A_536 = arith.constant 6 : i32
          %add3A_537 = arith.addi %mul3A_482, %add3A_536 : i32
          %mul3A_538 = arith.constant 16 : i32
          %mul3A_539 = arith.muli %select_n3A_440, %mul3A_538 : i32
          %get3A_540 = arith.index_cast %add3A_537 : i32 to index
          %get3A_541 = arith.index_cast %select_n3A_424 : i32 to index
          %get3A_542 = arith.index_cast %mul3A_539 : i32 to index
          %get3A_543 = tpu.vector_load %arg5[%get3A_540, %get3A_541, %get3A_542] {strides = array<i32>} : memref<46x8x128xf32, #tpu.memory_space<vmem>>, vector<16xf32>,
          %max3A_544 = arith.maximumf %max3A_535, %get3A_543 : vector<16xf32>
          %add3A_545 = arith.constant 7 : i32
          %add3A_546 = arith.addi %mul3A_482, %add3A_545 : i32
          %mul3A_547 = arith.constant 16 : i32
          %mul3A_548 = arith.muli %select_n3A_440, %mul3A_547 : i32
          %get3A_549 = arith.index_cast %add3A_546 : i32 to index
          %get3A_550 = arith.index_cast %select_n3A_424 : i32 to index
          %get3A_551 = arith.index_cast %mul3A_548 : i32 to index
          %get3A_552 = tpu.vector_load %arg5[%get3A_549, %get3A_550, %get3A_551] {strides = array<i32>} : memref<46x8x128xf32, #tpu.memory_space<vmem>>, vector<16xf32>,
          %max3A_553 = arith.maximumf %max3A_544, %get3A_552 : vector<16xf32>
          %add3A_554 = arith.constant 8 : i32
          %add3A_555 = arith.addi %mul3A_482, %add3A_554 : i32
          %mul3A_556 = arith.constant 16 : i32
          %mul3A_557 = arith.muli %select_n3A_440, %mul3A_556 : i32
          %get3A_558 = arith.index_cast %add3A_555 : i32 to index
          %get3A_559 = arith.index_cast %select_n3A_424 : i32 to index
          %get3A_560 = arith.index_cast %mul3A_557 : i32 to index
          %get3A_561 = tpu.vector_load %arg5[%get3A_558, %get3A_559, %get3A_560] {strides = array<i32>} : memref<46x8x128xf32, #tpu.memory_space<vmem>>, vector<16xf32>,
          %max3A_562 = arith.maximumf %max3A_553, %get3A_561 : vector<16xf32>
          scf.yield %max3A_562 : vector<16xf32>
        }
        %scan3A_451 = arith.constant 5 : i32
        %mul3A_452 = arith.constant 16 : i32
        %mul3A_453 = arith.muli %select_n3A_440, %mul3A_452 : i32
        %get3A_454 = arith.constant 45 : i32
        %get3A_455 = arith.index_cast %get3A_454 : i32 to index
        %get3A_456 = arith.index_cast %select_n3A_424 : i32 to index
        %get3A_457 = arith.index_cast %mul3A_453 : i32 to index
        %get3A_458 = tpu.vector_load %arg5[%get3A_455, %get3A_456, %get3A_457] {strides = array<i32>} : memref<46x8x128xf32, #tpu.memory_space<vmem>>, vector<16xf32>,
        %ge3A = arith.cmpf oge, %scan3A_450, %get3A_458 : vector<16xf32>
        %jit3A_459 = arith.constant 1.000000e+00 : f32
        %jit3A_460 = arith.constant 0.000000e+00 : f32
        %broadcast_in_dim3A_461 = vector.broadcast %jit3A_459 : f32 to vector<16xf32>
        %broadcast_in_dim3A_462 = vector.broadcast %jit3A_460 : f32 to vector<16xf32>
        %select_n3A_463 = arith.select %ge3A, %broadcast_in_dim3A_461, %broadcast_in_dim3A_462 : vector<16xi1>, vector<16xf32>
        %mul3A_464 = arith.constant 16 : i32
        %mul3A_465 = arith.muli %select_n3A_440, %mul3A_464 : i32
        %swap3A_466 = arith.index_cast %select_n3A_424 : i32 to index
        %swap3A_467 = arith.index_cast %mul3A_465 : i32 to index
        %swap3A_468 = tpu.vector_load %arg7[%swap3A_466, %swap3A_467] {strides = array<i32>} : memref<8x128xf32, #tpu.memory_space<vmem>>, vector<16xf32>,
        tpu.vector_store %arg7[%swap3A_466, %swap3A_467], %select_n3A_463 {strides = array<i32>} : memref<8x128xf32, #tpu.memory_space<vmem>>, vector<16xf32>,
        %mul3A_469 = arith.constant 16 : i32
        %mul3A_470 = arith.muli %select_n3A_440, %mul3A_469 : i32
        %get3A_471 = arith.index_cast %mul3A_470 : i32 to index
        %get3A_472 = tpu.vector_load %arg8[%get3A_471] {strides = array<i32>} : memref<128xf32, #tpu.memory_space<vmem>>, vector<16xf32>,
        %add3A_473 = arith.addf %get3A_472, %select_n3A_463 : vector<16xf32>
        %mul3A_474 = arith.constant 16 : i32
        %mul3A_475 = arith.muli %select_n3A_440, %mul3A_474 : i32
        %swap3A_476 = arith.index_cast %mul3A_475 : i32 to index
        %swap3A_477 = tpu.vector_load %arg8[%swap3A_476] {strides = array<i32>} : memref<128xf32, #tpu.memory_space<vmem>>, vector<16xf32>,
        tpu.vector_store %arg8[%swap3A_476], %add3A_473 {strides = array<i32>} : memref<128xf32, #tpu.memory_space<vmem>>, vector<16xf32>,
        %scan3A_478 = arith.constant 0 : i32
        scf.yield %scan3A_478 : i32
      }
      %scan3A_397 = arith.constant 64 : i32
      "tpu.region"() ({
        %run_scoped3A = tpu.sem_alloc : memref<!tpu.dma_semaphore, #tpu.memory_space<semaphore_mem>>
        %dma_start3A_399 = tpu.memref_slice %arg3[%multiple_of3A_349, %mul3A_32] : memref<100x1024xf32, #tpu.memory_space<hbm>> -> memref<8x128xf32, #tpu.memory_space<hbm>>
        %dma_start3A_400 = tpu.memref_slice %arg3[%multiple_of3A_349, %mul3A_32] : memref<100x1024xf32, #tpu.memory_space<hbm>> -> memref<8x128xf32, #tpu.memory_space<hbm>>
        tpu.enqueue_dma source(%arg7 : memref<8x128xf32, #tpu.memory_space<vmem>>) target(%dma_start3A_400 : memref<8x128xf32, #tpu.memory_space<hbm>>) target_semaphore(%run_scoped3A : memref<!tpu.dma_semaphore, #tpu.memory_space<semaphore_mem>>)
        %dma_wait3A_401 = tpu.memref_slice %arg3[%multiple_of3A_349, %mul3A_32] : memref<100x1024xf32, #tpu.memory_space<hbm>> -> memref<8x128xf32, #tpu.memory_space<hbm>>
        %dma_wait3A_402 = tpu.memref_slice %arg3[%multiple_of3A_349, %mul3A_32] : memref<100x1024xf32, #tpu.memory_space<hbm>> -> memref<8x128xf32, #tpu.memory_space<hbm>>
        tpu.wait_dma2 semaphore(%run_scoped3A : memref<!tpu.dma_semaphore, #tpu.memory_space<semaphore_mem>>) src(%arg7 : memref<8x128xf32, #tpu.memory_space<vmem>>) dst(%dma_wait3A_402 : memref<8x128xf32, #tpu.memory_space<hbm>>)
        tpu.yield
      }) : () -> ()
      %scan3A_398 = arith.constant 0 : i32
      scf.yield %scan3A_398 : i32
    }
    %scan3A_77 = arith.constant 3 : i32
    %eq3A_78 = arith.constant 3 : i32
    %eq3A_79 = arith.cmpi eq, %select_n3A_30, %eq3A_78 : i32
    %convert_element_type3A = arith.extui %eq3A_79 : i1 to i32
    %cond3A = arith.constant 0 : i32
    %cond3A_80 = arith.cmpi ne, %convert_element_type3A, %cond3A : i32
    scf.if %cond3A_80 {
      "tpu.region"() ({
        %run_scoped3A = tpu.sem_alloc : memref<!tpu.dma_semaphore, #tpu.memory_space<semaphore_mem>>
        %dma_start3A_349 = arith.constant 0 : i32
        %dma_start3A_350 = arith.constant 0 : i32
        %dma_start3A_351 = arith.constant 0 : i32
        %dma_start3A_352 = tpu.memref_slice %arg4[%dma_start3A_349, %dma_start3A_350, %dma_start3A_351] : memref<46x8x128xf32, #tpu.memory_space<vmem>> -> memref<46x4x128xf32, #tpu.memory_space<vmem>>
        %dma_start3A_353 = arith.constant 0 : i32
        %dma_start3A_354 = arith.constant 96 : i32
        %dma_start3A_355 = tpu.memref_slice %arg2[%dma_start3A_353, %dma_start3A_354, %mul3A_32] : memref<92x100x1024xf32, #tpu.memory_space<hbm>> -> memref<46x4x128xf32, #tpu.memory_space<hbm>>
        %dma_start3A_356 = arith.constant 0 : i32
        %dma_start3A_357 = arith.constant 0 : i32
        %dma_start3A_358 = arith.constant 0 : i32
        %dma_start3A_359 = tpu.memref_slice %arg4[%dma_start3A_356, %dma_start3A_357, %dma_start3A_358] : memref<46x8x128xf32, #tpu.memory_space<vmem>> -> memref<46x4x128xf32, #tpu.memory_space<vmem>>
        %dma_start3A_360 = arith.constant 0 : i32
        %dma_start3A_361 = arith.constant 96 : i32
        %dma_start3A_362 = tpu.memref_slice %arg2[%dma_start3A_360, %dma_start3A_361, %mul3A_32] : memref<92x100x1024xf32, #tpu.memory_space<hbm>> -> memref<46x4x128xf32, #tpu.memory_space<hbm>>
        tpu.enqueue_dma source(%dma_start3A_362 : memref<46x4x128xf32, #tpu.memory_space<hbm>>) target(%dma_start3A_359 : memref<46x4x128xf32, #tpu.memory_space<vmem>>) target_semaphore(%run_scoped3A : memref<!tpu.dma_semaphore, #tpu.memory_space<semaphore_mem>>)
        %dma_wait3A = arith.constant 0 : i32
        %dma_wait3A_363 = arith.constant 0 : i32
        %dma_wait3A_364 = arith.constant 0 : i32
        %dma_wait3A_365 = tpu.memref_slice %arg4[%dma_wait3A, %dma_wait3A_363, %dma_wait3A_364] : memref<46x8x128xf32, #tpu.memory_space<vmem>> -> memref<46x4x128xf32, #tpu.memory_space<vmem>>
        %dma_wait3A_366 = arith.constant 0 : i32
        %dma_wait3A_367 = arith.constant 96 : i32
        %dma_wait3A_368 = tpu.memref_slice %arg2[%dma_wait3A_366, %dma_wait3A_367, %mul3A_32] : memref<92x100x1024xf32, #tpu.memory_space<hbm>> -> memref<46x4x128xf32, #tpu.memory_space<hbm>>
        %dma_wait3A_369 = arith.constant 0 : i32
        %dma_wait3A_370 = arith.constant 0 : i32
        %dma_wait3A_371 = arith.constant 0 : i32
        %dma_wait3A_372 = tpu.memref_slice %arg4[%dma_wait3A_369, %dma_wait3A_370, %dma_wait3A_371] : memref<46x8x128xf32, #tpu.memory_space<vmem>> -> memref<46x4x128xf32, #tpu.memory_space<vmem>>
        %dma_wait3A_373 = arith.constant 0 : i32
        %dma_wait3A_374 = arith.constant 96 : i32
        %dma_wait3A_375 = tpu.memref_slice %arg2[%dma_wait3A_373, %dma_wait3A_374, %mul3A_32] : memref<92x100x1024xf32, #tpu.memory_space<hbm>> -> memref<46x4x128xf32, #tpu.memory_space<hbm>>
        tpu.wait_dma2 semaphore(%run_scoped3A : memref<!tpu.dma_semaphore, #tpu.memory_space<semaphore_mem>>) src(%dma_wait3A_375 : memref<46x4x128xf32, #tpu.memory_space<hbm>>) dst(%dma_wait3A_372 : memref<46x4x128xf32, #tpu.memory_space<vmem>>)
        tpu.yield
      }) : () -> ()
      "tpu.region"() ({
        %run_scoped3A = tpu.sem_alloc : memref<!tpu.dma_semaphore, #tpu.memory_space<semaphore_mem>>
        %dma_start3A_349 = arith.constant 0 : i32
        %dma_start3A_350 = arith.constant 0 : i32
        %dma_start3A_351 = arith.constant 0 : i32
        %dma_start3A_352 = tpu.memref_slice %arg5[%dma_start3A_349, %dma_start3A_350, %dma_start3A_351] : memref<46x8x128xf32, #tpu.memory_space<vmem>> -> memref<46x4x128xf32, #tpu.memory_space<vmem>>
        %dma_start3A_353 = arith.constant 46 : i32
        %dma_start3A_354 = arith.constant 96 : i32
        %dma_start3A_355 = tpu.memref_slice %arg2[%dma_start3A_353, %dma_start3A_354, %mul3A_32] : memref<92x100x1024xf32, #tpu.memory_space<hbm>> -> memref<46x4x128xf32, #tpu.memory_space<hbm>>
        %dma_start3A_356 = arith.constant 0 : i32
        %dma_start3A_357 = arith.constant 0 : i32
        %dma_start3A_358 = arith.constant 0 : i32
        %dma_start3A_359 = tpu.memref_slice %arg5[%dma_start3A_356, %dma_start3A_357, %dma_start3A_358] : memref<46x8x128xf32, #tpu.memory_space<vmem>> -> memref<46x4x128xf32, #tpu.memory_space<vmem>>
        %dma_start3A_360 = arith.constant 46 : i32
        %dma_start3A_361 = arith.constant 96 : i32
        %dma_start3A_362 = tpu.memref_slice %arg2[%dma_start3A_360, %dma_start3A_361, %mul3A_32] : memref<92x100x1024xf32, #tpu.memory_space<hbm>> -> memref<46x4x128xf32, #tpu.memory_space<hbm>>
        tpu.enqueue_dma source(%dma_start3A_362 : memref<46x4x128xf32, #tpu.memory_space<hbm>>) target(%dma_start3A_359 : memref<46x4x128xf32, #tpu.memory_space<vmem>>) target_semaphore(%run_scoped3A : memref<!tpu.dma_semaphore, #tpu.memory_space<semaphore_mem>>)
        %dma_wait3A = arith.constant 0 : i32
        %dma_wait3A_363 = arith.constant 0 : i32
        %dma_wait3A_364 = arith.constant 0 : i32
        %dma_wait3A_365 = tpu.memref_slice %arg5[%dma_wait3A, %dma_wait3A_363, %dma_wait3A_364] : memref<46x8x128xf32, #tpu.memory_space<vmem>> -> memref<46x4x128xf32, #tpu.memory_space<vmem>>
        %dma_wait3A_366 = arith.constant 46 : i32
        %dma_wait3A_367 = arith.constant 96 : i32
        %dma_wait3A_368 = tpu.memref_slice %arg2[%dma_wait3A_366, %dma_wait3A_367, %mul3A_32] : memref<92x100x1024xf32, #tpu.memory_space<hbm>> -> memref<46x4x128xf32, #tpu.memory_space<hbm>>
        %dma_wait3A_369 = arith.constant 0 : i32
        %dma_wait3A_370 = arith.constant 0 : i32
        %dma_wait3A_371 = arith.constant 0 : i32
        %dma_wait3A_372 = tpu.memref_slice %arg5[%dma_wait3A_369, %dma_wait3A_370, %dma_wait3A_371] : memref<46x8x128xf32, #tpu.memory_space<vmem>> -> memref<46x4x128xf32, #tpu.memory_space<vmem>>
        %dma_wait3A_373 = arith.constant 46 : i32
        %dma_wait3A_374 = arith.constant 96 : i32
        %dma_wait3A_375 = tpu.memref_slice %arg2[%dma_wait3A_373, %dma_wait3A_374, %mul3A_32] : memref<92x100x1024xf32, #tpu.memory_space<hbm>> -> memref<46x4x128xf32, #tpu.memory_space<hbm>>
        tpu.wait_dma2 semaphore(%run_scoped3A : memref<!tpu.dma_semaphore, #tpu.memory_space<semaphore_mem>>) src(%dma_wait3A_375 : memref<46x4x128xf32, #tpu.memory_space<hbm>>) dst(%dma_wait3A_372 : memref<46x4x128xf32, #tpu.memory_space<vmem>>)
        tpu.yield
      }) : () -> ()
      %scan3A_342 = arith.constant 0 : i32
      %scan3A_343 = arith.constant 0 : i32
      %scan3A_344 = arith.constant 32 : i32
      %scan3A_345 = arith.addi %scan3A_343, %scan3A_344 : i32
      %scan3A_346 = arith.constant 1 : i32
      %scan3A_347 = scf.for %scan3A_349 = %scan3A_343 to %scan3A_345 step %scan3A_346 iter_args(%scan3A_350 = %scan3A_342) -> (i32)  : i32 {
        %jit3A_351 = arith.constant 8 : i32
        %div3A_352 = arith.divsi %scan3A_349, %jit3A_351 : i32
        %sign3A_353 = arith.constant 0 : i32
        %sign3A_354 = arith.cmpi sgt, %scan3A_349, %sign3A_353 : i32
        %sign3A_355 = arith.extui %sign3A_354 : i1 to i32
        %sign3A_356 = arith.constant 0 : i32
        %sign3A_357 = arith.cmpi slt, %scan3A_349, %sign3A_356 : i32
        %sign3A_358 = arith.extui %sign3A_357 : i1 to i32
        %sign3A_359 = arith.subi %sign3A_355, %sign3A_358 : i32
        %sign3A_360 = arith.constant 0 : i32
        %sign3A_361 = arith.cmpi sgt, %jit3A_351, %sign3A_360 : i32
        %sign3A_362 = arith.extui %sign3A_361 : i1 to i32
        %sign3A_363 = arith.constant 0 : i32
        %sign3A_364 = arith.cmpi slt, %jit3A_351, %sign3A_363 : i32
        %sign3A_365 = arith.extui %sign3A_364 : i1 to i32
        %sign3A_366 = arith.subi %sign3A_362, %sign3A_365 : i32
        %ne3A_367 = arith.cmpi ne, %sign3A_359, %sign3A_366 : i32
        %rem3A_368 = arith.remsi %scan3A_349, %jit3A_351 : i32
        %ne3A_369 = arith.constant 0 : i32
        %ne3A_370 = arith.cmpi ne, %rem3A_368, %ne3A_369 : i32
        %and3A_371 = arith.andi %ne3A_367, %ne3A_370 : i1
        %sub3A_372 = arith.constant 1 : i32
        %sub3A_373 = arith.subi %div3A_352, %sub3A_372 : i32
        %select_n3A_374 = arith.select %and3A_371, %sub3A_373, %div3A_352 : i32
        %jit3A_375 = arith.constant 8 : i32
        %eq3A_376 = arith.constant 0 : i32
        %eq3A_377 = arith.cmpi eq, %jit3A_375, %eq3A_376 : i32
        %jit3A_378 = arith.constant 1 : i32
        %select_n3A_379 = arith.select %eq3A_377, %jit3A_378, %jit3A_375 : i32
        %rem3A_380 = arith.remsi %scan3A_349, %select_n3A_379 : i32
        %ne3A_381 = arith.constant 0 : i32
        %ne3A_382 = arith.cmpi ne, %rem3A_380, %ne3A_381 : i32
        %lt3A_383 = arith.constant 0 : i32
        %lt3A_384 = arith.cmpi slt, %rem3A_380, %lt3A_383 : i32
        %lt3A_385 = arith.constant 0 : i32
        %lt3A_386 = arith.cmpi slt, %select_n3A_379, %lt3A_385 : i32
        %ne3A_387 = arith.xori %lt3A_384, %lt3A_386 : i1
        %and3A_388 = arith.andi %ne3A_387, %ne3A_382 : i1
        %add3A_389 = arith.addi %rem3A_380, %select_n3A_379 : i32
        %select_n3A_390 = arith.select %and3A_388, %add3A_389, %rem3A_380 : i32
        %mul3A_391 = arith.constant 16 : i32
        %mul3A_392 = arith.muli %select_n3A_390, %mul3A_391 : i32
        %get3A_393 = arith.constant 0 : i32
        %get3A_394 = arith.index_cast %get3A_393 : i32 to index
        %get3A_395 = arith.index_cast %select_n3A_374 : i32 to index
        %get3A_396 = arith.index_cast %mul3A_392 : i32 to index
        %get3A_397 = tpu.vector_load %arg4[%get3A_394, %get3A_395, %get3A_396] {strides = array<i32>} : memref<46x8x128xf32, #tpu.memory_space<vmem>>, vector<16xf32>,
        %scan3A_398 = arith.constant 0 : i32
        %scan3A_399 = arith.constant 5 : i32
        %scan3A_400 = arith.addi %scan3A_398, %scan3A_399 : i32
        %scan3A_401 = arith.constant 1 : i32
        %scan3A_402 = scf.for %scan3A_437 = %scan3A_398 to %scan3A_400 step %scan3A_401 iter_args(%scan3A_438 = %get3A_397) -> (vector<16xf32>)  : i32 {
          %mul3A_439 = arith.constant 9 : i32
          %mul3A_440 = arith.muli %scan3A_437, %mul3A_439 : i32
          %add3A_441 = arith.constant 1 : i32
          %add3A_442 = arith.addi %add3A_441, %mul3A_440 : i32
          %add3A_443 = arith.constant 0 : i32
          %add3A_444 = arith.addi %add3A_442, %add3A_443 : i32
          %mul3A_445 = arith.constant 16 : i32
          %mul3A_446 = arith.muli %select_n3A_390, %mul3A_445 : i32
          %get3A_447 = arith.index_cast %add3A_444 : i32 to index
          %get3A_448 = arith.index_cast %select_n3A_374 : i32 to index
          %get3A_449 = arith.index_cast %mul3A_446 : i32 to index
          %get3A_450 = tpu.vector_load %arg4[%get3A_447, %get3A_448, %get3A_449] {strides = array<i32>} : memref<46x8x128xf32, #tpu.memory_space<vmem>>, vector<16xf32>,
          %max3A = arith.maximumf %scan3A_438, %get3A_450 : vector<16xf32>
          %add3A_451 = arith.constant 1 : i32
          %add3A_452 = arith.addi %add3A_442, %add3A_451 : i32
          %mul3A_453 = arith.constant 16 : i32
          %mul3A_454 = arith.muli %select_n3A_390, %mul3A_453 : i32
          %get3A_455 = arith.index_cast %add3A_452 : i32 to index
          %get3A_456 = arith.index_cast %select_n3A_374 : i32 to index
          %get3A_457 = arith.index_cast %mul3A_454 : i32 to index
          %get3A_458 = tpu.vector_load %arg4[%get3A_455, %get3A_456, %get3A_457] {strides = array<i32>} : memref<46x8x128xf32, #tpu.memory_space<vmem>>, vector<16xf32>,
          %max3A_459 = arith.maximumf %max3A, %get3A_458 : vector<16xf32>
          %add3A_460 = arith.constant 2 : i32
          %add3A_461 = arith.addi %add3A_442, %add3A_460 : i32
          %mul3A_462 = arith.constant 16 : i32
          %mul3A_463 = arith.muli %select_n3A_390, %mul3A_462 : i32
          %get3A_464 = arith.index_cast %add3A_461 : i32 to index
          %get3A_465 = arith.index_cast %select_n3A_374 : i32 to index
          %get3A_466 = arith.index_cast %mul3A_463 : i32 to index
          %get3A_467 = tpu.vector_load %arg4[%get3A_464, %get3A_465, %get3A_466] {strides = array<i32>} : memref<46x8x128xf32, #tpu.memory_space<vmem>>, vector<16xf32>,
          %max3A_468 = arith.maximumf %max3A_459, %get3A_467 : vector<16xf32>
          %add3A_469 = arith.constant 3 : i32
          %add3A_470 = arith.addi %add3A_442, %add3A_469 : i32
          %mul3A_471 = arith.constant 16 : i32
          %mul3A_472 = arith.muli %select_n3A_390, %mul3A_471 : i32
          %get3A_473 = arith.index_cast %add3A_470 : i32 to index
          %get3A_474 = arith.index_cast %select_n3A_374 : i32 to index
          %get3A_475 = arith.index_cast %mul3A_472 : i32 to index
          %get3A_476 = tpu.vector_load %arg4[%get3A_473, %get3A_474, %get3A_475] {strides = array<i32>} : memref<46x8x128xf32, #tpu.memory_space<vmem>>, vector<16xf32>,
          %max3A_477 = arith.maximumf %max3A_468, %get3A_476 : vector<16xf32>
          %add3A_478 = arith.constant 4 : i32
          %add3A_479 = arith.addi %add3A_442, %add3A_478 : i32
          %mul3A_480 = arith.constant 16 : i32
          %mul3A_481 = arith.muli %select_n3A_390, %mul3A_480 : i32
          %get3A_482 = arith.index_cast %add3A_479 : i32 to index
          %get3A_483 = arith.index_cast %select_n3A_374 : i32 to index
          %get3A_484 = arith.index_cast %mul3A_481 : i32 to index
          %get3A_485 = tpu.vector_load %arg4[%get3A_482, %get3A_483, %get3A_484] {strides = array<i32>} : memref<46x8x128xf32, #tpu.memory_space<vmem>>, vector<16xf32>,
          %max3A_486 = arith.maximumf %max3A_477, %get3A_485 : vector<16xf32>
          %add3A_487 = arith.constant 5 : i32
          %add3A_488 = arith.addi %add3A_442, %add3A_487 : i32
          %mul3A_489 = arith.constant 16 : i32
          %mul3A_490 = arith.muli %select_n3A_390, %mul3A_489 : i32
          %get3A_491 = arith.index_cast %add3A_488 : i32 to index
          %get3A_492 = arith.index_cast %select_n3A_374 : i32 to index
          %get3A_493 = arith.index_cast %mul3A_490 : i32 to index
          %get3A_494 = tpu.vector_load %arg4[%get3A_491, %get3A_492, %get3A_493] {strides = array<i32>} : memref<46x8x128xf32, #tpu.memory_space<vmem>>, vector<16xf32>,
          %max3A_495 = arith.maximumf %max3A_486, %get3A_494 : vector<16xf32>
          %add3A_496 = arith.constant 6 : i32
          %add3A_497 = arith.addi %add3A_442, %add3A_496 : i32
          %mul3A_498 = arith.constant 16 : i32
          %mul3A_499 = arith.muli %select_n3A_390, %mul3A_498 : i32
          %get3A_500 = arith.index_cast %add3A_497 : i32 to index
          %get3A_501 = arith.index_cast %select_n3A_374 : i32 to index
          %get3A_502 = arith.index_cast %mul3A_499 : i32 to index
          %get3A_503 = tpu.vector_load %arg4[%get3A_500, %get3A_501, %get3A_502] {strides = array<i32>} : memref<46x8x128xf32, #tpu.memory_space<vmem>>, vector<16xf32>,
          %max3A_504 = arith.maximumf %max3A_495, %get3A_503 : vector<16xf32>
          %add3A_505 = arith.constant 7 : i32
          %add3A_506 = arith.addi %add3A_442, %add3A_505 : i32
          %mul3A_507 = arith.constant 16 : i32
          %mul3A_508 = arith.muli %select_n3A_390, %mul3A_507 : i32
          %get3A_509 = arith.index_cast %add3A_506 : i32 to index
          %get3A_510 = arith.index_cast %select_n3A_374 : i32 to index
          %get3A_511 = arith.index_cast %mul3A_508 : i32 to index
          %get3A_512 = tpu.vector_load %arg4[%get3A_509, %get3A_510, %get3A_511] {strides = array<i32>} : memref<46x8x128xf32, #tpu.memory_space<vmem>>, vector<16xf32>,
          %max3A_513 = arith.maximumf %max3A_504, %get3A_512 : vector<16xf32>
          %add3A_514 = arith.constant 8 : i32
          %add3A_515 = arith.addi %add3A_442, %add3A_514 : i32
          %mul3A_516 = arith.constant 16 : i32
          %mul3A_517 = arith.muli %select_n3A_390, %mul3A_516 : i32
          %get3A_518 = arith.index_cast %add3A_515 : i32 to index
          %get3A_519 = arith.index_cast %select_n3A_374 : i32 to index
          %get3A_520 = arith.index_cast %mul3A_517 : i32 to index
          %get3A_521 = tpu.vector_load %arg4[%get3A_518, %get3A_519, %get3A_520] {strides = array<i32>} : memref<46x8x128xf32, #tpu.memory_space<vmem>>, vector<16xf32>,
          %max3A_522 = arith.maximumf %max3A_513, %get3A_521 : vector<16xf32>
          scf.yield %max3A_522 : vector<16xf32>
        }
        %scan3A_403 = arith.constant 5 : i32
        %scan3A_404 = arith.constant 0 : i32
        %scan3A_405 = arith.constant 5 : i32
        %scan3A_406 = arith.addi %scan3A_404, %scan3A_405 : i32
        %scan3A_407 = arith.constant 1 : i32
        %scan3A_408 = scf.for %scan3A_437 = %scan3A_404 to %scan3A_406 step %scan3A_407 iter_args(%scan3A_438 = %scan3A_402) -> (vector<16xf32>)  : i32 {
          %mul3A_439 = arith.constant 9 : i32
          %mul3A_440 = arith.muli %scan3A_437, %mul3A_439 : i32
          %add3A_441 = arith.constant 0 : i32
          %add3A_442 = arith.addi %mul3A_440, %add3A_441 : i32
          %mul3A_443 = arith.constant 16 : i32
          %mul3A_444 = arith.muli %select_n3A_390, %mul3A_443 : i32
          %get3A_445 = arith.index_cast %add3A_442 : i32 to index
          %get3A_446 = arith.index_cast %select_n3A_374 : i32 to index
          %get3A_447 = arith.index_cast %mul3A_444 : i32 to index
          %get3A_448 = tpu.vector_load %arg5[%get3A_445, %get3A_446, %get3A_447] {strides = array<i32>} : memref<46x8x128xf32, #tpu.memory_space<vmem>>, vector<16xf32>,
          %max3A = arith.maximumf %scan3A_438, %get3A_448 : vector<16xf32>
          %add3A_449 = arith.constant 1 : i32
          %add3A_450 = arith.addi %mul3A_440, %add3A_449 : i32
          %mul3A_451 = arith.constant 16 : i32
          %mul3A_452 = arith.muli %select_n3A_390, %mul3A_451 : i32
          %get3A_453 = arith.index_cast %add3A_450 : i32 to index
          %get3A_454 = arith.index_cast %select_n3A_374 : i32 to index
          %get3A_455 = arith.index_cast %mul3A_452 : i32 to index
          %get3A_456 = tpu.vector_load %arg5[%get3A_453, %get3A_454, %get3A_455] {strides = array<i32>} : memref<46x8x128xf32, #tpu.memory_space<vmem>>, vector<16xf32>,
          %max3A_457 = arith.maximumf %max3A, %get3A_456 : vector<16xf32>
          %add3A_458 = arith.constant 2 : i32
          %add3A_459 = arith.addi %mul3A_440, %add3A_458 : i32
          %mul3A_460 = arith.constant 16 : i32
          %mul3A_461 = arith.muli %select_n3A_390, %mul3A_460 : i32
          %get3A_462 = arith.index_cast %add3A_459 : i32 to index
          %get3A_463 = arith.index_cast %select_n3A_374 : i32 to index
          %get3A_464 = arith.index_cast %mul3A_461 : i32 to index
          %get3A_465 = tpu.vector_load %arg5[%get3A_462, %get3A_463, %get3A_464] {strides = array<i32>} : memref<46x8x128xf32, #tpu.memory_space<vmem>>, vector<16xf32>,
          %max3A_466 = arith.maximumf %max3A_457, %get3A_465 : vector<16xf32>
          %add3A_467 = arith.constant 3 : i32
          %add3A_468 = arith.addi %mul3A_440, %add3A_467 : i32
          %mul3A_469 = arith.constant 16 : i32
          %mul3A_470 = arith.muli %select_n3A_390, %mul3A_469 : i32
          %get3A_471 = arith.index_cast %add3A_468 : i32 to index
          %get3A_472 = arith.index_cast %select_n3A_374 : i32 to index
          %get3A_473 = arith.index_cast %mul3A_470 : i32 to index
          %get3A_474 = tpu.vector_load %arg5[%get3A_471, %get3A_472, %get3A_473] {strides = array<i32>} : memref<46x8x128xf32, #tpu.memory_space<vmem>>, vector<16xf32>,
          %max3A_475 = arith.maximumf %max3A_466, %get3A_474 : vector<16xf32>
          %add3A_476 = arith.constant 4 : i32
          %add3A_477 = arith.addi %mul3A_440, %add3A_476 : i32
          %mul3A_478 = arith.constant 16 : i32
          %mul3A_479 = arith.muli %select_n3A_390, %mul3A_478 : i32
          %get3A_480 = arith.index_cast %add3A_477 : i32 to index
          %get3A_481 = arith.index_cast %select_n3A_374 : i32 to index
          %get3A_482 = arith.index_cast %mul3A_479 : i32 to index
          %get3A_483 = tpu.vector_load %arg5[%get3A_480, %get3A_481, %get3A_482] {strides = array<i32>} : memref<46x8x128xf32, #tpu.memory_space<vmem>>, vector<16xf32>,
          %max3A_484 = arith.maximumf %max3A_475, %get3A_483 : vector<16xf32>
          %add3A_485 = arith.constant 5 : i32
          %add3A_486 = arith.addi %mul3A_440, %add3A_485 : i32
          %mul3A_487 = arith.constant 16 : i32
          %mul3A_488 = arith.muli %select_n3A_390, %mul3A_487 : i32
          %get3A_489 = arith.index_cast %add3A_486 : i32 to index
          %get3A_490 = arith.index_cast %select_n3A_374 : i32 to index
          %get3A_491 = arith.index_cast %mul3A_488 : i32 to index
          %get3A_492 = tpu.vector_load %arg5[%get3A_489, %get3A_490, %get3A_491] {strides = array<i32>} : memref<46x8x128xf32, #tpu.memory_space<vmem>>, vector<16xf32>,
          %max3A_493 = arith.maximumf %max3A_484, %get3A_492 : vector<16xf32>
          %add3A_494 = arith.constant 6 : i32
          %add3A_495 = arith.addi %mul3A_440, %add3A_494 : i32
          %mul3A_496 = arith.constant 16 : i32
          %mul3A_497 = arith.muli %select_n3A_390, %mul3A_496 : i32
          %get3A_498 = arith.index_cast %add3A_495 : i32 to index
          %get3A_499 = arith.index_cast %select_n3A_374 : i32 to index
          %get3A_500 = arith.index_cast %mul3A_497 : i32 to index
          %get3A_501 = tpu.vector_load %arg5[%get3A_498, %get3A_499, %get3A_500] {strides = array<i32>} : memref<46x8x128xf32, #tpu.memory_space<vmem>>, vector<16xf32>,
          %max3A_502 = arith.maximumf %max3A_493, %get3A_501 : vector<16xf32>
          %add3A_503 = arith.constant 7 : i32
          %add3A_504 = arith.addi %mul3A_440, %add3A_503 : i32
          %mul3A_505 = arith.constant 16 : i32
          %mul3A_506 = arith.muli %select_n3A_390, %mul3A_505 : i32
          %get3A_507 = arith.index_cast %add3A_504 : i32 to index
          %get3A_508 = arith.index_cast %select_n3A_374 : i32 to index
          %get3A_509 = arith.index_cast %mul3A_506 : i32 to index
          %get3A_510 = tpu.vector_load %arg5[%get3A_507, %get3A_508, %get3A_509] {strides = array<i32>} : memref<46x8x128xf32, #tpu.memory_space<vmem>>, vector<16xf32>,
          %max3A_511 = arith.maximumf %max3A_502, %get3A_510 : vector<16xf32>
          %add3A_512 = arith.constant 8 : i32
          %add3A_513 = arith.addi %mul3A_440, %add3A_512 : i32
          %mul3A_514 = arith.constant 16 : i32
          %mul3A_515 = arith.muli %select_n3A_390, %mul3A_514 : i32
          %get3A_516 = arith.index_cast %add3A_513 : i32 to index
          %get3A_517 = arith.index_cast %select_n3A_374 : i32 to index
          %get3A_518 = arith.index_cast %mul3A_515 : i32 to index
          %get3A_519 = tpu.vector_load %arg5[%get3A_516, %get3A_517, %get3A_518] {strides = array<i32>} : memref<46x8x128xf32, #tpu.memory_space<vmem>>, vector<16xf32>,
          %max3A_520 = arith.maximumf %max3A_511, %get3A_519 : vector<16xf32>
          scf.yield %max3A_520 : vector<16xf32>
        }
        %scan3A_409 = arith.constant 5 : i32
        %mul3A_410 = arith.constant 16 : i32
        %mul3A_411 = arith.muli %select_n3A_390, %mul3A_410 : i32
        %get3A_412 = arith.constant 45 : i32
        %get3A_413 = arith.index_cast %get3A_412 : i32 to index
        %get3A_414 = arith.index_cast %select_n3A_374 : i32 to index
        %get3A_415 = arith.index_cast %mul3A_411 : i32 to index
        %get3A_416 = tpu.vector_load %arg5[%get3A_413, %get3A_414, %get3A_415] {strides = array<i32>} : memref<46x8x128xf32, #tpu.memory_space<vmem>>, vector<16xf32>,
        %ge3A = arith.cmpf oge, %scan3A_408, %get3A_416 : vector<16xf32>
        %jit3A_417 = arith.constant 1.000000e+00 : f32
        %jit3A_418 = arith.constant 0.000000e+00 : f32
        %broadcast_in_dim3A_419 = vector.broadcast %jit3A_417 : f32 to vector<16xf32>
        %broadcast_in_dim3A_420 = vector.broadcast %jit3A_418 : f32 to vector<16xf32>
        %select_n3A_421 = arith.select %ge3A, %broadcast_in_dim3A_419, %broadcast_in_dim3A_420 : vector<16xi1>, vector<16xf32>
        %mul3A_422 = arith.constant 16 : i32
        %mul3A_423 = arith.muli %select_n3A_390, %mul3A_422 : i32
        %swap3A_424 = arith.index_cast %select_n3A_374 : i32 to index
        %swap3A_425 = arith.index_cast %mul3A_423 : i32 to index
        %swap3A_426 = tpu.vector_load %arg7[%swap3A_424, %swap3A_425] {strides = array<i32>} : memref<8x128xf32, #tpu.memory_space<vmem>>, vector<16xf32>,
        tpu.vector_store %arg7[%swap3A_424, %swap3A_425], %select_n3A_421 {strides = array<i32>} : memref<8x128xf32, #tpu.memory_space<vmem>>, vector<16xf32>,
        %mul3A_427 = arith.constant 16 : i32
        %mul3A_428 = arith.muli %select_n3A_390, %mul3A_427 : i32
        %get3A_429 = arith.index_cast %mul3A_428 : i32 to index
        %get3A_430 = tpu.vector_load %arg8[%get3A_429] {strides = array<i32>} : memref<128xf32, #tpu.memory_space<vmem>>, vector<16xf32>,
        %add3A_431 = arith.addf %get3A_430, %select_n3A_421 : vector<16xf32>
        %mul3A_432 = arith.constant 16 : i32
        %mul3A_433 = arith.muli %select_n3A_390, %mul3A_432 : i32
        %swap3A_434 = arith.index_cast %mul3A_433 : i32 to index
        %swap3A_435 = tpu.vector_load %arg8[%swap3A_434] {strides = array<i32>} : memref<128xf32, #tpu.memory_space<vmem>>, vector<16xf32>,
        tpu.vector_store %arg8[%swap3A_434], %add3A_431 {strides = array<i32>} : memref<128xf32, #tpu.memory_space<vmem>>, vector<16xf32>,
        %scan3A_436 = arith.constant 0 : i32
        scf.yield %scan3A_436 : i32
      }
      %scan3A_348 = arith.constant 32 : i32
      "tpu.region"() ({
        %run_scoped3A = tpu.sem_alloc : memref<!tpu.dma_semaphore, #tpu.memory_space<semaphore_mem>>
        %dma_start3A_349 = arith.constant 0 : i32
        %dma_start3A_350 = arith.constant 0 : i32
        %dma_start3A_351 = tpu.memref_slice %arg7[%dma_start3A_349, %dma_start3A_350] : memref<8x128xf32, #tpu.memory_space<vmem>> -> memref<4x128xf32, #tpu.memory_space<vmem>>
        %dma_start3A_352 = arith.constant 96 : i32
        %dma_start3A_353 = tpu.memref_slice %arg3[%dma_start3A_352, %mul3A_32] : memref<100x1024xf32, #tpu.memory_space<hbm>> -> memref<4x128xf32, #tpu.memory_space<hbm>>
        %dma_start3A_354 = arith.constant 96 : i32
        %dma_start3A_355 = tpu.memref_slice %arg3[%dma_start3A_354, %mul3A_32] : memref<100x1024xf32, #tpu.memory_space<hbm>> -> memref<4x128xf32, #tpu.memory_space<hbm>>
        %dma_start3A_356 = arith.constant 0 : i32
        %dma_start3A_357 = arith.constant 0 : i32
        %dma_start3A_358 = tpu.memref_slice %arg7[%dma_start3A_356, %dma_start3A_357] : memref<8x128xf32, #tpu.memory_space<vmem>> -> memref<4x128xf32, #tpu.memory_space<vmem>>
        tpu.enqueue_dma source(%dma_start3A_358 : memref<4x128xf32, #tpu.memory_space<vmem>>) target(%dma_start3A_355 : memref<4x128xf32, #tpu.memory_space<hbm>>) target_semaphore(%run_scoped3A : memref<!tpu.dma_semaphore, #tpu.memory_space<semaphore_mem>>)
        %dma_wait3A = arith.constant 0 : i32
        %dma_wait3A_359 = arith.constant 0 : i32
        %dma_wait3A_360 = tpu.memref_slice %arg7[%dma_wait3A, %dma_wait3A_359] : memref<8x128xf32, #tpu.memory_space<vmem>> -> memref<4x128xf32, #tpu.memory_space<vmem>>
        %dma_wait3A_361 = arith.constant 96 : i32
        %dma_wait3A_362 = tpu.memref_slice %arg3[%dma_wait3A_361, %mul3A_32] : memref<100x1024xf32, #tpu.memory_space<hbm>> -> memref<4x128xf32, #tpu.memory_space<hbm>>
        %dma_wait3A_363 = arith.constant 96 : i32
        %dma_wait3A_364 = tpu.memref_slice %arg3[%dma_wait3A_363, %mul3A_32] : memref<100x1024xf32, #tpu.memory_space<hbm>> -> memref<4x128xf32, #tpu.memory_space<hbm>>
        %dma_wait3A_365 = arith.constant 0 : i32
        %dma_wait3A_366 = arith.constant 0 : i32
        %dma_wait3A_367 = tpu.memref_slice %arg7[%dma_wait3A_365, %dma_wait3A_366] : memref<8x128xf32, #tpu.memory_space<vmem>> -> memref<4x128xf32, #tpu.memory_space<vmem>>
        tpu.wait_dma2 semaphore(%run_scoped3A : memref<!tpu.dma_semaphore, #tpu.memory_space<semaphore_mem>>) src(%dma_wait3A_367 : memref<4x128xf32, #tpu.memory_space<vmem>>) dst(%dma_wait3A_364 : memref<4x128xf32, #tpu.memory_space<hbm>>)
        tpu.yield
      }) : () -> ()
    } else {
    }
    "tpu.region"() ({
      %run_scoped3A = tpu.sem_alloc : memref<!tpu.dma_semaphore, #tpu.memory_space<semaphore_mem>>
      %dma_start3A_342 = arith.constant 0 : i32
      %dma_start3A_343 = tpu.memref_slice %arg11[%arg1, %dma_start3A_342] : memref<16x128xf32, #tpu.memory_space<vmem_shared>> -> memref<1x128xf32, #tpu.memory_space<vmem_shared>>
      %dma_start3A_344 = tpu.memref_squeeze %dma_start3A_343 : memref<1x128xf32, #tpu.memory_space<vmem_shared>> -> memref<128xf32, #tpu.memory_space<vmem_shared>>
      %dma_start3A_345 = arith.constant 0 : i32
      %dma_start3A_346 = tpu.memref_slice %arg11[%arg1, %dma_start3A_345] : memref<16x128xf32, #tpu.memory_space<vmem_shared>> -> memref<1x128xf32, #tpu.memory_space<vmem_shared>>
      %dma_start3A_347 = tpu.memref_squeeze %dma_start3A_346 : memref<1x128xf32, #tpu.memory_space<vmem_shared>> -> memref<128xf32, #tpu.memory_space<vmem_shared>>
      tpu.enqueue_dma source(%arg8 : memref<128xf32, #tpu.memory_space<vmem>>) target(%dma_start3A_347 : memref<128xf32, #tpu.memory_space<vmem_shared>>) target_semaphore(%run_scoped3A : memref<!tpu.dma_semaphore, #tpu.memory_space<semaphore_mem>>)
      %dma_wait3A = arith.constant 0 : i32
      %dma_wait3A_348 = tpu.memref_slice %arg11[%arg1, %dma_wait3A] : memref<16x128xf32, #tpu.memory_space<vmem_shared>> -> memref<1x128xf32, #tpu.memory_space<vmem_shared>>
      %dma_wait3A_349 = tpu.memref_squeeze %dma_wait3A_348 : memref<1x128xf32, #tpu.memory_space<vmem_shared>> -> memref<128xf32, #tpu.memory_space<vmem_shared>>
      %dma_wait3A_350 = arith.constant 0 : i32
      %dma_wait3A_351 = tpu.memref_slice %arg11[%arg1, %dma_wait3A_350] : memref<16x128xf32, #tpu.memory_space<vmem_shared>> -> memref<1x128xf32, #tpu.memory_space<vmem_shared>>
      %dma_wait3A_352 = tpu.memref_squeeze %dma_wait3A_351 : memref<1x128xf32, #tpu.memory_space<vmem_shared>> -> memref<128xf32, #tpu.memory_space<vmem_shared>>
      tpu.wait_dma2 semaphore(%run_scoped3A : memref<!tpu.dma_semaphore, #tpu.memory_space<semaphore_mem>>) src(%arg8 : memref<128xf32, #tpu.memory_space<vmem>>) dst(%dma_wait3A_352 : memref<128xf32, #tpu.memory_space<vmem_shared>>)
      tpu.yield
    }) : () -> ()
    %barrier3A = arith.constant 0 : index
    tpu.barrier barrier_id(%barrier3A)
    %jit3A_81 = arith.constant 4 : i32
    %div3A_82 = arith.divsi %arg1, %jit3A_81 : i32
    %sign3A_83 = arith.constant 0 : i32
    %sign3A_84 = arith.cmpi sgt, %arg1, %sign3A_83 : i32
    %sign3A_85 = arith.extui %sign3A_84 : i1 to i32
    %sign3A_86 = arith.constant 0 : i32
    %sign3A_87 = arith.cmpi slt, %arg1, %sign3A_86 : i32
    %sign3A_88 = arith.extui %sign3A_87 : i1 to i32
    %sign3A_89 = arith.subi %sign3A_85, %sign3A_88 : i32
    %sign3A_90 = arith.constant 0 : i32
    %sign3A_91 = arith.cmpi sgt, %jit3A_81, %sign3A_90 : i32
    %sign3A_92 = arith.extui %sign3A_91 : i1 to i32
    %sign3A_93 = arith.constant 0 : i32
    %sign3A_94 = arith.cmpi slt, %jit3A_81, %sign3A_93 : i32
    %sign3A_95 = arith.extui %sign3A_94 : i1 to i32
    %sign3A_96 = arith.subi %sign3A_92, %sign3A_95 : i32
    %ne3A_97 = arith.cmpi ne, %sign3A_89, %sign3A_96 : i32
    %rem3A_98 = arith.remsi %arg1, %jit3A_81 : i32
    %ne3A_99 = arith.constant 0 : i32
    %ne3A_100 = arith.cmpi ne, %rem3A_98, %ne3A_99 : i32
    %and3A_101 = arith.andi %ne3A_97, %ne3A_100 : i1
    %sub3A_102 = arith.constant 1 : i32
    %sub3A_103 = arith.subi %div3A_82, %sub3A_102 : i32
    %select_n3A_104 = arith.select %and3A_101, %sub3A_103, %div3A_82 : i32
    %mul3A_105 = arith.constant 4 : i32
    %mul3A_106 = arith.muli %select_n3A_104, %mul3A_105 : i32
    "tpu.region"() ({
      %run_scoped3A = tpu.sem_alloc : memref<!tpu.dma_semaphore, #tpu.memory_space<semaphore_mem>>
      %dma_start3A_342 = arith.constant 0 : i32
      %dma_start3A_343 = tpu.memref_slice %arg11[%mul3A_106, %dma_start3A_342] : memref<16x128xf32, #tpu.memory_space<vmem_shared>> -> memref<4x128xf32, #tpu.memory_space<vmem_shared>>
      %dma_start3A_344 = arith.constant 0 : i32
      %dma_start3A_345 = tpu.memref_slice %arg11[%mul3A_106, %dma_start3A_344] : memref<16x128xf32, #tpu.memory_space<vmem_shared>> -> memref<4x128xf32, #tpu.memory_space<vmem_shared>>
      tpu.enqueue_dma source(%dma_start3A_345 : memref<4x128xf32, #tpu.memory_space<vmem_shared>>) target(%arg9 : memref<4x128xf32, #tpu.memory_space<vmem>>) target_semaphore(%run_scoped3A : memref<!tpu.dma_semaphore, #tpu.memory_space<semaphore_mem>>)
      %dma_wait3A = arith.constant 0 : i32
      %dma_wait3A_346 = tpu.memref_slice %arg11[%mul3A_106, %dma_wait3A] : memref<16x128xf32, #tpu.memory_space<vmem_shared>> -> memref<4x128xf32, #tpu.memory_space<vmem_shared>>
      %dma_wait3A_347 = arith.constant 0 : i32
      %dma_wait3A_348 = tpu.memref_slice %arg11[%mul3A_106, %dma_wait3A_347] : memref<16x128xf32, #tpu.memory_space<vmem_shared>> -> memref<4x128xf32, #tpu.memory_space<vmem_shared>>
      tpu.wait_dma2 semaphore(%run_scoped3A : memref<!tpu.dma_semaphore, #tpu.memory_space<semaphore_mem>>) src(%dma_wait3A_348 : memref<4x128xf32, #tpu.memory_space<vmem_shared>>) dst(%arg9 : memref<4x128xf32, #tpu.memory_space<vmem>>)
      tpu.yield
    }) : () -> ()
    %get3A = arith.constant 0 : i32
    %get3A_107 = arith.index_cast %get3A : i32 to index
    %get3A_108 = arith.constant 0 : index
    %get3A_109 = tpu.vector_load %arg9[%get3A_107, %get3A_108] {strides = array<i32>} : memref<4x128xf32, #tpu.memory_space<vmem>>, vector<16xf32>,
    %get3A_110 = arith.constant 1 : i32
    %get3A_111 = arith.index_cast %get3A_110 : i32 to index
    %get3A_112 = arith.constant 0 : index
    %get3A_113 = tpu.vector_load %arg9[%get3A_111, %get3A_112] {strides = array<i32>} : memref<4x128xf32, #tpu.memory_space<vmem>>, vector<16xf32>,
    %add3A_114 = arith.addf %get3A_109, %get3A_113 : vector<16xf32>
    %get3A_115 = arith.constant 2 : i32
    %get3A_116 = arith.index_cast %get3A_115 : i32 to index
    %get3A_117 = arith.constant 0 : index
    %get3A_118 = tpu.vector_load %arg9[%get3A_116, %get3A_117] {strides = array<i32>} : memref<4x128xf32, #tpu.memory_space<vmem>>, vector<16xf32>,
    %add3A_119 = arith.addf %add3A_114, %get3A_118 : vector<16xf32>
    %get3A_120 = arith.constant 3 : i32
    %get3A_121 = arith.index_cast %get3A_120 : i32 to index
    %get3A_122 = arith.constant 0 : index
    %get3A_123 = tpu.vector_load %arg9[%get3A_121, %get3A_122] {strides = array<i32>} : memref<4x128xf32, #tpu.memory_space<vmem>>, vector<16xf32>,
    %add3A_124 = arith.addf %add3A_119, %get3A_123 : vector<16xf32>
    %get3A_125 = arith.constant 0 : i32
    %get3A_126 = arith.index_cast %get3A_125 : i32 to index
    %get3A_127 = arith.constant 16 : index
    %get3A_128 = tpu.vector_load %arg9[%get3A_126, %get3A_127] {strides = array<i32>} : memref<4x128xf32, #tpu.memory_space<vmem>>, vector<16xf32>,
    %get3A_129 = arith.constant 1 : i32
    %get3A_130 = arith.index_cast %get3A_129 : i32 to index
    %get3A_131 = arith.constant 16 : index
    %get3A_132 = tpu.vector_load %arg9[%get3A_130, %get3A_131] {strides = array<i32>} : memref<4x128xf32, #tpu.memory_space<vmem>>, vector<16xf32>,
    %add3A_133 = arith.addf %get3A_128, %get3A_132 : vector<16xf32>
    %get3A_134 = arith.constant 2 : i32
    %get3A_135 = arith.index_cast %get3A_134 : i32 to index
    %get3A_136 = arith.constant 16 : index
    %get3A_137 = tpu.vector_load %arg9[%get3A_135, %get3A_136] {strides = array<i32>} : memref<4x128xf32, #tpu.memory_space<vmem>>, vector<16xf32>,
    %add3A_138 = arith.addf %add3A_133, %get3A_137 : vector<16xf32>
    %get3A_139 = arith.constant 3 : i32
    %get3A_140 = arith.index_cast %get3A_139 : i32 to index
    %get3A_141 = arith.constant 16 : index
    %get3A_142 = tpu.vector_load %arg9[%get3A_140, %get3A_141] {strides = array<i32>} : memref<4x128xf32, #tpu.memory_space<vmem>>, vector<16xf32>,
    %add3A_143 = arith.addf %add3A_138, %get3A_142 : vector<16xf32>
    %get3A_144 = arith.constant 0 : i32
    %get3A_145 = arith.index_cast %get3A_144 : i32 to index
    %get3A_146 = arith.constant 32 : index
    %get3A_147 = tpu.vector_load %arg9[%get3A_145, %get3A_146] {strides = array<i32>} : memref<4x128xf32, #tpu.memory_space<vmem>>, vector<16xf32>,
    %get3A_148 = arith.constant 1 : i32
    %get3A_149 = arith.index_cast %get3A_148 : i32 to index
    %get3A_150 = arith.constant 32 : index
    %get3A_151 = tpu.vector_load %arg9[%get3A_149, %get3A_150] {strides = array<i32>} : memref<4x128xf32, #tpu.memory_space<vmem>>, vector<16xf32>,
    %add3A_152 = arith.addf %get3A_147, %get3A_151 : vector<16xf32>
    %get3A_153 = arith.constant 2 : i32
    %get3A_154 = arith.index_cast %get3A_153 : i32 to index
    %get3A_155 = arith.constant 32 : index
    %get3A_156 = tpu.vector_load %arg9[%get3A_154, %get3A_155] {strides = array<i32>} : memref<4x128xf32, #tpu.memory_space<vmem>>, vector<16xf32>,
    %add3A_157 = arith.addf %add3A_152, %get3A_156 : vector<16xf32>
    %get3A_158 = arith.constant 3 : i32
    %get3A_159 = arith.index_cast %get3A_158 : i32 to index
    %get3A_160 = arith.constant 32 : index
    %get3A_161 = tpu.vector_load %arg9[%get3A_159, %get3A_160] {strides = array<i32>} : memref<4x128xf32, #tpu.memory_space<vmem>>, vector<16xf32>,
    %add3A_162 = arith.addf %add3A_157, %get3A_161 : vector<16xf32>
    %get3A_163 = arith.constant 0 : i32
    %get3A_164 = arith.index_cast %get3A_163 : i32 to index
    %get3A_165 = arith.constant 48 : index
    %get3A_166 = tpu.vector_load %arg9[%get3A_164, %get3A_165] {strides = array<i32>} : memref<4x128xf32, #tpu.memory_space<vmem>>, vector<16xf32>,
    %get3A_167 = arith.constant 1 : i32
    %get3A_168 = arith.index_cast %get3A_167 : i32 to index
    %get3A_169 = arith.constant 48 : index
    %get3A_170 = tpu.vector_load %arg9[%get3A_168, %get3A_169] {strides = array<i32>} : memref<4x128xf32, #tpu.memory_space<vmem>>, vector<16xf32>,
    %add3A_171 = arith.addf %get3A_166, %get3A_170 : vector<16xf32>
    %get3A_172 = arith.constant 2 : i32
    %get3A_173 = arith.index_cast %get3A_172 : i32 to index
    %get3A_174 = arith.constant 48 : index
    %get3A_175 = tpu.vector_load %arg9[%get3A_173, %get3A_174] {strides = array<i32>} : memref<4x128xf32, #tpu.memory_space<vmem>>, vector<16xf32>,
    %add3A_176 = arith.addf %add3A_171, %get3A_175 : vector<16xf32>
    %get3A_177 = arith.constant 3 : i32
    %get3A_178 = arith.index_cast %get3A_177 : i32 to index
    %get3A_179 = arith.constant 48 : index
    %get3A_180 = tpu.vector_load %arg9[%get3A_178, %get3A_179] {strides = array<i32>} : memref<4x128xf32, #tpu.memory_space<vmem>>, vector<16xf32>,
    %add3A_181 = arith.addf %add3A_176, %get3A_180 : vector<16xf32>
    %get3A_182 = arith.constant 0 : i32
    %get3A_183 = arith.index_cast %get3A_182 : i32 to index
    %get3A_184 = arith.constant 64 : index
    %get3A_185 = tpu.vector_load %arg9[%get3A_183, %get3A_184] {strides = array<i32>} : memref<4x128xf32, #tpu.memory_space<vmem>>, vector<16xf32>,
    %get3A_186 = arith.constant 1 : i32
    %get3A_187 = arith.index_cast %get3A_186 : i32 to index
    %get3A_188 = arith.constant 64 : index
    %get3A_189 = tpu.vector_load %arg9[%get3A_187, %get3A_188] {strides = array<i32>} : memref<4x128xf32, #tpu.memory_space<vmem>>, vector<16xf32>,
    %add3A_190 = arith.addf %get3A_185, %get3A_189 : vector<16xf32>
    %get3A_191 = arith.constant 2 : i32
    %get3A_192 = arith.index_cast %get3A_191 : i32 to index
    %get3A_193 = arith.constant 64 : index
    %get3A_194 = tpu.vector_load %arg9[%get3A_192, %get3A_193] {strides = array<i32>} : memref<4x128xf32, #tpu.memory_space<vmem>>, vector<16xf32>,
    %add3A_195 = arith.addf %add3A_190, %get3A_194 : vector<16xf32>
    %get3A_196 = arith.constant 3 : i32
    %get3A_197 = arith.index_cast %get3A_196 : i32 to index
    %get3A_198 = arith.constant 64 : index
    %get3A_199 = tpu.vector_load %arg9[%get3A_197, %get3A_198] {strides = array<i32>} : memref<4x128xf32, #tpu.memory_space<vmem>>, vector<16xf32>,
    %add3A_200 = arith.addf %add3A_195, %get3A_199 : vector<16xf32>
    %get3A_201 = arith.constant 0 : i32
    %get3A_202 = arith.index_cast %get3A_201 : i32 to index
    %get3A_203 = arith.constant 80 : index
    %get3A_204 = tpu.vector_load %arg9[%get3A_202, %get3A_203] {strides = array<i32>} : memref<4x128xf32, #tpu.memory_space<vmem>>, vector<16xf32>,
    %get3A_205 = arith.constant 1 : i32
    %get3A_206 = arith.index_cast %get3A_205 : i32 to index
    %get3A_207 = arith.constant 80 : index
    %get3A_208 = tpu.vector_load %arg9[%get3A_206, %get3A_207] {strides = array<i32>} : memref<4x128xf32, #tpu.memory_space<vmem>>, vector<16xf32>,
    %add3A_209 = arith.addf %get3A_204, %get3A_208 : vector<16xf32>
    %get3A_210 = arith.constant 2 : i32
    %get3A_211 = arith.index_cast %get3A_210 : i32 to index
    %get3A_212 = arith.constant 80 : index
    %get3A_213 = tpu.vector_load %arg9[%get3A_211, %get3A_212] {strides = array<i32>} : memref<4x128xf32, #tpu.memory_space<vmem>>, vector<16xf32>,
    %add3A_214 = arith.addf %add3A_209, %get3A_213 : vector<16xf32>
    %get3A_215 = arith.constant 3 : i32
    %get3A_216 = arith.index_cast %get3A_215 : i32 to index
    %get3A_217 = arith.constant 80 : index
    %get3A_218 = tpu.vector_load %arg9[%get3A_216, %get3A_217] {strides = array<i32>} : memref<4x128xf32, #tpu.memory_space<vmem>>, vector<16xf32>,
    %add3A_219 = arith.addf %add3A_214, %get3A_218 : vector<16xf32>
    %get3A_220 = arith.constant 0 : i32
    %get3A_221 = arith.index_cast %get3A_220 : i32 to index
    %get3A_222 = arith.constant 96 : index
    %get3A_223 = tpu.vector_load %arg9[%get3A_221, %get3A_222] {strides = array<i32>} : memref<4x128xf32, #tpu.memory_space<vmem>>, vector<16xf32>,
    %get3A_224 = arith.constant 1 : i32
    %get3A_225 = arith.index_cast %get3A_224 : i32 to index
    %get3A_226 = arith.constant 96 : index
    %get3A_227 = tpu.vector_load %arg9[%get3A_225, %get3A_226] {strides = array<i32>} : memref<4x128xf32, #tpu.memory_space<vmem>>, vector<16xf32>,
    %add3A_228 = arith.addf %get3A_223, %get3A_227 : vector<16xf32>
    %get3A_229 = arith.constant 2 : i32
    %get3A_230 = arith.index_cast %get3A_229 : i32 to index
    %get3A_231 = arith.constant 96 : index
    %get3A_232 = tpu.vector_load %arg9[%get3A_230, %get3A_231] {strides = array<i32>} : memref<4x128xf32, #tpu.memory_space<vmem>>, vector<16xf32>,
    %add3A_233 = arith.addf %add3A_228, %get3A_232 : vector<16xf32>
    %get3A_234 = arith.constant 3 : i32
    %get3A_235 = arith.index_cast %get3A_234 : i32 to index
    %get3A_236 = arith.constant 96 : index
    %get3A_237 = tpu.vector_load %arg9[%get3A_235, %get3A_236] {strides = array<i32>} : memref<4x128xf32, #tpu.memory_space<vmem>>, vector<16xf32>,
    %add3A_238 = arith.addf %add3A_233, %get3A_237 : vector<16xf32>
    %get3A_239 = arith.constant 0 : i32
    %get3A_240 = arith.index_cast %get3A_239 : i32 to index
    %get3A_241 = arith.constant 112 : index
    %get3A_242 = tpu.vector_load %arg9[%get3A_240, %get3A_241] {strides = array<i32>} : memref<4x128xf32, #tpu.memory_space<vmem>>, vector<16xf32>,
    %get3A_243 = arith.constant 1 : i32
    %get3A_244 = arith.index_cast %get3A_243 : i32 to index
    %get3A_245 = arith.constant 112 : index
    %get3A_246 = tpu.vector_load %arg9[%get3A_244, %get3A_245] {strides = array<i32>} : memref<4x128xf32, #tpu.memory_space<vmem>>, vector<16xf32>,
    %add3A_247 = arith.addf %get3A_242, %get3A_246 : vector<16xf32>
    %get3A_248 = arith.constant 2 : i32
    %get3A_249 = arith.index_cast %get3A_248 : i32 to index
    %get3A_250 = arith.constant 112 : index
    %get3A_251 = tpu.vector_load %arg9[%get3A_249, %get3A_250] {strides = array<i32>} : memref<4x128xf32, #tpu.memory_space<vmem>>, vector<16xf32>,
    %add3A_252 = arith.addf %add3A_247, %get3A_251 : vector<16xf32>
    %get3A_253 = arith.constant 3 : i32
    %get3A_254 = arith.index_cast %get3A_253 : i32 to index
    %get3A_255 = arith.constant 112 : index
    %get3A_256 = tpu.vector_load %arg9[%get3A_254, %get3A_255] {strides = array<i32>} : memref<4x128xf32, #tpu.memory_space<vmem>>, vector<16xf32>,
    %add3A_257 = arith.addf %add3A_252, %get3A_256 : vector<16xf32>
    %lt3A_258 = arith.constant 1.000000e+00 : f32
    %lt3A_259 = vector.broadcast %lt3A_258 : f32 to vector<16xf32>
    %lt3A_260 = arith.cmpf olt, %add3A_124, %lt3A_259 : vector<16xf32>
    %jit3A_261 = arith.constant 1.000000e+00 : f32
    %jit3A_262 = arith.constant 0.000000e+00 : f32
    %broadcast_in_dim3A_263 = vector.broadcast %jit3A_261 : f32 to vector<16xf32>
    %broadcast_in_dim3A_264 = vector.broadcast %jit3A_262 : f32 to vector<16xf32>
    %select_n3A_265 = arith.select %lt3A_260, %broadcast_in_dim3A_263, %broadcast_in_dim3A_264 : vector<16xi1>, vector<16xf32>
    %add3A_266 = arith.constant 0.000000e+00 : f32
    %add3A_267 = vector.broadcast %add3A_266 : f32 to vector<16xf32>
    %add3A_268 = arith.addf %add3A_267, %select_n3A_265 : vector<16xf32>
    %lt3A_269 = arith.constant 1.000000e+00 : f32
    %lt3A_270 = vector.broadcast %lt3A_269 : f32 to vector<16xf32>
    %lt3A_271 = arith.cmpf olt, %add3A_143, %lt3A_270 : vector<16xf32>
    %jit3A_272 = arith.constant 1.000000e+00 : f32
    %jit3A_273 = arith.constant 0.000000e+00 : f32
    %broadcast_in_dim3A_274 = vector.broadcast %jit3A_272 : f32 to vector<16xf32>
    %broadcast_in_dim3A_275 = vector.broadcast %jit3A_273 : f32 to vector<16xf32>
    %select_n3A_276 = arith.select %lt3A_271, %broadcast_in_dim3A_274, %broadcast_in_dim3A_275 : vector<16xi1>, vector<16xf32>
    %add3A_277 = arith.addf %add3A_268, %select_n3A_276 : vector<16xf32>
    %lt3A_278 = arith.constant 1.000000e+00 : f32
    %lt3A_279 = vector.broadcast %lt3A_278 : f32 to vector<16xf32>
    %lt3A_280 = arith.cmpf olt, %add3A_162, %lt3A_279 : vector<16xf32>
    %jit3A_281 = arith.constant 1.000000e+00 : f32
    %jit3A_282 = arith.constant 0.000000e+00 : f32
    %broadcast_in_dim3A_283 = vector.broadcast %jit3A_281 : f32 to vector<16xf32>
    %broadcast_in_dim3A_284 = vector.broadcast %jit3A_282 : f32 to vector<16xf32>
    %select_n3A_285 = arith.select %lt3A_280, %broadcast_in_dim3A_283, %broadcast_in_dim3A_284 : vector<16xi1>, vector<16xf32>
    %add3A_286 = arith.addf %add3A_277, %select_n3A_285 : vector<16xf32>
    %lt3A_287 = arith.constant 1.000000e+00 : f32
    %lt3A_288 = vector.broadcast %lt3A_287 : f32 to vector<16xf32>
    %lt3A_289 = arith.cmpf olt, %add3A_181, %lt3A_288 : vector<16xf32>
    %jit3A_290 = arith.constant 1.000000e+00 : f32
    %jit3A_291 = arith.constant 0.000000e+00 : f32
    %broadcast_in_dim3A_292 = vector.broadcast %jit3A_290 : f32 to vector<16xf32>
    %broadcast_in_dim3A_293 = vector.broadcast %jit3A_291 : f32 to vector<16xf32>
    %select_n3A_294 = arith.select %lt3A_289, %broadcast_in_dim3A_292, %broadcast_in_dim3A_293 : vector<16xi1>, vector<16xf32>
    %add3A_295 = arith.addf %add3A_286, %select_n3A_294 : vector<16xf32>
    %lt3A_296 = arith.constant 1.000000e+00 : f32
    %lt3A_297 = vector.broadcast %lt3A_296 : f32 to vector<16xf32>
    %lt3A_298 = arith.cmpf olt, %add3A_200, %lt3A_297 : vector<16xf32>
    %jit3A_299 = arith.constant 1.000000e+00 : f32
    %jit3A_300 = arith.constant 0.000000e+00 : f32
    %broadcast_in_dim3A_301 = vector.broadcast %jit3A_299 : f32 to vector<16xf32>
    %broadcast_in_dim3A_302 = vector.broadcast %jit3A_300 : f32 to vector<16xf32>
    %select_n3A_303 = arith.select %lt3A_298, %broadcast_in_dim3A_301, %broadcast_in_dim3A_302 : vector<16xi1>, vector<16xf32>
    %add3A_304 = arith.addf %add3A_295, %select_n3A_303 : vector<16xf32>
    %lt3A_305 = arith.constant 1.000000e+00 : f32
    %lt3A_306 = vector.broadcast %lt3A_305 : f32 to vector<16xf32>
    %lt3A_307 = arith.cmpf olt, %add3A_219, %lt3A_306 : vector<16xf32>
    %jit3A_308 = arith.constant 1.000000e+00 : f32
    %jit3A_309 = arith.constant 0.000000e+00 : f32
    %broadcast_in_dim3A_310 = vector.broadcast %jit3A_308 : f32 to vector<16xf32>
    %broadcast_in_dim3A_311 = vector.broadcast %jit3A_309 : f32 to vector<16xf32>
    %select_n3A_312 = arith.select %lt3A_307, %broadcast_in_dim3A_310, %broadcast_in_dim3A_311 : vector<16xi1>, vector<16xf32>
    %add3A_313 = arith.addf %add3A_304, %select_n3A_312 : vector<16xf32>
    %lt3A_314 = arith.constant 1.000000e+00 : f32
    %lt3A_315 = vector.broadcast %lt3A_314 : f32 to vector<16xf32>
    %lt3A_316 = arith.cmpf olt, %add3A_238, %lt3A_315 : vector<16xf32>
    %jit3A_317 = arith.constant 1.000000e+00 : f32
    %jit3A_318 = arith.constant 0.000000e+00 : f32
    %broadcast_in_dim3A_319 = vector.broadcast %jit3A_317 : f32 to vector<16xf32>
    %broadcast_in_dim3A_320 = vector.broadcast %jit3A_318 : f32 to vector<16xf32>
    %select_n3A_321 = arith.select %lt3A_316, %broadcast_in_dim3A_319, %broadcast_in_dim3A_320 : vector<16xi1>, vector<16xf32>
    %add3A_322 = arith.addf %add3A_313, %select_n3A_321 : vector<16xf32>
    %lt3A_323 = arith.constant 1.000000e+00 : f32
    %lt3A_324 = vector.broadcast %lt3A_323 : f32 to vector<16xf32>
    %lt3A_325 = arith.cmpf olt, %add3A_257, %lt3A_324 : vector<16xf32>
    %jit3A_326 = arith.constant 1.000000e+00 : f32
    %jit3A_327 = arith.constant 0.000000e+00 : f32
    %broadcast_in_dim3A_328 = vector.broadcast %jit3A_326 : f32 to vector<16xf32>
    %broadcast_in_dim3A_329 = vector.broadcast %jit3A_327 : f32 to vector<16xf32>
    %select_n3A_330 = arith.select %lt3A_325, %broadcast_in_dim3A_328, %broadcast_in_dim3A_329 : vector<16xi1>, vector<16xf32>
    %add3A_331 = arith.addf %add3A_322, %select_n3A_330 : vector<16xf32>
    %reduce_max3A = arith.constant true
    %reduce_max3A_332 = vector.broadcast %reduce_max3A : i1 to vector<16xi1>
    %reduce_max3A_333 = tpu.scan <max>, %add3A_331 masked %reduce_max3A_332 : vector<16xf32>, vector<16xi1> -> vector<16xf32>
    %reduce_max3A_334 = vector.extract %reduce_max3A_333[15] : f32 from vector<16xf32>
    %gt3A = arith.constant 0.000000e+00 : f32
    %gt3A_335 = arith.cmpf ogt, %reduce_max3A_334, %gt3A : f32
    %eq3A_336 = arith.constant 0 : i32
    %eq3A_337 = arith.cmpi eq, %select_n3A_30, %eq3A_336 : i32
    %and3A_338 = arith.andi %gt3A_335, %eq3A_337 : i1
    %convert_element_type3A_339 = arith.extui %and3A_338 : i1 to i32
    %cond3A_340 = arith.constant 0 : i32
    %cond3A_341 = arith.cmpi ne, %convert_element_type3A_339, %cond3A_340 : i32
    scf.if %cond3A_341 {
      %scan3A_342 = arith.constant 0 : i32
      %scan3A_343 = arith.constant 0 : i32
      %scan3A_344 = arith.constant 12 : i32
      %scan3A_345 = arith.addi %scan3A_343, %scan3A_344 : i32
      %scan3A_346 = arith.constant 1 : i32
      %scan3A_347 = scf.for %scan3A_450 = %scan3A_343 to %scan3A_345 step %scan3A_346 iter_args(%scan3A_451 = %scan3A_342) -> (i32)  : i32 {
        %mul3A_452 = arith.constant 8 : i32
        %mul3A_453 = arith.muli %scan3A_450, %mul3A_452 : i32
        %multiple_of3A_454 = tpu.assume_multiple %mul3A_453, 8 : i32
        "tpu.region"() ({
          %run_scoped3A = tpu.sem_alloc : memref<!tpu.dma_semaphore, #tpu.memory_space<semaphore_mem>>
          %dma_start3A_463 = arith.constant 0 : i32
          %dma_start3A_464 = tpu.memref_slice %arg2[%dma_start3A_463, %multiple_of3A_454, %mul3A_32] : memref<92x100x1024xf32, #tpu.memory_space<hbm>> -> memref<46x8x128xf32, #tpu.memory_space<hbm>>
          %dma_start3A_465 = arith.constant 0 : i32
          %dma_start3A_466 = tpu.memref_slice %arg2[%dma_start3A_465, %multiple_of3A_454, %mul3A_32] : memref<92x100x1024xf32, #tpu.memory_space<hbm>> -> memref<46x8x128xf32, #tpu.memory_space<hbm>>
          tpu.enqueue_dma source(%dma_start3A_466 : memref<46x8x128xf32, #tpu.memory_space<hbm>>) target(%arg4 : memref<46x8x128xf32, #tpu.memory_space<vmem>>) target_semaphore(%run_scoped3A : memref<!tpu.dma_semaphore, #tpu.memory_space<semaphore_mem>>)
          %dma_wait3A = arith.constant 0 : i32
          %dma_wait3A_467 = tpu.memref_slice %arg2[%dma_wait3A, %multiple_of3A_454, %mul3A_32] : memref<92x100x1024xf32, #tpu.memory_space<hbm>> -> memref<46x8x128xf32, #tpu.memory_space<hbm>>
          %dma_wait3A_468 = arith.constant 0 : i32
          %dma_wait3A_469 = tpu.memref_slice %arg2[%dma_wait3A_468, %multiple_of3A_454, %mul3A_32] : memref<92x100x1024xf32, #tpu.memory_space<hbm>> -> memref<46x8x128xf32, #tpu.memory_space<hbm>>
          tpu.wait_dma2 semaphore(%run_scoped3A : memref<!tpu.dma_semaphore, #tpu.memory_space<semaphore_mem>>) src(%dma_wait3A_469 : memref<46x8x128xf32, #tpu.memory_space<hbm>>) dst(%arg4 : memref<46x8x128xf32, #tpu.memory_space<vmem>>)
          tpu.yield
        }) : () -> ()
        "tpu.region"() ({
          %run_scoped3A = tpu.sem_alloc : memref<!tpu.dma_semaphore, #tpu.memory_space<semaphore_mem>>
          %dma_start3A_463 = arith.constant 46 : i32
          %dma_start3A_464 = tpu.memref_slice %arg2[%dma_start3A_463, %multiple_of3A_454, %mul3A_32] : memref<92x100x1024xf32, #tpu.memory_space<hbm>> -> memref<46x8x128xf32, #tpu.memory_space<hbm>>
          %dma_start3A_465 = arith.constant 46 : i32
          %dma_start3A_466 = tpu.memref_slice %arg2[%dma_start3A_465, %multiple_of3A_454, %mul3A_32] : memref<92x100x1024xf32, #tpu.memory_space<hbm>> -> memref<46x8x128xf32, #tpu.memory_space<hbm>>
          tpu.enqueue_dma source(%dma_start3A_466 : memref<46x8x128xf32, #tpu.memory_space<hbm>>) target(%arg5 : memref<46x8x128xf32, #tpu.memory_space<vmem>>) target_semaphore(%run_scoped3A : memref<!tpu.dma_semaphore, #tpu.memory_space<semaphore_mem>>)
          %dma_wait3A = arith.constant 46 : i32
          %dma_wait3A_467 = tpu.memref_slice %arg2[%dma_wait3A, %multiple_of3A_454, %mul3A_32] : memref<92x100x1024xf32, #tpu.memory_space<hbm>> -> memref<46x8x128xf32, #tpu.memory_space<hbm>>
          %dma_wait3A_468 = arith.constant 46 : i32
          %dma_wait3A_469 = tpu.memref_slice %arg2[%dma_wait3A_468, %multiple_of3A_454, %mul3A_32] : memref<92x100x1024xf32, #tpu.memory_space<hbm>> -> memref<46x8x128xf32, #tpu.memory_space<hbm>>
          tpu.wait_dma2 semaphore(%run_scoped3A : memref<!tpu.dma_semaphore, #tpu.memory_space<semaphore_mem>>) src(%dma_wait3A_469 : memref<46x8x128xf32, #tpu.memory_space<hbm>>) dst(%arg5 : memref<46x8x128xf32, #tpu.memory_space<vmem>>)
          tpu.yield
        }) : () -> ()
        %scan3A_455 = arith.constant 0 : i32
        %scan3A_456 = arith.constant 0 : i32
        %scan3A_457 = arith.constant 64 : i32
        %scan3A_458 = arith.addi %scan3A_456, %scan3A_457 : i32
        %scan3A_459 = arith.constant 1 : i32
        %scan3A_460 = scf.for %scan3A_463 = %scan3A_456 to %scan3A_458 step %scan3A_459 iter_args(%scan3A_464 = %scan3A_455) -> (i32)  : i32 {
          %jit3A_465 = arith.constant 8 : i32
          %div3A_466 = arith.divsi %scan3A_463, %jit3A_465 : i32
          %sign3A_467 = arith.constant 0 : i32
          %sign3A_468 = arith.cmpi sgt, %scan3A_463, %sign3A_467 : i32
          %sign3A_469 = arith.extui %sign3A_468 : i1 to i32
          %sign3A_470 = arith.constant 0 : i32
          %sign3A_471 = arith.cmpi slt, %scan3A_463, %sign3A_470 : i32
          %sign3A_472 = arith.extui %sign3A_471 : i1 to i32
          %sign3A_473 = arith.subi %sign3A_469, %sign3A_472 : i32
          %sign3A_474 = arith.constant 0 : i32
          %sign3A_475 = arith.cmpi sgt, %jit3A_465, %sign3A_474 : i32
          %sign3A_476 = arith.extui %sign3A_475 : i1 to i32
          %sign3A_477 = arith.constant 0 : i32
          %sign3A_478 = arith.cmpi slt, %jit3A_465, %sign3A_477 : i32
          %sign3A_479 = arith.extui %sign3A_478 : i1 to i32
          %sign3A_480 = arith.subi %sign3A_476, %sign3A_479 : i32
          %ne3A_481 = arith.cmpi ne, %sign3A_473, %sign3A_480 : i32
          %rem3A_482 = arith.remsi %scan3A_463, %jit3A_465 : i32
          %ne3A_483 = arith.constant 0 : i32
          %ne3A_484 = arith.cmpi ne, %rem3A_482, %ne3A_483 : i32
          %and3A_485 = arith.andi %ne3A_481, %ne3A_484 : i1
          %sub3A_486 = arith.constant 1 : i32
          %sub3A_487 = arith.subi %div3A_466, %sub3A_486 : i32
          %select_n3A_488 = arith.select %and3A_485, %sub3A_487, %div3A_466 : i32
          %jit3A_489 = arith.constant 8 : i32
          %eq3A_490 = arith.constant 0 : i32
          %eq3A_491 = arith.cmpi eq, %jit3A_489, %eq3A_490 : i32
          %jit3A_492 = arith.constant 1 : i32
          %select_n3A_493 = arith.select %eq3A_491, %jit3A_492, %jit3A_489 : i32
          %rem3A_494 = arith.remsi %scan3A_463, %select_n3A_493 : i32
          %ne3A_495 = arith.constant 0 : i32
          %ne3A_496 = arith.cmpi ne, %rem3A_494, %ne3A_495 : i32
          %lt3A_497 = arith.constant 0 : i32
          %lt3A_498 = arith.cmpi slt, %rem3A_494, %lt3A_497 : i32
          %lt3A_499 = arith.constant 0 : i32
          %lt3A_500 = arith.cmpi slt, %select_n3A_493, %lt3A_499 : i32
          %ne3A_501 = arith.xori %lt3A_498, %lt3A_500 : i1
          %and3A_502 = arith.andi %ne3A_501, %ne3A_496 : i1
          %add3A_503 = arith.addi %rem3A_494, %select_n3A_493 : i32
          %select_n3A_504 = arith.select %and3A_502, %add3A_503, %rem3A_494 : i32
          %mul3A_505 = arith.constant 16 : i32
          %mul3A_506 = arith.muli %select_n3A_504, %mul3A_505 : i32
          %get3A_507 = arith.constant 0 : i32
          %get3A_508 = arith.index_cast %get3A_507 : i32 to index
          %get3A_509 = arith.index_cast %select_n3A_488 : i32 to index
          %get3A_510 = arith.index_cast %mul3A_506 : i32 to index
          %get3A_511 = tpu.vector_load %arg4[%get3A_508, %get3A_509, %get3A_510] {strides = array<i32>} : memref<46x8x128xf32, #tpu.memory_space<vmem>>, vector<16xf32>,
          %scan3A_512 = arith.constant 1 : i32
          %scan3A_513 = arith.constant 45 : i32
          %scan3A_514 = arith.addi %scan3A_512, %scan3A_513 : i32
          %scan3A_515 = arith.constant 1 : i32
          %scan3A_516 = scf.for %scan3A_546 = %scan3A_512 to %scan3A_514 step %scan3A_515 iter_args(%scan3A_547 = %get3A_511) -> (vector<16xf32>)  : i32 {
            %get3A_548 = arith.index_cast %scan3A_546 : i32 to index
            %get3A_549 = arith.index_cast %select_n3A_488 : i32 to index
            %get3A_550 = arith.index_cast %mul3A_506 : i32 to index
            %get3A_551 = tpu.vector_load %arg4[%get3A_548, %get3A_549, %get3A_550] {strides = array<i32>} : memref<46x8x128xf32, #tpu.memory_space<vmem>>, vector<16xf32>,
            %max3A = arith.maximumf %scan3A_547, %get3A_551 : vector<16xf32>
            scf.yield %max3A : vector<16xf32>
          }
          %scan3A_517 = arith.constant 45 : i32
          %scan3A_518 = arith.constant 0 : i32
          %scan3A_519 = arith.constant 45 : i32
          %scan3A_520 = arith.addi %scan3A_518, %scan3A_519 : i32
          %scan3A_521 = arith.constant 1 : i32
          %scan3A_522 = scf.for %scan3A_546 = %scan3A_518 to %scan3A_520 step %scan3A_521 iter_args(%scan3A_547 = %scan3A_516) -> (vector<16xf32>)  : i32 {
            %get3A_548 = arith.index_cast %scan3A_546 : i32 to index
            %get3A_549 = arith.index_cast %select_n3A_488 : i32 to index
            %get3A_550 = arith.index_cast %mul3A_506 : i32 to index
            %get3A_551 = tpu.vector_load %arg5[%get3A_548, %get3A_549, %get3A_550] {strides = array<i32>} : memref<46x8x128xf32, #tpu.memory_space<vmem>>, vector<16xf32>,
            %max3A = arith.maximumf %scan3A_547, %get3A_551 : vector<16xf32>
            scf.yield %max3A : vector<16xf32>
          }
          %scan3A_523 = arith.constant 45 : i32
          %broadcast_in_dim3A_524 = arith.constant 0.000000e+00 : f32
          %broadcast_in_dim3A_525 = vector.broadcast %broadcast_in_dim3A_524 : f32 to vector<16xf32>
          %scan3A_526 = arith.constant 0 : i32
          %scan3A_527 = arith.constant 46 : i32
          %scan3A_528 = arith.addi %scan3A_526, %scan3A_527 : i32
          %scan3A_529 = arith.constant 1 : i32
          %scan3A_530 = scf.for %scan3A_546 = %scan3A_526 to %scan3A_528 step %scan3A_529 iter_args(%scan3A_547 = %broadcast_in_dim3A_525) -> (vector<16xf32>)  : i32 {
            %get3A_548 = arith.index_cast %scan3A_546 : i32 to index
            %get3A_549 = arith.index_cast %select_n3A_488 : i32 to index
            %get3A_550 = arith.index_cast %mul3A_506 : i32 to index
            %get3A_551 = tpu.vector_load %arg4[%get3A_548, %get3A_549, %get3A_550] {strides = array<i32>} : memref<46x8x128xf32, #tpu.memory_space<vmem>>, vector<16xf32>,
            %sub3A_552 = arith.subf %get3A_551, %scan3A_522 : vector<16xf32>
            %exp3A = math.exp %sub3A_552 : vector<16xf32>
            %add3A_553 = arith.addf %scan3A_547, %exp3A : vector<16xf32>
            scf.yield %add3A_553 : vector<16xf32>
          }
          %scan3A_531 = arith.constant 46 : i32
          %scan3A_532 = arith.constant 0 : i32
          %scan3A_533 = arith.constant 45 : i32
          %scan3A_534 = arith.addi %scan3A_532, %scan3A_533 : i32
          %scan3A_535 = arith.constant 1 : i32
          %scan3A_536 = scf.for %scan3A_546 = %scan3A_532 to %scan3A_534 step %scan3A_535 iter_args(%scan3A_547 = %scan3A_530) -> (vector<16xf32>)  : i32 {
            %get3A_548 = arith.index_cast %scan3A_546 : i32 to index
            %get3A_549 = arith.index_cast %select_n3A_488 : i32 to index
            %get3A_550 = arith.index_cast %mul3A_506 : i32 to index
            %get3A_551 = tpu.vector_load %arg5[%get3A_548, %get3A_549, %get3A_550] {strides = array<i32>} : memref<46x8x128xf32, #tpu.memory_space<vmem>>, vector<16xf32>,
            %sub3A_552 = arith.subf %get3A_551, %scan3A_522 : vector<16xf32>
            %exp3A = math.exp %sub3A_552 : vector<16xf32>
            %add3A_553 = arith.addf %scan3A_547, %exp3A : vector<16xf32>
            scf.yield %add3A_553 : vector<16xf32>
          }
          %scan3A_537 = arith.constant 45 : i32
          %div3A_538 = arith.constant 1.000000e+00 : f32
          %div3A_539 = vector.broadcast %div3A_538 : f32 to vector<16xf32>
          %div3A_540 = arith.divf %div3A_539, %scan3A_536 : vector<16xf32>
          %add3A_541 = arith.addi %multiple_of3A_454, %select_n3A_488 : i32
          %swap3A_542 = arith.index_cast %add3A_541 : i32 to index
          %swap3A_543 = arith.index_cast %mul3A_506 : i32 to index
          %swap3A_544 = tpu.vector_load %arg10[%swap3A_542, %swap3A_543] {strides = array<i32>} : memref<100x128xf32, #tpu.memory_space<vmem>>, vector<16xf32>,
          tpu.vector_store %arg10[%swap3A_542, %swap3A_543], %div3A_540 {strides = array<i32>} : memref<100x128xf32, #tpu.memory_space<vmem>>, vector<16xf32>,
          %scan3A_545 = arith.constant 0 : i32
          scf.yield %scan3A_545 : i32
        }
        %scan3A_461 = arith.constant 64 : i32
        %scan3A_462 = arith.constant 0 : i32
        scf.yield %scan3A_462 : i32
      }
      %scan3A_348 = arith.constant 12 : i32
      "tpu.region"() ({
        %run_scoped3A = tpu.sem_alloc : memref<!tpu.dma_semaphore, #tpu.memory_space<semaphore_mem>>
        %dma_start3A_450 = arith.constant 0 : i32
        %dma_start3A_451 = arith.constant 0 : i32
        %dma_start3A_452 = arith.constant 0 : i32
        %dma_start3A_453 = tpu.memref_slice %arg4[%dma_start3A_450, %dma_start3A_451, %dma_start3A_452] : memref<46x8x128xf32, #tpu.memory_space<vmem>> -> memref<46x4x128xf32, #tpu.memory_space<vmem>>
        %dma_start3A_454 = arith.constant 0 : i32
        %dma_start3A_455 = arith.constant 96 : i32
        %dma_start3A_456 = tpu.memref_slice %arg2[%dma_start3A_454, %dma_start3A_455, %mul3A_32] : memref<92x100x1024xf32, #tpu.memory_space<hbm>> -> memref<46x4x128xf32, #tpu.memory_space<hbm>>
        %dma_start3A_457 = arith.constant 0 : i32
        %dma_start3A_458 = arith.constant 0 : i32
        %dma_start3A_459 = arith.constant 0 : i32
        %dma_start3A_460 = tpu.memref_slice %arg4[%dma_start3A_457, %dma_start3A_458, %dma_start3A_459] : memref<46x8x128xf32, #tpu.memory_space<vmem>> -> memref<46x4x128xf32, #tpu.memory_space<vmem>>
        %dma_start3A_461 = arith.constant 0 : i32
        %dma_start3A_462 = arith.constant 96 : i32
        %dma_start3A_463 = tpu.memref_slice %arg2[%dma_start3A_461, %dma_start3A_462, %mul3A_32] : memref<92x100x1024xf32, #tpu.memory_space<hbm>> -> memref<46x4x128xf32, #tpu.memory_space<hbm>>
        tpu.enqueue_dma source(%dma_start3A_463 : memref<46x4x128xf32, #tpu.memory_space<hbm>>) target(%dma_start3A_460 : memref<46x4x128xf32, #tpu.memory_space<vmem>>) target_semaphore(%run_scoped3A : memref<!tpu.dma_semaphore, #tpu.memory_space<semaphore_mem>>)
        %dma_wait3A = arith.constant 0 : i32
        %dma_wait3A_464 = arith.constant 0 : i32
        %dma_wait3A_465 = arith.constant 0 : i32
        %dma_wait3A_466 = tpu.memref_slice %arg4[%dma_wait3A, %dma_wait3A_464, %dma_wait3A_465] : memref<46x8x128xf32, #tpu.memory_space<vmem>> -> memref<46x4x128xf32, #tpu.memory_space<vmem>>
        %dma_wait3A_467 = arith.constant 0 : i32
        %dma_wait3A_468 = arith.constant 96 : i32
        %dma_wait3A_469 = tpu.memref_slice %arg2[%dma_wait3A_467, %dma_wait3A_468, %mul3A_32] : memref<92x100x1024xf32, #tpu.memory_space<hbm>> -> memref<46x4x128xf32, #tpu.memory_space<hbm>>
        %dma_wait3A_470 = arith.constant 0 : i32
        %dma_wait3A_471 = arith.constant 0 : i32
        %dma_wait3A_472 = arith.constant 0 : i32
        %dma_wait3A_473 = tpu.memref_slice %arg4[%dma_wait3A_470, %dma_wait3A_471, %dma_wait3A_472] : memref<46x8x128xf32, #tpu.memory_space<vmem>> -> memref<46x4x128xf32, #tpu.memory_space<vmem>>
        %dma_wait3A_474 = arith.constant 0 : i32
        %dma_wait3A_475 = arith.constant 96 : i32
        %dma_wait3A_476 = tpu.memref_slice %arg2[%dma_wait3A_474, %dma_wait3A_475, %mul3A_32] : memref<92x100x1024xf32, #tpu.memory_space<hbm>> -> memref<46x4x128xf32, #tpu.memory_space<hbm>>
        tpu.wait_dma2 semaphore(%run_scoped3A : memref<!tpu.dma_semaphore, #tpu.memory_space<semaphore_mem>>) src(%dma_wait3A_476 : memref<46x4x128xf32, #tpu.memory_space<hbm>>) dst(%dma_wait3A_473 : memref<46x4x128xf32, #tpu.memory_space<vmem>>)
        tpu.yield
      }) : () -> ()
      "tpu.region"() ({
        %run_scoped3A = tpu.sem_alloc : memref<!tpu.dma_semaphore, #tpu.memory_space<semaphore_mem>>
        %dma_start3A_450 = arith.constant 0 : i32
        %dma_start3A_451 = arith.constant 0 : i32
        %dma_start3A_452 = arith.constant 0 : i32
        %dma_start3A_453 = tpu.memref_slice %arg5[%dma_start3A_450, %dma_start3A_451, %dma_start3A_452] : memref<46x8x128xf32, #tpu.memory_space<vmem>> -> memref<46x4x128xf32, #tpu.memory_space<vmem>>
        %dma_start3A_454 = arith.constant 46 : i32
        %dma_start3A_455 = arith.constant 96 : i32
        %dma_start3A_456 = tpu.memref_slice %arg2[%dma_start3A_454, %dma_start3A_455, %mul3A_32] : memref<92x100x1024xf32, #tpu.memory_space<hbm>> -> memref<46x4x128xf32, #tpu.memory_space<hbm>>
        %dma_start3A_457 = arith.constant 0 : i32
        %dma_start3A_458 = arith.constant 0 : i32
        %dma_start3A_459 = arith.constant 0 : i32
        %dma_start3A_460 = tpu.memref_slice %arg5[%dma_start3A_457, %dma_start3A_458, %dma_start3A_459] : memref<46x8x128xf32, #tpu.memory_space<vmem>> -> memref<46x4x128xf32, #tpu.memory_space<vmem>>
        %dma_start3A_461 = arith.constant 46 : i32
        %dma_start3A_462 = arith.constant 96 : i32
        %dma_start3A_463 = tpu.memref_slice %arg2[%dma_start3A_461, %dma_start3A_462, %mul3A_32] : memref<92x100x1024xf32, #tpu.memory_space<hbm>> -> memref<46x4x128xf32, #tpu.memory_space<hbm>>
        tpu.enqueue_dma source(%dma_start3A_463 : memref<46x4x128xf32, #tpu.memory_space<hbm>>) target(%dma_start3A_460 : memref<46x4x128xf32, #tpu.memory_space<vmem>>) target_semaphore(%run_scoped3A : memref<!tpu.dma_semaphore, #tpu.memory_space<semaphore_mem>>)
        %dma_wait3A = arith.constant 0 : i32
        %dma_wait3A_464 = arith.constant 0 : i32
        %dma_wait3A_465 = arith.constant 0 : i32
        %dma_wait3A_466 = tpu.memref_slice %arg5[%dma_wait3A, %dma_wait3A_464, %dma_wait3A_465] : memref<46x8x128xf32, #tpu.memory_space<vmem>> -> memref<46x4x128xf32, #tpu.memory_space<vmem>>
        %dma_wait3A_467 = arith.constant 46 : i32
        %dma_wait3A_468 = arith.constant 96 : i32
        %dma_wait3A_469 = tpu.memref_slice %arg2[%dma_wait3A_467, %dma_wait3A_468, %mul3A_32] : memref<92x100x1024xf32, #tpu.memory_space<hbm>> -> memref<46x4x128xf32, #tpu.memory_space<hbm>>
        %dma_wait3A_470 = arith.constant 0 : i32
        %dma_wait3A_471 = arith.constant 0 : i32
        %dma_wait3A_472 = arith.constant 0 : i32
        %dma_wait3A_473 = tpu.memref_slice %arg5[%dma_wait3A_470, %dma_wait3A_471, %dma_wait3A_472] : memref<46x8x128xf32, #tpu.memory_space<vmem>> -> memref<46x4x128xf32, #tpu.memory_space<vmem>>
        %dma_wait3A_474 = arith.constant 46 : i32
        %dma_wait3A_475 = arith.constant 96 : i32
        %dma_wait3A_476 = tpu.memref_slice %arg2[%dma_wait3A_474, %dma_wait3A_475, %mul3A_32] : memref<92x100x1024xf32, #tpu.memory_space<hbm>> -> memref<46x4x128xf32, #tpu.memory_space<hbm>>
        tpu.wait_dma2 semaphore(%run_scoped3A : memref<!tpu.dma_semaphore, #tpu.memory_space<semaphore_mem>>) src(%dma_wait3A_476 : memref<46x4x128xf32, #tpu.memory_space<hbm>>) dst(%dma_wait3A_473 : memref<46x4x128xf32, #tpu.memory_space<vmem>>)
        tpu.yield
      }) : () -> ()
      %scan3A_349 = arith.constant 0 : i32
      %scan3A_350 = arith.constant 0 : i32
      %scan3A_351 = arith.constant 32 : i32
      %scan3A_352 = arith.addi %scan3A_350, %scan3A_351 : i32
      %scan3A_353 = arith.constant 1 : i32
      %scan3A_354 = scf.for %scan3A_450 = %scan3A_350 to %scan3A_352 step %scan3A_353 iter_args(%scan3A_451 = %scan3A_349) -> (i32)  : i32 {
        %jit3A_452 = arith.constant 8 : i32
        %div3A_453 = arith.divsi %scan3A_450, %jit3A_452 : i32
        %sign3A_454 = arith.constant 0 : i32
        %sign3A_455 = arith.cmpi sgt, %scan3A_450, %sign3A_454 : i32
        %sign3A_456 = arith.extui %sign3A_455 : i1 to i32
        %sign3A_457 = arith.constant 0 : i32
        %sign3A_458 = arith.cmpi slt, %scan3A_450, %sign3A_457 : i32
        %sign3A_459 = arith.extui %sign3A_458 : i1 to i32
        %sign3A_460 = arith.subi %sign3A_456, %sign3A_459 : i32
        %sign3A_461 = arith.constant 0 : i32
        %sign3A_462 = arith.cmpi sgt, %jit3A_452, %sign3A_461 : i32
        %sign3A_463 = arith.extui %sign3A_462 : i1 to i32
        %sign3A_464 = arith.constant 0 : i32
        %sign3A_465 = arith.cmpi slt, %jit3A_452, %sign3A_464 : i32
        %sign3A_466 = arith.extui %sign3A_465 : i1 to i32
        %sign3A_467 = arith.subi %sign3A_463, %sign3A_466 : i32
        %ne3A_468 = arith.cmpi ne, %sign3A_460, %sign3A_467 : i32
        %rem3A_469 = arith.remsi %scan3A_450, %jit3A_452 : i32
        %ne3A_470 = arith.constant 0 : i32
        %ne3A_471 = arith.cmpi ne, %rem3A_469, %ne3A_470 : i32
        %and3A_472 = arith.andi %ne3A_468, %ne3A_471 : i1
        %sub3A_473 = arith.constant 1 : i32
        %sub3A_474 = arith.subi %div3A_453, %sub3A_473 : i32
        %select_n3A_475 = arith.select %and3A_472, %sub3A_474, %div3A_453 : i32
        %jit3A_476 = arith.constant 8 : i32
        %eq3A_477 = arith.constant 0 : i32
        %eq3A_478 = arith.cmpi eq, %jit3A_476, %eq3A_477 : i32
        %jit3A_479 = arith.constant 1 : i32
        %select_n3A_480 = arith.select %eq3A_478, %jit3A_479, %jit3A_476 : i32
        %rem3A_481 = arith.remsi %scan3A_450, %select_n3A_480 : i32
        %ne3A_482 = arith.constant 0 : i32
        %ne3A_483 = arith.cmpi ne, %rem3A_481, %ne3A_482 : i32
        %lt3A_484 = arith.constant 0 : i32
        %lt3A_485 = arith.cmpi slt, %rem3A_481, %lt3A_484 : i32
        %lt3A_486 = arith.constant 0 : i32
        %lt3A_487 = arith.cmpi slt, %select_n3A_480, %lt3A_486 : i32
        %ne3A_488 = arith.xori %lt3A_485, %lt3A_487 : i1
        %and3A_489 = arith.andi %ne3A_488, %ne3A_483 : i1
        %add3A_490 = arith.addi %rem3A_481, %select_n3A_480 : i32
        %select_n3A_491 = arith.select %and3A_489, %add3A_490, %rem3A_481 : i32
        %mul3A_492 = arith.constant 16 : i32
        %mul3A_493 = arith.muli %select_n3A_491, %mul3A_492 : i32
        %get3A_494 = arith.constant 0 : i32
        %get3A_495 = arith.index_cast %get3A_494 : i32 to index
        %get3A_496 = arith.index_cast %select_n3A_475 : i32 to index
        %get3A_497 = arith.index_cast %mul3A_493 : i32 to index
        %get3A_498 = tpu.vector_load %arg4[%get3A_495, %get3A_496, %get3A_497] {strides = array<i32>} : memref<46x8x128xf32, #tpu.memory_space<vmem>>, vector<16xf32>,
        %scan3A_499 = arith.constant 1 : i32
        %scan3A_500 = arith.constant 45 : i32
        %scan3A_501 = arith.addi %scan3A_499, %scan3A_500 : i32
        %scan3A_502 = arith.constant 1 : i32
        %scan3A_503 = scf.for %scan3A_534 = %scan3A_499 to %scan3A_501 step %scan3A_502 iter_args(%scan3A_535 = %get3A_498) -> (vector<16xf32>)  : i32 {
          %get3A_536 = arith.index_cast %scan3A_534 : i32 to index
          %get3A_537 = arith.index_cast %select_n3A_475 : i32 to index
          %get3A_538 = arith.index_cast %mul3A_493 : i32 to index
          %get3A_539 = tpu.vector_load %arg4[%get3A_536, %get3A_537, %get3A_538] {strides = array<i32>} : memref<46x8x128xf32, #tpu.memory_space<vmem>>, vector<16xf32>,
          %max3A = arith.maximumf %scan3A_535, %get3A_539 : vector<16xf32>
          scf.yield %max3A : vector<16xf32>
        }
        %scan3A_504 = arith.constant 45 : i32
        %scan3A_505 = arith.constant 0 : i32
        %scan3A_506 = arith.constant 45 : i32
        %scan3A_507 = arith.addi %scan3A_505, %scan3A_506 : i32
        %scan3A_508 = arith.constant 1 : i32
        %scan3A_509 = scf.for %scan3A_534 = %scan3A_505 to %scan3A_507 step %scan3A_508 iter_args(%scan3A_535 = %scan3A_503) -> (vector<16xf32>)  : i32 {
          %get3A_536 = arith.index_cast %scan3A_534 : i32 to index
          %get3A_537 = arith.index_cast %select_n3A_475 : i32 to index
          %get3A_538 = arith.index_cast %mul3A_493 : i32 to index
          %get3A_539 = tpu.vector_load %arg5[%get3A_536, %get3A_537, %get3A_538] {strides = array<i32>} : memref<46x8x128xf32, #tpu.memory_space<vmem>>, vector<16xf32>,
          %max3A = arith.maximumf %scan3A_535, %get3A_539 : vector<16xf32>
          scf.yield %max3A : vector<16xf32>
        }
        %scan3A_510 = arith.constant 45 : i32
        %broadcast_in_dim3A_511 = arith.constant 0.000000e+00 : f32
        %broadcast_in_dim3A_512 = vector.broadcast %broadcast_in_dim3A_511 : f32 to vector<16xf32>
        %scan3A_513 = arith.constant 0 : i32
        %scan3A_514 = arith.constant 46 : i32
        %scan3A_515 = arith.addi %scan3A_513, %scan3A_514 : i32
        %scan3A_516 = arith.constant 1 : i32
        %scan3A_517 = scf.for %scan3A_534 = %scan3A_513 to %scan3A_515 step %scan3A_516 iter_args(%scan3A_535 = %broadcast_in_dim3A_512) -> (vector<16xf32>)  : i32 {
          %get3A_536 = arith.index_cast %scan3A_534 : i32 to index
          %get3A_537 = arith.index_cast %select_n3A_475 : i32 to index
          %get3A_538 = arith.index_cast %mul3A_493 : i32 to index
          %get3A_539 = tpu.vector_load %arg4[%get3A_536, %get3A_537, %get3A_538] {strides = array<i32>} : memref<46x8x128xf32, #tpu.memory_space<vmem>>, vector<16xf32>,
          %sub3A_540 = arith.subf %get3A_539, %scan3A_509 : vector<16xf32>
          %exp3A = math.exp %sub3A_540 : vector<16xf32>
          %add3A_541 = arith.addf %scan3A_535, %exp3A : vector<16xf32>
          scf.yield %add3A_541 : vector<16xf32>
        }
        %scan3A_518 = arith.constant 46 : i32
        %scan3A_519 = arith.constant 0 : i32
        %scan3A_520 = arith.constant 45 : i32
        %scan3A_521 = arith.addi %scan3A_519, %scan3A_520 : i32
        %scan3A_522 = arith.constant 1 : i32
        %scan3A_523 = scf.for %scan3A_534 = %scan3A_519 to %scan3A_521 step %scan3A_522 iter_args(%scan3A_535 = %scan3A_517) -> (vector<16xf32>)  : i32 {
          %get3A_536 = arith.index_cast %scan3A_534 : i32 to index
          %get3A_537 = arith.index_cast %select_n3A_475 : i32 to index
          %get3A_538 = arith.index_cast %mul3A_493 : i32 to index
          %get3A_539 = tpu.vector_load %arg5[%get3A_536, %get3A_537, %get3A_538] {strides = array<i32>} : memref<46x8x128xf32, #tpu.memory_space<vmem>>, vector<16xf32>,
          %sub3A_540 = arith.subf %get3A_539, %scan3A_509 : vector<16xf32>
          %exp3A = math.exp %sub3A_540 : vector<16xf32>
          %add3A_541 = arith.addf %scan3A_535, %exp3A : vector<16xf32>
          scf.yield %add3A_541 : vector<16xf32>
        }
        %scan3A_524 = arith.constant 45 : i32
        %div3A_525 = arith.constant 1.000000e+00 : f32
        %div3A_526 = vector.broadcast %div3A_525 : f32 to vector<16xf32>
        %div3A_527 = arith.divf %div3A_526, %scan3A_523 : vector<16xf32>
        %add3A_528 = arith.constant 96 : i32
        %add3A_529 = arith.addi %add3A_528, %select_n3A_475 : i32
        %swap3A_530 = arith.index_cast %add3A_529 : i32 to index
        %swap3A_531 = arith.index_cast %mul3A_493 : i32 to index
        %swap3A_532 = tpu.vector_load %arg10[%swap3A_530, %swap3A_531] {strides = array<i32>} : memref<100x128xf32, #tpu.memory_space<vmem>>, vector<16xf32>,
        tpu.vector_store %arg10[%swap3A_530, %swap3A_531], %div3A_527 {strides = array<i32>} : memref<100x128xf32, #tpu.memory_space<vmem>>, vector<16xf32>,
        %scan3A_533 = arith.constant 0 : i32
        scf.yield %scan3A_533 : i32
      }
      %scan3A_355 = arith.constant 32 : i32
      %scan3A_356 = arith.constant 0 : i32
      %scan3A_357 = arith.constant 0 : i32
      %scan3A_358 = arith.constant 4 : i32
      %scan3A_359 = arith.addi %scan3A_357, %scan3A_358 : i32
      %scan3A_360 = arith.constant 1 : i32
      %scan3A_361 = scf.for %scan3A_450 = %scan3A_357 to %scan3A_359 step %scan3A_360 iter_args(%scan3A_451 = %scan3A_356) -> (i32)  : i32 {
        %get3A_452 = arith.constant 0 : i32
        %get3A_453 = arith.index_cast %get3A_452 : i32 to index
        %get3A_454 = arith.constant 0 : index
        %get3A_455 = tpu.vector_load %arg10[%get3A_453, %get3A_454] {strides = array<i32>} : memref<100x128xf32, #tpu.memory_space<vmem>>, vector<16xf32>,
        %scan3A_456 = arith.constant 1 : i32
        %scan3A_457 = arith.constant 99 : i32
        %scan3A_458 = arith.addi %scan3A_456, %scan3A_457 : i32
        %scan3A_459 = arith.constant 1 : i32
        %scan3A_460 = scf.for %scan3A_653 = %scan3A_456 to %scan3A_458 step %scan3A_459 iter_args(%scan3A_654 = %get3A_455) -> (vector<16xf32>)  : i32 {
          %get3A_655 = arith.index_cast %scan3A_653 : i32 to index
          %get3A_656 = arith.constant 0 : index
          %get3A_657 = tpu.vector_load %arg10[%get3A_655, %get3A_656] {strides = array<i32>} : memref<100x128xf32, #tpu.memory_space<vmem>>, vector<16xf32>,
          %max3A = arith.maximumf %scan3A_654, %get3A_657 : vector<16xf32>
          scf.yield %max3A : vector<16xf32>
        }
        %scan3A_461 = arith.constant 99 : i32
        %broadcast_in_dim3A_462 = arith.constant 1000000000 : i32
        %broadcast_in_dim3A_463 = vector.broadcast %broadcast_in_dim3A_462 : i32 to vector<16xi32>
        %scan3A_464 = arith.constant 0 : i32
        %scan3A_465 = arith.constant 100 : i32
        %scan3A_466 = arith.addi %scan3A_464, %scan3A_465 : i32
        %scan3A_467 = arith.constant 1 : i32
        %scan3A_468 = scf.for %scan3A_653 = %scan3A_464 to %scan3A_466 step %scan3A_467 iter_args(%scan3A_654 = %broadcast_in_dim3A_463) -> (vector<16xi32>)  : i32 {
          %get3A_655 = arith.index_cast %scan3A_653 : i32 to index
          %get3A_656 = arith.constant 0 : index
          %get3A_657 = tpu.vector_load %arg10[%get3A_655, %get3A_656] {strides = array<i32>} : memref<100x128xf32, #tpu.memory_space<vmem>>, vector<16xf32>,
          %eq3A_658 = arith.cmpf oeq, %get3A_657, %scan3A_460 : vector<16xf32>
          %jit3A_659 = arith.constant 1000000000 : i32
          %broadcast_in_dim3A_660 = vector.broadcast %scan3A_653 : i32 to vector<16xi32>
          %broadcast_in_dim3A_661 = vector.broadcast %jit3A_659 : i32 to vector<16xi32>
          %select_n3A_662 = arith.select %eq3A_658, %broadcast_in_dim3A_660, %broadcast_in_dim3A_661 : vector<16xi1>, vector<16xi32>
          %min3A = arith.minsi %scan3A_654, %select_n3A_662 : vector<16xi32>
          scf.yield %min3A : vector<16xi32>
        }
        %scan3A_469 = arith.constant 100 : i32
        %scan3A_470 = arith.constant 0 : i32
        %scan3A_471 = arith.constant 0 : i32
        %scan3A_472 = arith.constant 100 : i32
        %scan3A_473 = arith.addi %scan3A_471, %scan3A_472 : i32
        %scan3A_474 = arith.constant 1 : i32
        %scan3A_475 = scf.for %scan3A_653 = %scan3A_471 to %scan3A_473 step %scan3A_474 iter_args(%scan3A_654 = %scan3A_470) -> (i32)  : i32 {
          %get3A_655 = arith.index_cast %scan3A_653 : i32 to index
          %get3A_656 = arith.constant 0 : index
          %get3A_657 = tpu.vector_load %arg10[%get3A_655, %get3A_656] {strides = array<i32>} : memref<100x128xf32, #tpu.memory_space<vmem>>, vector<16xf32>,
          %eq3A_658 = vector.broadcast %scan3A_653 : i32 to vector<16xi32>
          %eq3A_659 = arith.cmpi eq, %scan3A_468, %eq3A_658 : vector<16xi32>
          %jit3A_660 = arith.constant -2.000000e+00 : f32
          %broadcast_in_dim3A_661 = vector.broadcast %jit3A_660 : f32 to vector<16xf32>
          %select_n3A_662 = arith.select %eq3A_659, %broadcast_in_dim3A_661, %get3A_657 : vector<16xi1>, vector<16xf32>
          %swap3A_663 = arith.index_cast %scan3A_653 : i32 to index
          %swap3A_664 = arith.constant 0 : index
          %swap3A_665 = tpu.vector_load %arg10[%swap3A_663, %swap3A_664] {strides = array<i32>} : memref<100x128xf32, #tpu.memory_space<vmem>>, vector<16xf32>,
          tpu.vector_store %arg10[%swap3A_663, %swap3A_664], %select_n3A_662 {strides = array<i32>} : memref<100x128xf32, #tpu.memory_space<vmem>>, vector<16xf32>,
          %scan3A_666 = arith.constant 0 : i32
          scf.yield %scan3A_666 : i32
        }
        %scan3A_476 = arith.constant 100 : i32
        %get3A_477 = arith.constant 0 : i32
        %get3A_478 = arith.index_cast %get3A_477 : i32 to index
        %get3A_479 = arith.constant 16 : index
        %get3A_480 = tpu.vector_load %arg10[%get3A_478, %get3A_479] {strides = array<i32>} : memref<100x128xf32, #tpu.memory_space<vmem>>, vector<16xf32>,
        %scan3A_481 = arith.constant 1 : i32
        %scan3A_482 = arith.constant 99 : i32
        %scan3A_483 = arith.addi %scan3A_481, %scan3A_482 : i32
        %scan3A_484 = arith.constant 1 : i32
        %scan3A_485 = scf.for %scan3A_653 = %scan3A_481 to %scan3A_483 step %scan3A_484 iter_args(%scan3A_654 = %get3A_480) -> (vector<16xf32>)  : i32 {
          %get3A_655 = arith.index_cast %scan3A_653 : i32 to index
          %get3A_656 = arith.constant 16 : index
          %get3A_657 = tpu.vector_load %arg10[%get3A_655, %get3A_656] {strides = array<i32>} : memref<100x128xf32, #tpu.memory_space<vmem>>, vector<16xf32>,
          %max3A = arith.maximumf %scan3A_654, %get3A_657 : vector<16xf32>
          scf.yield %max3A : vector<16xf32>
        }
        %scan3A_486 = arith.constant 99 : i32
        %broadcast_in_dim3A_487 = arith.constant 1000000000 : i32
        %broadcast_in_dim3A_488 = vector.broadcast %broadcast_in_dim3A_487 : i32 to vector<16xi32>
        %scan3A_489 = arith.constant 0 : i32
        %scan3A_490 = arith.constant 100 : i32
        %scan3A_491 = arith.addi %scan3A_489, %scan3A_490 : i32
        %scan3A_492 = arith.constant 1 : i32
        %scan3A_493 = scf.for %scan3A_653 = %scan3A_489 to %scan3A_491 step %scan3A_492 iter_args(%scan3A_654 = %broadcast_in_dim3A_488) -> (vector<16xi32>)  : i32 {
          %get3A_655 = arith.index_cast %scan3A_653 : i32 to index
          %get3A_656 = arith.constant 16 : index
          %get3A_657 = tpu.vector_load %arg10[%get3A_655, %get3A_656] {strides = array<i32>} : memref<100x128xf32, #tpu.memory_space<vmem>>, vector<16xf32>,
          %eq3A_658 = arith.cmpf oeq, %get3A_657, %scan3A_485 : vector<16xf32>
          %jit3A_659 = arith.constant 1000000000 : i32
          %broadcast_in_dim3A_660 = vector.broadcast %scan3A_653 : i32 to vector<16xi32>
          %broadcast_in_dim3A_661 = vector.broadcast %jit3A_659 : i32 to vector<16xi32>
          %select_n3A_662 = arith.select %eq3A_658, %broadcast_in_dim3A_660, %broadcast_in_dim3A_661 : vector<16xi1>, vector<16xi32>
          %min3A = arith.minsi %scan3A_654, %select_n3A_662 : vector<16xi32>
          scf.yield %min3A : vector<16xi32>
        }
        %scan3A_494 = arith.constant 100 : i32
        %scan3A_495 = arith.constant 0 : i32
        %scan3A_496 = arith.constant 0 : i32
        %scan3A_497 = arith.constant 100 : i32
        %scan3A_498 = arith.addi %scan3A_496, %scan3A_497 : i32
        %scan3A_499 = arith.constant 1 : i32
        %scan3A_500 = scf.for %scan3A_653 = %scan3A_496 to %scan3A_498 step %scan3A_499 iter_args(%scan3A_654 = %scan3A_495) -> (i32)  : i32 {
          %get3A_655 = arith.index_cast %scan3A_653 : i32 to index
          %get3A_656 = arith.constant 16 : index
          %get3A_657 = tpu.vector_load %arg10[%get3A_655, %get3A_656] {strides = array<i32>} : memref<100x128xf32, #tpu.memory_space<vmem>>, vector<16xf32>,
          %eq3A_658 = vector.broadcast %scan3A_653 : i32 to vector<16xi32>
          %eq3A_659 = arith.cmpi eq, %scan3A_493, %eq3A_658 : vector<16xi32>
          %jit3A_660 = arith.constant -2.000000e+00 : f32
          %broadcast_in_dim3A_661 = vector.broadcast %jit3A_660 : f32 to vector<16xf32>
          %select_n3A_662 = arith.select %eq3A_659, %broadcast_in_dim3A_661, %get3A_657 : vector<16xi1>, vector<16xf32>
          %swap3A_663 = arith.index_cast %scan3A_653 : i32 to index
          %swap3A_664 = arith.constant 16 : index
          %swap3A_665 = tpu.vector_load %arg10[%swap3A_663, %swap3A_664] {strides = array<i32>} : memref<100x128xf32, #tpu.memory_space<vmem>>, vector<16xf32>,
          tpu.vector_store %arg10[%swap3A_663, %swap3A_664], %select_n3A_662 {strides = array<i32>} : memref<100x128xf32, #tpu.memory_space<vmem>>, vector<16xf32>,
          %scan3A_666 = arith.constant 0 : i32
          scf.yield %scan3A_666 : i32
        }
        %scan3A_501 = arith.constant 100 : i32
        %get3A_502 = arith.constant 0 : i32
        %get3A_503 = arith.index_cast %get3A_502 : i32 to index
        %get3A_504 = arith.constant 32 : index
        %get3A_505 = tpu.vector_load %arg10[%get3A_503, %get3A_504] {strides = array<i32>} : memref<100x128xf32, #tpu.memory_space<vmem>>, vector<16xf32>,
        %scan3A_506 = arith.constant 1 : i32
        %scan3A_507 = arith.constant 99 : i32
        %scan3A_508 = arith.addi %scan3A_506, %scan3A_507 : i32
        %scan3A_509 = arith.constant 1 : i32
        %scan3A_510 = scf.for %scan3A_653 = %scan3A_506 to %scan3A_508 step %scan3A_509 iter_args(%scan3A_654 = %get3A_505) -> (vector<16xf32>)  : i32 {
          %get3A_655 = arith.index_cast %scan3A_653 : i32 to index
          %get3A_656 = arith.constant 32 : index
          %get3A_657 = tpu.vector_load %arg10[%get3A_655, %get3A_656] {strides = array<i32>} : memref<100x128xf32, #tpu.memory_space<vmem>>, vector<16xf32>,
          %max3A = arith.maximumf %scan3A_654, %get3A_657 : vector<16xf32>
          scf.yield %max3A : vector<16xf32>
        }
        %scan3A_511 = arith.constant 99 : i32
        %broadcast_in_dim3A_512 = arith.constant 1000000000 : i32
        %broadcast_in_dim3A_513 = vector.broadcast %broadcast_in_dim3A_512 : i32 to vector<16xi32>
        %scan3A_514 = arith.constant 0 : i32
        %scan3A_515 = arith.constant 100 : i32
        %scan3A_516 = arith.addi %scan3A_514, %scan3A_515 : i32
        %scan3A_517 = arith.constant 1 : i32
        %scan3A_518 = scf.for %scan3A_653 = %scan3A_514 to %scan3A_516 step %scan3A_517 iter_args(%scan3A_654 = %broadcast_in_dim3A_513) -> (vector<16xi32>)  : i32 {
          %get3A_655 = arith.index_cast %scan3A_653 : i32 to index
          %get3A_656 = arith.constant 32 : index
          %get3A_657 = tpu.vector_load %arg10[%get3A_655, %get3A_656] {strides = array<i32>} : memref<100x128xf32, #tpu.memory_space<vmem>>, vector<16xf32>,
          %eq3A_658 = arith.cmpf oeq, %get3A_657, %scan3A_510 : vector<16xf32>
          %jit3A_659 = arith.constant 1000000000 : i32
          %broadcast_in_dim3A_660 = vector.broadcast %scan3A_653 : i32 to vector<16xi32>
          %broadcast_in_dim3A_661 = vector.broadcast %jit3A_659 : i32 to vector<16xi32>
          %select_n3A_662 = arith.select %eq3A_658, %broadcast_in_dim3A_660, %broadcast_in_dim3A_661 : vector<16xi1>, vector<16xi32>
          %min3A = arith.minsi %scan3A_654, %select_n3A_662 : vector<16xi32>
          scf.yield %min3A : vector<16xi32>
        }
        %scan3A_519 = arith.constant 100 : i32
        %scan3A_520 = arith.constant 0 : i32
        %scan3A_521 = arith.constant 0 : i32
        %scan3A_522 = arith.constant 100 : i32
        %scan3A_523 = arith.addi %scan3A_521, %scan3A_522 : i32
        %scan3A_524 = arith.constant 1 : i32
        %scan3A_525 = scf.for %scan3A_653 = %scan3A_521 to %scan3A_523 step %scan3A_524 iter_args(%scan3A_654 = %scan3A_520) -> (i32)  : i32 {
          %get3A_655 = arith.index_cast %scan3A_653 : i32 to index
          %get3A_656 = arith.constant 32 : index
          %get3A_657 = tpu.vector_load %arg10[%get3A_655, %get3A_656] {strides = array<i32>} : memref<100x128xf32, #tpu.memory_space<vmem>>, vector<16xf32>,
          %eq3A_658 = vector.broadcast %scan3A_653 : i32 to vector<16xi32>
          %eq3A_659 = arith.cmpi eq, %scan3A_518, %eq3A_658 : vector<16xi32>
          %jit3A_660 = arith.constant -2.000000e+00 : f32
          %broadcast_in_dim3A_661 = vector.broadcast %jit3A_660 : f32 to vector<16xf32>
          %select_n3A_662 = arith.select %eq3A_659, %broadcast_in_dim3A_661, %get3A_657 : vector<16xi1>, vector<16xf32>
          %swap3A_663 = arith.index_cast %scan3A_653 : i32 to index
          %swap3A_664 = arith.constant 32 : index
          %swap3A_665 = tpu.vector_load %arg10[%swap3A_663, %swap3A_664] {strides = array<i32>} : memref<100x128xf32, #tpu.memory_space<vmem>>, vector<16xf32>,
          tpu.vector_store %arg10[%swap3A_663, %swap3A_664], %select_n3A_662 {strides = array<i32>} : memref<100x128xf32, #tpu.memory_space<vmem>>, vector<16xf32>,
          %scan3A_666 = arith.constant 0 : i32
          scf.yield %scan3A_666 : i32
        }
        %scan3A_526 = arith.constant 100 : i32
        %get3A_527 = arith.constant 0 : i32
        %get3A_528 = arith.index_cast %get3A_527 : i32 to index
        %get3A_529 = arith.constant 48 : index
        %get3A_530 = tpu.vector_load %arg10[%get3A_528, %get3A_529] {strides = array<i32>} : memref<100x128xf32, #tpu.memory_space<vmem>>, vector<16xf32>,
        %scan3A_531 = arith.constant 1 : i32
        %scan3A_532 = arith.constant 99 : i32
        %scan3A_533 = arith.addi %scan3A_531, %scan3A_532 : i32
        %scan3A_534 = arith.constant 1 : i32
        %scan3A_535 = scf.for %scan3A_653 = %scan3A_531 to %scan3A_533 step %scan3A_534 iter_args(%scan3A_654 = %get3A_530) -> (vector<16xf32>)  : i32 {
          %get3A_655 = arith.index_cast %scan3A_653 : i32 to index
          %get3A_656 = arith.constant 48 : index
          %get3A_657 = tpu.vector_load %arg10[%get3A_655, %get3A_656] {strides = array<i32>} : memref<100x128xf32, #tpu.memory_space<vmem>>, vector<16xf32>,
          %max3A = arith.maximumf %scan3A_654, %get3A_657 : vector<16xf32>
          scf.yield %max3A : vector<16xf32>
        }
        %scan3A_536 = arith.constant 99 : i32
        %broadcast_in_dim3A_537 = arith.constant 1000000000 : i32
        %broadcast_in_dim3A_538 = vector.broadcast %broadcast_in_dim3A_537 : i32 to vector<16xi32>
        %scan3A_539 = arith.constant 0 : i32
        %scan3A_540 = arith.constant 100 : i32
        %scan3A_541 = arith.addi %scan3A_539, %scan3A_540 : i32
        %scan3A_542 = arith.constant 1 : i32
        %scan3A_543 = scf.for %scan3A_653 = %scan3A_539 to %scan3A_541 step %scan3A_542 iter_args(%scan3A_654 = %broadcast_in_dim3A_538) -> (vector<16xi32>)  : i32 {
          %get3A_655 = arith.index_cast %scan3A_653 : i32 to index
          %get3A_656 = arith.constant 48 : index
          %get3A_657 = tpu.vector_load %arg10[%get3A_655, %get3A_656] {strides = array<i32>} : memref<100x128xf32, #tpu.memory_space<vmem>>, vector<16xf32>,
          %eq3A_658 = arith.cmpf oeq, %get3A_657, %scan3A_535 : vector<16xf32>
          %jit3A_659 = arith.constant 1000000000 : i32
          %broadcast_in_dim3A_660 = vector.broadcast %scan3A_653 : i32 to vector<16xi32>
          %broadcast_in_dim3A_661 = vector.broadcast %jit3A_659 : i32 to vector<16xi32>
          %select_n3A_662 = arith.select %eq3A_658, %broadcast_in_dim3A_660, %broadcast_in_dim3A_661 : vector<16xi1>, vector<16xi32>
          %min3A = arith.minsi %scan3A_654, %select_n3A_662 : vector<16xi32>
          scf.yield %min3A : vector<16xi32>
        }
        %scan3A_544 = arith.constant 100 : i32
        %scan3A_545 = arith.constant 0 : i32
        %scan3A_546 = arith.constant 0 : i32
        %scan3A_547 = arith.constant 100 : i32
        %scan3A_548 = arith.addi %scan3A_546, %scan3A_547 : i32
        %scan3A_549 = arith.constant 1 : i32
        %scan3A_550 = scf.for %scan3A_653 = %scan3A_546 to %scan3A_548 step %scan3A_549 iter_args(%scan3A_654 = %scan3A_545) -> (i32)  : i32 {
          %get3A_655 = arith.index_cast %scan3A_653 : i32 to index
          %get3A_656 = arith.constant 48 : index
          %get3A_657 = tpu.vector_load %arg10[%get3A_655, %get3A_656] {strides = array<i32>} : memref<100x128xf32, #tpu.memory_space<vmem>>, vector<16xf32>,
          %eq3A_658 = vector.broadcast %scan3A_653 : i32 to vector<16xi32>
          %eq3A_659 = arith.cmpi eq, %scan3A_543, %eq3A_658 : vector<16xi32>
          %jit3A_660 = arith.constant -2.000000e+00 : f32
          %broadcast_in_dim3A_661 = vector.broadcast %jit3A_660 : f32 to vector<16xf32>
          %select_n3A_662 = arith.select %eq3A_659, %broadcast_in_dim3A_661, %get3A_657 : vector<16xi1>, vector<16xf32>
          %swap3A_663 = arith.index_cast %scan3A_653 : i32 to index
          %swap3A_664 = arith.constant 48 : index
          %swap3A_665 = tpu.vector_load %arg10[%swap3A_663, %swap3A_664] {strides = array<i32>} : memref<100x128xf32, #tpu.memory_space<vmem>>, vector<16xf32>,
          tpu.vector_store %arg10[%swap3A_663, %swap3A_664], %select_n3A_662 {strides = array<i32>} : memref<100x128xf32, #tpu.memory_space<vmem>>, vector<16xf32>,
          %scan3A_666 = arith.constant 0 : i32
          scf.yield %scan3A_666 : i32
        }
        %scan3A_551 = arith.constant 100 : i32
        %get3A_552 = arith.constant 0 : i32
        %get3A_553 = arith.index_cast %get3A_552 : i32 to index
        %get3A_554 = arith.constant 64 : index
        %get3A_555 = tpu.vector_load %arg10[%get3A_553, %get3A_554] {strides = array<i32>} : memref<100x128xf32, #tpu.memory_space<vmem>>, vector<16xf32>,
        %scan3A_556 = arith.constant 1 : i32
        %scan3A_557 = arith.constant 99 : i32
        %scan3A_558 = arith.addi %scan3A_556, %scan3A_557 : i32
        %scan3A_559 = arith.constant 1 : i32
        %scan3A_560 = scf.for %scan3A_653 = %scan3A_556 to %scan3A_558 step %scan3A_559 iter_args(%scan3A_654 = %get3A_555) -> (vector<16xf32>)  : i32 {
          %get3A_655 = arith.index_cast %scan3A_653 : i32 to index
          %get3A_656 = arith.constant 64 : index
          %get3A_657 = tpu.vector_load %arg10[%get3A_655, %get3A_656] {strides = array<i32>} : memref<100x128xf32, #tpu.memory_space<vmem>>, vector<16xf32>,
          %max3A = arith.maximumf %scan3A_654, %get3A_657 : vector<16xf32>
          scf.yield %max3A : vector<16xf32>
        }
        %scan3A_561 = arith.constant 99 : i32
        %broadcast_in_dim3A_562 = arith.constant 1000000000 : i32
        %broadcast_in_dim3A_563 = vector.broadcast %broadcast_in_dim3A_562 : i32 to vector<16xi32>
        %scan3A_564 = arith.constant 0 : i32
        %scan3A_565 = arith.constant 100 : i32
        %scan3A_566 = arith.addi %scan3A_564, %scan3A_565 : i32
        %scan3A_567 = arith.constant 1 : i32
        %scan3A_568 = scf.for %scan3A_653 = %scan3A_564 to %scan3A_566 step %scan3A_567 iter_args(%scan3A_654 = %broadcast_in_dim3A_563) -> (vector<16xi32>)  : i32 {
          %get3A_655 = arith.index_cast %scan3A_653 : i32 to index
          %get3A_656 = arith.constant 64 : index
          %get3A_657 = tpu.vector_load %arg10[%get3A_655, %get3A_656] {strides = array<i32>} : memref<100x128xf32, #tpu.memory_space<vmem>>, vector<16xf32>,
          %eq3A_658 = arith.cmpf oeq, %get3A_657, %scan3A_560 : vector<16xf32>
          %jit3A_659 = arith.constant 1000000000 : i32
          %broadcast_in_dim3A_660 = vector.broadcast %scan3A_653 : i32 to vector<16xi32>
          %broadcast_in_dim3A_661 = vector.broadcast %jit3A_659 : i32 to vector<16xi32>
          %select_n3A_662 = arith.select %eq3A_658, %broadcast_in_dim3A_660, %broadcast_in_dim3A_661 : vector<16xi1>, vector<16xi32>
          %min3A = arith.minsi %scan3A_654, %select_n3A_662 : vector<16xi32>
          scf.yield %min3A : vector<16xi32>
        }
        %scan3A_569 = arith.constant 100 : i32
        %scan3A_570 = arith.constant 0 : i32
        %scan3A_571 = arith.constant 0 : i32
        %scan3A_572 = arith.constant 100 : i32
        %scan3A_573 = arith.addi %scan3A_571, %scan3A_572 : i32
        %scan3A_574 = arith.constant 1 : i32
        %scan3A_575 = scf.for %scan3A_653 = %scan3A_571 to %scan3A_573 step %scan3A_574 iter_args(%scan3A_654 = %scan3A_570) -> (i32)  : i32 {
          %get3A_655 = arith.index_cast %scan3A_653 : i32 to index
          %get3A_656 = arith.constant 64 : index
          %get3A_657 = tpu.vector_load %arg10[%get3A_655, %get3A_656] {strides = array<i32>} : memref<100x128xf32, #tpu.memory_space<vmem>>, vector<16xf32>,
          %eq3A_658 = vector.broadcast %scan3A_653 : i32 to vector<16xi32>
          %eq3A_659 = arith.cmpi eq, %scan3A_568, %eq3A_658 : vector<16xi32>
          %jit3A_660 = arith.constant -2.000000e+00 : f32
          %broadcast_in_dim3A_661 = vector.broadcast %jit3A_660 : f32 to vector<16xf32>
          %select_n3A_662 = arith.select %eq3A_659, %broadcast_in_dim3A_661, %get3A_657 : vector<16xi1>, vector<16xf32>
          %swap3A_663 = arith.index_cast %scan3A_653 : i32 to index
          %swap3A_664 = arith.constant 64 : index
          %swap3A_665 = tpu.vector_load %arg10[%swap3A_663, %swap3A_664] {strides = array<i32>} : memref<100x128xf32, #tpu.memory_space<vmem>>, vector<16xf32>,
          tpu.vector_store %arg10[%swap3A_663, %swap3A_664], %select_n3A_662 {strides = array<i32>} : memref<100x128xf32, #tpu.memory_space<vmem>>, vector<16xf32>,
          %scan3A_666 = arith.constant 0 : i32
          scf.yield %scan3A_666 : i32
        }
        %scan3A_576 = arith.constant 100 : i32
        %get3A_577 = arith.constant 0 : i32
        %get3A_578 = arith.index_cast %get3A_577 : i32 to index
        %get3A_579 = arith.constant 80 : index
        %get3A_580 = tpu.vector_load %arg10[%get3A_578, %get3A_579] {strides = array<i32>} : memref<100x128xf32, #tpu.memory_space<vmem>>, vector<16xf32>,
        %scan3A_581 = arith.constant 1 : i32
        %scan3A_582 = arith.constant 99 : i32
        %scan3A_583 = arith.addi %scan3A_581, %scan3A_582 : i32
        %scan3A_584 = arith.constant 1 : i32
        %scan3A_585 = scf.for %scan3A_653 = %scan3A_581 to %scan3A_583 step %scan3A_584 iter_args(%scan3A_654 = %get3A_580) -> (vector<16xf32>)  : i32 {
          %get3A_655 = arith.index_cast %scan3A_653 : i32 to index
          %get3A_656 = arith.constant 80 : index
          %get3A_657 = tpu.vector_load %arg10[%get3A_655, %get3A_656] {strides = array<i32>} : memref<100x128xf32, #tpu.memory_space<vmem>>, vector<16xf32>,
          %max3A = arith.maximumf %scan3A_654, %get3A_657 : vector<16xf32>
          scf.yield %max3A : vector<16xf32>
        }
        %scan3A_586 = arith.constant 99 : i32
        %broadcast_in_dim3A_587 = arith.constant 1000000000 : i32
        %broadcast_in_dim3A_588 = vector.broadcast %broadcast_in_dim3A_587 : i32 to vector<16xi32>
        %scan3A_589 = arith.constant 0 : i32
        %scan3A_590 = arith.constant 100 : i32
        %scan3A_591 = arith.addi %scan3A_589, %scan3A_590 : i32
        %scan3A_592 = arith.constant 1 : i32
        %scan3A_593 = scf.for %scan3A_653 = %scan3A_589 to %scan3A_591 step %scan3A_592 iter_args(%scan3A_654 = %broadcast_in_dim3A_588) -> (vector<16xi32>)  : i32 {
          %get3A_655 = arith.index_cast %scan3A_653 : i32 to index
          %get3A_656 = arith.constant 80 : index
          %get3A_657 = tpu.vector_load %arg10[%get3A_655, %get3A_656] {strides = array<i32>} : memref<100x128xf32, #tpu.memory_space<vmem>>, vector<16xf32>,
          %eq3A_658 = arith.cmpf oeq, %get3A_657, %scan3A_585 : vector<16xf32>
          %jit3A_659 = arith.constant 1000000000 : i32
          %broadcast_in_dim3A_660 = vector.broadcast %scan3A_653 : i32 to vector<16xi32>
          %broadcast_in_dim3A_661 = vector.broadcast %jit3A_659 : i32 to vector<16xi32>
          %select_n3A_662 = arith.select %eq3A_658, %broadcast_in_dim3A_660, %broadcast_in_dim3A_661 : vector<16xi1>, vector<16xi32>
          %min3A = arith.minsi %scan3A_654, %select_n3A_662 : vector<16xi32>
          scf.yield %min3A : vector<16xi32>
        }
        %scan3A_594 = arith.constant 100 : i32
        %scan3A_595 = arith.constant 0 : i32
        %scan3A_596 = arith.constant 0 : i32
        %scan3A_597 = arith.constant 100 : i32
        %scan3A_598 = arith.addi %scan3A_596, %scan3A_597 : i32
        %scan3A_599 = arith.constant 1 : i32
        %scan3A_600 = scf.for %scan3A_653 = %scan3A_596 to %scan3A_598 step %scan3A_599 iter_args(%scan3A_654 = %scan3A_595) -> (i32)  : i32 {
          %get3A_655 = arith.index_cast %scan3A_653 : i32 to index
          %get3A_656 = arith.constant 80 : index
          %get3A_657 = tpu.vector_load %arg10[%get3A_655, %get3A_656] {strides = array<i32>} : memref<100x128xf32, #tpu.memory_space<vmem>>, vector<16xf32>,
          %eq3A_658 = vector.broadcast %scan3A_653 : i32 to vector<16xi32>
          %eq3A_659 = arith.cmpi eq, %scan3A_593, %eq3A_658 : vector<16xi32>
          %jit3A_660 = arith.constant -2.000000e+00 : f32
          %broadcast_in_dim3A_661 = vector.broadcast %jit3A_660 : f32 to vector<16xf32>
          %select_n3A_662 = arith.select %eq3A_659, %broadcast_in_dim3A_661, %get3A_657 : vector<16xi1>, vector<16xf32>
          %swap3A_663 = arith.index_cast %scan3A_653 : i32 to index
          %swap3A_664 = arith.constant 80 : index
          %swap3A_665 = tpu.vector_load %arg10[%swap3A_663, %swap3A_664] {strides = array<i32>} : memref<100x128xf32, #tpu.memory_space<vmem>>, vector<16xf32>,
          tpu.vector_store %arg10[%swap3A_663, %swap3A_664], %select_n3A_662 {strides = array<i32>} : memref<100x128xf32, #tpu.memory_space<vmem>>, vector<16xf32>,
          %scan3A_666 = arith.constant 0 : i32
          scf.yield %scan3A_666 : i32
        }
        %scan3A_601 = arith.constant 100 : i32
        %get3A_602 = arith.constant 0 : i32
        %get3A_603 = arith.index_cast %get3A_602 : i32 to index
        %get3A_604 = arith.constant 96 : index
        %get3A_605 = tpu.vector_load %arg10[%get3A_603, %get3A_604] {strides = array<i32>} : memref<100x128xf32, #tpu.memory_space<vmem>>, vector<16xf32>,
        %scan3A_606 = arith.constant 1 : i32
        %scan3A_607 = arith.constant 99 : i32
        %scan3A_608 = arith.addi %scan3A_606, %scan3A_607 : i32
        %scan3A_609 = arith.constant 1 : i32
        %scan3A_610 = scf.for %scan3A_653 = %scan3A_606 to %scan3A_608 step %scan3A_609 iter_args(%scan3A_654 = %get3A_605) -> (vector<16xf32>)  : i32 {
          %get3A_655 = arith.index_cast %scan3A_653 : i32 to index
          %get3A_656 = arith.constant 96 : index
          %get3A_657 = tpu.vector_load %arg10[%get3A_655, %get3A_656] {strides = array<i32>} : memref<100x128xf32, #tpu.memory_space<vmem>>, vector<16xf32>,
          %max3A = arith.maximumf %scan3A_654, %get3A_657 : vector<16xf32>
          scf.yield %max3A : vector<16xf32>
        }
        %scan3A_611 = arith.constant 99 : i32
        %broadcast_in_dim3A_612 = arith.constant 1000000000 : i32
        %broadcast_in_dim3A_613 = vector.broadcast %broadcast_in_dim3A_612 : i32 to vector<16xi32>
        %scan3A_614 = arith.constant 0 : i32
        %scan3A_615 = arith.constant 100 : i32
        %scan3A_616 = arith.addi %scan3A_614, %scan3A_615 : i32
        %scan3A_617 = arith.constant 1 : i32
        %scan3A_618 = scf.for %scan3A_653 = %scan3A_614 to %scan3A_616 step %scan3A_617 iter_args(%scan3A_654 = %broadcast_in_dim3A_613) -> (vector<16xi32>)  : i32 {
          %get3A_655 = arith.index_cast %scan3A_653 : i32 to index
          %get3A_656 = arith.constant 96 : index
          %get3A_657 = tpu.vector_load %arg10[%get3A_655, %get3A_656] {strides = array<i32>} : memref<100x128xf32, #tpu.memory_space<vmem>>, vector<16xf32>,
          %eq3A_658 = arith.cmpf oeq, %get3A_657, %scan3A_610 : vector<16xf32>
          %jit3A_659 = arith.constant 1000000000 : i32
          %broadcast_in_dim3A_660 = vector.broadcast %scan3A_653 : i32 to vector<16xi32>
          %broadcast_in_dim3A_661 = vector.broadcast %jit3A_659 : i32 to vector<16xi32>
          %select_n3A_662 = arith.select %eq3A_658, %broadcast_in_dim3A_660, %broadcast_in_dim3A_661 : vector<16xi1>, vector<16xi32>
          %min3A = arith.minsi %scan3A_654, %select_n3A_662 : vector<16xi32>
          scf.yield %min3A : vector<16xi32>
        }
        %scan3A_619 = arith.constant 100 : i32
        %scan3A_620 = arith.constant 0 : i32
        %scan3A_621 = arith.constant 0 : i32
        %scan3A_622 = arith.constant 100 : i32
        %scan3A_623 = arith.addi %scan3A_621, %scan3A_622 : i32
        %scan3A_624 = arith.constant 1 : i32
        %scan3A_625 = scf.for %scan3A_653 = %scan3A_621 to %scan3A_623 step %scan3A_624 iter_args(%scan3A_654 = %scan3A_620) -> (i32)  : i32 {
          %get3A_655 = arith.index_cast %scan3A_653 : i32 to index
          %get3A_656 = arith.constant 96 : index
          %get3A_657 = tpu.vector_load %arg10[%get3A_655, %get3A_656] {strides = array<i32>} : memref<100x128xf32, #tpu.memory_space<vmem>>, vector<16xf32>,
          %eq3A_658 = vector.broadcast %scan3A_653 : i32 to vector<16xi32>
          %eq3A_659 = arith.cmpi eq, %scan3A_618, %eq3A_658 : vector<16xi32>
          %jit3A_660 = arith.constant -2.000000e+00 : f32
          %broadcast_in_dim3A_661 = vector.broadcast %jit3A_660 : f32 to vector<16xf32>
          %select_n3A_662 = arith.select %eq3A_659, %broadcast_in_dim3A_661, %get3A_657 : vector<16xi1>, vector<16xf32>
          %swap3A_663 = arith.index_cast %scan3A_653 : i32 to index
          %swap3A_664 = arith.constant 96 : index
          %swap3A_665 = tpu.vector_load %arg10[%swap3A_663, %swap3A_664] {strides = array<i32>} : memref<100x128xf32, #tpu.memory_space<vmem>>, vector<16xf32>,
          tpu.vector_store %arg10[%swap3A_663, %swap3A_664], %select_n3A_662 {strides = array<i32>} : memref<100x128xf32, #tpu.memory_space<vmem>>, vector<16xf32>,
          %scan3A_666 = arith.constant 0 : i32
          scf.yield %scan3A_666 : i32
        }
        %scan3A_626 = arith.constant 100 : i32
        %get3A_627 = arith.constant 0 : i32
        %get3A_628 = arith.index_cast %get3A_627 : i32 to index
        %get3A_629 = arith.constant 112 : index
        %get3A_630 = tpu.vector_load %arg10[%get3A_628, %get3A_629] {strides = array<i32>} : memref<100x128xf32, #tpu.memory_space<vmem>>, vector<16xf32>,
        %scan3A_631 = arith.constant 1 : i32
        %scan3A_632 = arith.constant 99 : i32
        %scan3A_633 = arith.addi %scan3A_631, %scan3A_632 : i32
        %scan3A_634 = arith.constant 1 : i32
        %scan3A_635 = scf.for %scan3A_653 = %scan3A_631 to %scan3A_633 step %scan3A_634 iter_args(%scan3A_654 = %get3A_630) -> (vector<16xf32>)  : i32 {
          %get3A_655 = arith.index_cast %scan3A_653 : i32 to index
          %get3A_656 = arith.constant 112 : index
          %get3A_657 = tpu.vector_load %arg10[%get3A_655, %get3A_656] {strides = array<i32>} : memref<100x128xf32, #tpu.memory_space<vmem>>, vector<16xf32>,
          %max3A = arith.maximumf %scan3A_654, %get3A_657 : vector<16xf32>
          scf.yield %max3A : vector<16xf32>
        }
        %scan3A_636 = arith.constant 99 : i32
        %broadcast_in_dim3A_637 = arith.constant 1000000000 : i32
        %broadcast_in_dim3A_638 = vector.broadcast %broadcast_in_dim3A_637 : i32 to vector<16xi32>
        %scan3A_639 = arith.constant 0 : i32
        %scan3A_640 = arith.constant 100 : i32
        %scan3A_641 = arith.addi %scan3A_639, %scan3A_640 : i32
        %scan3A_642 = arith.constant 1 : i32
        %scan3A_643 = scf.for %scan3A_653 = %scan3A_639 to %scan3A_641 step %scan3A_642 iter_args(%scan3A_654 = %broadcast_in_dim3A_638) -> (vector<16xi32>)  : i32 {
          %get3A_655 = arith.index_cast %scan3A_653 : i32 to index
          %get3A_656 = arith.constant 112 : index
          %get3A_657 = tpu.vector_load %arg10[%get3A_655, %get3A_656] {strides = array<i32>} : memref<100x128xf32, #tpu.memory_space<vmem>>, vector<16xf32>,
          %eq3A_658 = arith.cmpf oeq, %get3A_657, %scan3A_635 : vector<16xf32>
          %jit3A_659 = arith.constant 1000000000 : i32
          %broadcast_in_dim3A_660 = vector.broadcast %scan3A_653 : i32 to vector<16xi32>
          %broadcast_in_dim3A_661 = vector.broadcast %jit3A_659 : i32 to vector<16xi32>
          %select_n3A_662 = arith.select %eq3A_658, %broadcast_in_dim3A_660, %broadcast_in_dim3A_661 : vector<16xi1>, vector<16xi32>
          %min3A = arith.minsi %scan3A_654, %select_n3A_662 : vector<16xi32>
          scf.yield %min3A : vector<16xi32>
        }
        %scan3A_644 = arith.constant 100 : i32
        %scan3A_645 = arith.constant 0 : i32
        %scan3A_646 = arith.constant 0 : i32
        %scan3A_647 = arith.constant 100 : i32
        %scan3A_648 = arith.addi %scan3A_646, %scan3A_647 : i32
        %scan3A_649 = arith.constant 1 : i32
        %scan3A_650 = scf.for %scan3A_653 = %scan3A_646 to %scan3A_648 step %scan3A_649 iter_args(%scan3A_654 = %scan3A_645) -> (i32)  : i32 {
          %get3A_655 = arith.index_cast %scan3A_653 : i32 to index
          %get3A_656 = arith.constant 112 : index
          %get3A_657 = tpu.vector_load %arg10[%get3A_655, %get3A_656] {strides = array<i32>} : memref<100x128xf32, #tpu.memory_space<vmem>>, vector<16xf32>,
          %eq3A_658 = vector.broadcast %scan3A_653 : i32 to vector<16xi32>
          %eq3A_659 = arith.cmpi eq, %scan3A_643, %eq3A_658 : vector<16xi32>
          %jit3A_660 = arith.constant -2.000000e+00 : f32
          %broadcast_in_dim3A_661 = vector.broadcast %jit3A_660 : f32 to vector<16xf32>
          %select_n3A_662 = arith.select %eq3A_659, %broadcast_in_dim3A_661, %get3A_657 : vector<16xi1>, vector<16xf32>
          %swap3A_663 = arith.index_cast %scan3A_653 : i32 to index
          %swap3A_664 = arith.constant 112 : index
          %swap3A_665 = tpu.vector_load %arg10[%swap3A_663, %swap3A_664] {strides = array<i32>} : memref<100x128xf32, #tpu.memory_space<vmem>>, vector<16xf32>,
          tpu.vector_store %arg10[%swap3A_663, %swap3A_664], %select_n3A_662 {strides = array<i32>} : memref<100x128xf32, #tpu.memory_space<vmem>>, vector<16xf32>,
          %scan3A_666 = arith.constant 0 : i32
          scf.yield %scan3A_666 : i32
        }
        %scan3A_651 = arith.constant 100 : i32
        %scan3A_652 = arith.constant 0 : i32
        scf.yield %scan3A_652 : i32
      }
      %scan3A_362 = arith.constant 4 : i32
      %scan3A_363 = arith.constant 0 : i32
      %scan3A_364 = arith.constant 0 : i32
      %scan3A_365 = arith.constant 12 : i32
      %scan3A_366 = arith.addi %scan3A_364, %scan3A_365 : i32
      %scan3A_367 = arith.constant 1 : i32
      %scan3A_368 = scf.for %scan3A_450 = %scan3A_364 to %scan3A_366 step %scan3A_367 iter_args(%scan3A_451 = %scan3A_363) -> (i32)  : i32 {
        %mul3A_452 = arith.constant 8 : i32
        %mul3A_453 = arith.muli %scan3A_450, %mul3A_452 : i32
        %multiple_of3A_454 = tpu.assume_multiple %mul3A_453, 8 : i32
        "tpu.region"() ({
          %run_scoped3A = tpu.sem_alloc : memref<!tpu.dma_semaphore, #tpu.memory_space<semaphore_mem>>
          %dma_start3A_536 = arith.constant 0 : i32
          %dma_start3A_537 = arith.constant 0 : i32
          %dma_start3A_538 = tpu.memref_slice %arg7[%dma_start3A_536, %dma_start3A_537] : memref<8x128xf32, #tpu.memory_space<vmem>> -> memref<8x128xf32, #tpu.memory_space<vmem>>
          %dma_start3A_539 = tpu.memref_slice %arg3[%multiple_of3A_454, %mul3A_32] : memref<100x1024xf32, #tpu.memory_space<hbm>> -> memref<8x128xf32, #tpu.memory_space<hbm>>
          %dma_start3A_540 = arith.constant 0 : i32
          %dma_start3A_541 = arith.constant 0 : i32
          %dma_start3A_542 = tpu.memref_slice %arg7[%dma_start3A_540, %dma_start3A_541] : memref<8x128xf32, #tpu.memory_space<vmem>> -> memref<8x128xf32, #tpu.memory_space<vmem>>
          %dma_start3A_543 = tpu.memref_slice %arg3[%multiple_of3A_454, %mul3A_32] : memref<100x1024xf32, #tpu.memory_space<hbm>> -> memref<8x128xf32, #tpu.memory_space<hbm>>
          tpu.enqueue_dma source(%dma_start3A_543 : memref<8x128xf32, #tpu.memory_space<hbm>>) target(%dma_start3A_542 : memref<8x128xf32, #tpu.memory_space<vmem>>) target_semaphore(%run_scoped3A : memref<!tpu.dma_semaphore, #tpu.memory_space<semaphore_mem>>)
          %dma_wait3A = arith.constant 0 : i32
          %dma_wait3A_544 = arith.constant 0 : i32
          %dma_wait3A_545 = tpu.memref_slice %arg7[%dma_wait3A, %dma_wait3A_544] : memref<8x128xf32, #tpu.memory_space<vmem>> -> memref<8x128xf32, #tpu.memory_space<vmem>>
          %dma_wait3A_546 = tpu.memref_slice %arg3[%multiple_of3A_454, %mul3A_32] : memref<100x1024xf32, #tpu.memory_space<hbm>> -> memref<8x128xf32, #tpu.memory_space<hbm>>
          %dma_wait3A_547 = arith.constant 0 : i32
          %dma_wait3A_548 = arith.constant 0 : i32
          %dma_wait3A_549 = tpu.memref_slice %arg7[%dma_wait3A_547, %dma_wait3A_548] : memref<8x128xf32, #tpu.memory_space<vmem>> -> memref<8x128xf32, #tpu.memory_space<vmem>>
          %dma_wait3A_550 = tpu.memref_slice %arg3[%multiple_of3A_454, %mul3A_32] : memref<100x1024xf32, #tpu.memory_space<hbm>> -> memref<8x128xf32, #tpu.memory_space<hbm>>
          tpu.wait_dma2 semaphore(%run_scoped3A : memref<!tpu.dma_semaphore, #tpu.memory_space<semaphore_mem>>) src(%dma_wait3A_550 : memref<8x128xf32, #tpu.memory_space<hbm>>) dst(%dma_wait3A_549 : memref<8x128xf32, #tpu.memory_space<vmem>>)
          tpu.yield
        }) : () -> ()
        %lt3A_455 = arith.constant 1.000000e+00 : f32
        %lt3A_456 = vector.broadcast %lt3A_455 : f32 to vector<16xf32>
        %lt3A_457 = arith.cmpf olt, %add3A_124, %lt3A_456 : vector<16xf32>
        %scan3A_458 = arith.constant 0 : i32
        %scan3A_459 = arith.constant 0 : i32
        %scan3A_460 = arith.constant 8 : i32
        %scan3A_461 = arith.addi %scan3A_459, %scan3A_460 : i32
        %scan3A_462 = arith.constant 1 : i32
        %scan3A_463 = scf.for %scan3A_536 = %scan3A_459 to %scan3A_461 step %scan3A_462 iter_args(%scan3A_537 = %scan3A_458) -> (i32)  : i32 {
          %add3A_538 = arith.addi %multiple_of3A_454, %scan3A_536 : i32
          %get3A_539 = arith.index_cast %add3A_538 : i32 to index
          %get3A_540 = arith.constant 0 : index
          %get3A_541 = tpu.vector_load %arg10[%get3A_539, %get3A_540] {strides = array<i32>} : memref<100x128xf32, #tpu.memory_space<vmem>>, vector<16xf32>,
          %eq3A_542 = arith.constant -2.000000e+00 : f32
          %eq3A_543 = vector.broadcast %eq3A_542 : f32 to vector<16xf32>
          %eq3A_544 = arith.cmpf oeq, %get3A_541, %eq3A_543 : vector<16xf32>
          %jit3A_545 = arith.constant 1.000000e+00 : f32
          %jit3A_546 = arith.constant 0.000000e+00 : f32
          %broadcast_in_dim3A_547 = vector.broadcast %jit3A_545 : f32 to vector<16xf32>
          %broadcast_in_dim3A_548 = vector.broadcast %jit3A_546 : f32 to vector<16xf32>
          %select_n3A_549 = arith.select %eq3A_544, %broadcast_in_dim3A_547, %broadcast_in_dim3A_548 : vector<16xi1>, vector<16xf32>
          %get3A_550 = arith.index_cast %scan3A_536 : i32 to index
          %get3A_551 = arith.constant 0 : index
          %get3A_552 = tpu.vector_load %arg7[%get3A_550, %get3A_551] {strides = array<i32>} : memref<8x128xf32, #tpu.memory_space<vmem>>, vector<16xf32>,
          %select_n3A_553 = arith.select %lt3A_457, %select_n3A_549, %get3A_552 : vector<16xi1>, vector<16xf32>
          %swap3A_554 = arith.index_cast %scan3A_536 : i32 to index
          %swap3A_555 = arith.constant 0 : index
          %swap3A_556 = tpu.vector_load %arg7[%swap3A_554, %swap3A_555] {strides = array<i32>} : memref<8x128xf32, #tpu.memory_space<vmem>>, vector<16xf32>,
          tpu.vector_store %arg7[%swap3A_554, %swap3A_555], %select_n3A_553 {strides = array<i32>} : memref<8x128xf32, #tpu.memory_space<vmem>>, vector<16xf32>,
          %scan3A_557 = arith.constant 0 : i32
          scf.yield %scan3A_557 : i32
        }
        %scan3A_464 = arith.constant 8 : i32
        %lt3A_465 = arith.constant 1.000000e+00 : f32
        %lt3A_466 = vector.broadcast %lt3A_465 : f32 to vector<16xf32>
        %lt3A_467 = arith.cmpf olt, %add3A_143, %lt3A_466 : vector<16xf32>
        %scan3A_468 = arith.constant 0 : i32
        %scan3A_469 = arith.constant 0 : i32
        %scan3A_470 = arith.constant 8 : i32
        %scan3A_471 = arith.addi %scan3A_469, %scan3A_470 : i32
        %scan3A_472 = arith.constant 1 : i32
        %scan3A_473 = scf.for %scan3A_536 = %scan3A_469 to %scan3A_471 step %scan3A_472 iter_args(%scan3A_537 = %scan3A_468) -> (i32)  : i32 {
          %add3A_538 = arith.addi %multiple_of3A_454, %scan3A_536 : i32
          %get3A_539 = arith.index_cast %add3A_538 : i32 to index
          %get3A_540 = arith.constant 16 : index
          %get3A_541 = tpu.vector_load %arg10[%get3A_539, %get3A_540] {strides = array<i32>} : memref<100x128xf32, #tpu.memory_space<vmem>>, vector<16xf32>,
          %eq3A_542 = arith.constant -2.000000e+00 : f32
          %eq3A_543 = vector.broadcast %eq3A_542 : f32 to vector<16xf32>
          %eq3A_544 = arith.cmpf oeq, %get3A_541, %eq3A_543 : vector<16xf32>
          %jit3A_545 = arith.constant 1.000000e+00 : f32
          %jit3A_546 = arith.constant 0.000000e+00 : f32
          %broadcast_in_dim3A_547 = vector.broadcast %jit3A_545 : f32 to vector<16xf32>
          %broadcast_in_dim3A_548 = vector.broadcast %jit3A_546 : f32 to vector<16xf32>
          %select_n3A_549 = arith.select %eq3A_544, %broadcast_in_dim3A_547, %broadcast_in_dim3A_548 : vector<16xi1>, vector<16xf32>
          %get3A_550 = arith.index_cast %scan3A_536 : i32 to index
          %get3A_551 = arith.constant 16 : index
          %get3A_552 = tpu.vector_load %arg7[%get3A_550, %get3A_551] {strides = array<i32>} : memref<8x128xf32, #tpu.memory_space<vmem>>, vector<16xf32>,
          %select_n3A_553 = arith.select %lt3A_467, %select_n3A_549, %get3A_552 : vector<16xi1>, vector<16xf32>
          %swap3A_554 = arith.index_cast %scan3A_536 : i32 to index
          %swap3A_555 = arith.constant 16 : index
          %swap3A_556 = tpu.vector_load %arg7[%swap3A_554, %swap3A_555] {strides = array<i32>} : memref<8x128xf32, #tpu.memory_space<vmem>>, vector<16xf32>,
          tpu.vector_store %arg7[%swap3A_554, %swap3A_555], %select_n3A_553 {strides = array<i32>} : memref<8x128xf32, #tpu.memory_space<vmem>>, vector<16xf32>,
          %scan3A_557 = arith.constant 0 : i32
          scf.yield %scan3A_557 : i32
        }
        %scan3A_474 = arith.constant 8 : i32
        %lt3A_475 = arith.constant 1.000000e+00 : f32
        %lt3A_476 = vector.broadcast %lt3A_475 : f32 to vector<16xf32>
        %lt3A_477 = arith.cmpf olt, %add3A_162, %lt3A_476 : vector<16xf32>
        %scan3A_478 = arith.constant 0 : i32
        %scan3A_479 = arith.constant 0 : i32
        %scan3A_480 = arith.constant 8 : i32
        %scan3A_481 = arith.addi %scan3A_479, %scan3A_480 : i32
        %scan3A_482 = arith.constant 1 : i32
        %scan3A_483 = scf.for %scan3A_536 = %scan3A_479 to %scan3A_481 step %scan3A_482 iter_args(%scan3A_537 = %scan3A_478) -> (i32)  : i32 {
          %add3A_538 = arith.addi %multiple_of3A_454, %scan3A_536 : i32
          %get3A_539 = arith.index_cast %add3A_538 : i32 to index
          %get3A_540 = arith.constant 32 : index
          %get3A_541 = tpu.vector_load %arg10[%get3A_539, %get3A_540] {strides = array<i32>} : memref<100x128xf32, #tpu.memory_space<vmem>>, vector<16xf32>,
          %eq3A_542 = arith.constant -2.000000e+00 : f32
          %eq3A_543 = vector.broadcast %eq3A_542 : f32 to vector<16xf32>
          %eq3A_544 = arith.cmpf oeq, %get3A_541, %eq3A_543 : vector<16xf32>
          %jit3A_545 = arith.constant 1.000000e+00 : f32
          %jit3A_546 = arith.constant 0.000000e+00 : f32
          %broadcast_in_dim3A_547 = vector.broadcast %jit3A_545 : f32 to vector<16xf32>
          %broadcast_in_dim3A_548 = vector.broadcast %jit3A_546 : f32 to vector<16xf32>
          %select_n3A_549 = arith.select %eq3A_544, %broadcast_in_dim3A_547, %broadcast_in_dim3A_548 : vector<16xi1>, vector<16xf32>
          %get3A_550 = arith.index_cast %scan3A_536 : i32 to index
          %get3A_551 = arith.constant 32 : index
          %get3A_552 = tpu.vector_load %arg7[%get3A_550, %get3A_551] {strides = array<i32>} : memref<8x128xf32, #tpu.memory_space<vmem>>, vector<16xf32>,
          %select_n3A_553 = arith.select %lt3A_477, %select_n3A_549, %get3A_552 : vector<16xi1>, vector<16xf32>
          %swap3A_554 = arith.index_cast %scan3A_536 : i32 to index
          %swap3A_555 = arith.constant 32 : index
          %swap3A_556 = tpu.vector_load %arg7[%swap3A_554, %swap3A_555] {strides = array<i32>} : memref<8x128xf32, #tpu.memory_space<vmem>>, vector<16xf32>,
          tpu.vector_store %arg7[%swap3A_554, %swap3A_555], %select_n3A_553 {strides = array<i32>} : memref<8x128xf32, #tpu.memory_space<vmem>>, vector<16xf32>,
          %scan3A_557 = arith.constant 0 : i32
          scf.yield %scan3A_557 : i32
        }
        %scan3A_484 = arith.constant 8 : i32
        %lt3A_485 = arith.constant 1.000000e+00 : f32
        %lt3A_486 = vector.broadcast %lt3A_485 : f32 to vector<16xf32>
        %lt3A_487 = arith.cmpf olt, %add3A_181, %lt3A_486 : vector<16xf32>
        %scan3A_488 = arith.constant 0 : i32
        %scan3A_489 = arith.constant 0 : i32
        %scan3A_490 = arith.constant 8 : i32
        %scan3A_491 = arith.addi %scan3A_489, %scan3A_490 : i32
        %scan3A_492 = arith.constant 1 : i32
        %scan3A_493 = scf.for %scan3A_536 = %scan3A_489 to %scan3A_491 step %scan3A_492 iter_args(%scan3A_537 = %scan3A_488) -> (i32)  : i32 {
          %add3A_538 = arith.addi %multiple_of3A_454, %scan3A_536 : i32
          %get3A_539 = arith.index_cast %add3A_538 : i32 to index
          %get3A_540 = arith.constant 48 : index
          %get3A_541 = tpu.vector_load %arg10[%get3A_539, %get3A_540] {strides = array<i32>} : memref<100x128xf32, #tpu.memory_space<vmem>>, vector<16xf32>,
          %eq3A_542 = arith.constant -2.000000e+00 : f32
          %eq3A_543 = vector.broadcast %eq3A_542 : f32 to vector<16xf32>
          %eq3A_544 = arith.cmpf oeq, %get3A_541, %eq3A_543 : vector<16xf32>
          %jit3A_545 = arith.constant 1.000000e+00 : f32
          %jit3A_546 = arith.constant 0.000000e+00 : f32
          %broadcast_in_dim3A_547 = vector.broadcast %jit3A_545 : f32 to vector<16xf32>
          %broadcast_in_dim3A_548 = vector.broadcast %jit3A_546 : f32 to vector<16xf32>
          %select_n3A_549 = arith.select %eq3A_544, %broadcast_in_dim3A_547, %broadcast_in_dim3A_548 : vector<16xi1>, vector<16xf32>
          %get3A_550 = arith.index_cast %scan3A_536 : i32 to index
          %get3A_551 = arith.constant 48 : index
          %get3A_552 = tpu.vector_load %arg7[%get3A_550, %get3A_551] {strides = array<i32>} : memref<8x128xf32, #tpu.memory_space<vmem>>, vector<16xf32>,
          %select_n3A_553 = arith.select %lt3A_487, %select_n3A_549, %get3A_552 : vector<16xi1>, vector<16xf32>
          %swap3A_554 = arith.index_cast %scan3A_536 : i32 to index
          %swap3A_555 = arith.constant 48 : index
          %swap3A_556 = tpu.vector_load %arg7[%swap3A_554, %swap3A_555] {strides = array<i32>} : memref<8x128xf32, #tpu.memory_space<vmem>>, vector<16xf32>,
          tpu.vector_store %arg7[%swap3A_554, %swap3A_555], %select_n3A_553 {strides = array<i32>} : memref<8x128xf32, #tpu.memory_space<vmem>>, vector<16xf32>,
          %scan3A_557 = arith.constant 0 : i32
          scf.yield %scan3A_557 : i32
        }
        %scan3A_494 = arith.constant 8 : i32
        %lt3A_495 = arith.constant 1.000000e+00 : f32
        %lt3A_496 = vector.broadcast %lt3A_495 : f32 to vector<16xf32>
        %lt3A_497 = arith.cmpf olt, %add3A_200, %lt3A_496 : vector<16xf32>
        %scan3A_498 = arith.constant 0 : i32
        %scan3A_499 = arith.constant 0 : i32
        %scan3A_500 = arith.constant 8 : i32
        %scan3A_501 = arith.addi %scan3A_499, %scan3A_500 : i32
        %scan3A_502 = arith.constant 1 : i32
        %scan3A_503 = scf.for %scan3A_536 = %scan3A_499 to %scan3A_501 step %scan3A_502 iter_args(%scan3A_537 = %scan3A_498) -> (i32)  : i32 {
          %add3A_538 = arith.addi %multiple_of3A_454, %scan3A_536 : i32
          %get3A_539 = arith.index_cast %add3A_538 : i32 to index
          %get3A_540 = arith.constant 64 : index
          %get3A_541 = tpu.vector_load %arg10[%get3A_539, %get3A_540] {strides = array<i32>} : memref<100x128xf32, #tpu.memory_space<vmem>>, vector<16xf32>,
          %eq3A_542 = arith.constant -2.000000e+00 : f32
          %eq3A_543 = vector.broadcast %eq3A_542 : f32 to vector<16xf32>
          %eq3A_544 = arith.cmpf oeq, %get3A_541, %eq3A_543 : vector<16xf32>
          %jit3A_545 = arith.constant 1.000000e+00 : f32
          %jit3A_546 = arith.constant 0.000000e+00 : f32
          %broadcast_in_dim3A_547 = vector.broadcast %jit3A_545 : f32 to vector<16xf32>
          %broadcast_in_dim3A_548 = vector.broadcast %jit3A_546 : f32 to vector<16xf32>
          %select_n3A_549 = arith.select %eq3A_544, %broadcast_in_dim3A_547, %broadcast_in_dim3A_548 : vector<16xi1>, vector<16xf32>
          %get3A_550 = arith.index_cast %scan3A_536 : i32 to index
          %get3A_551 = arith.constant 64 : index
          %get3A_552 = tpu.vector_load %arg7[%get3A_550, %get3A_551] {strides = array<i32>} : memref<8x128xf32, #tpu.memory_space<vmem>>, vector<16xf32>,
          %select_n3A_553 = arith.select %lt3A_497, %select_n3A_549, %get3A_552 : vector<16xi1>, vector<16xf32>
          %swap3A_554 = arith.index_cast %scan3A_536 : i32 to index
          %swap3A_555 = arith.constant 64 : index
          %swap3A_556 = tpu.vector_load %arg7[%swap3A_554, %swap3A_555] {strides = array<i32>} : memref<8x128xf32, #tpu.memory_space<vmem>>, vector<16xf32>,
          tpu.vector_store %arg7[%swap3A_554, %swap3A_555], %select_n3A_553 {strides = array<i32>} : memref<8x128xf32, #tpu.memory_space<vmem>>, vector<16xf32>,
          %scan3A_557 = arith.constant 0 : i32
          scf.yield %scan3A_557 : i32
        }
        %scan3A_504 = arith.constant 8 : i32
        %lt3A_505 = arith.constant 1.000000e+00 : f32
        %lt3A_506 = vector.broadcast %lt3A_505 : f32 to vector<16xf32>
        %lt3A_507 = arith.cmpf olt, %add3A_219, %lt3A_506 : vector<16xf32>
        %scan3A_508 = arith.constant 0 : i32
        %scan3A_509 = arith.constant 0 : i32
        %scan3A_510 = arith.constant 8 : i32
        %scan3A_511 = arith.addi %scan3A_509, %scan3A_510 : i32
        %scan3A_512 = arith.constant 1 : i32
        %scan3A_513 = scf.for %scan3A_536 = %scan3A_509 to %scan3A_511 step %scan3A_512 iter_args(%scan3A_537 = %scan3A_508) -> (i32)  : i32 {
          %add3A_538 = arith.addi %multiple_of3A_454, %scan3A_536 : i32
          %get3A_539 = arith.index_cast %add3A_538 : i32 to index
          %get3A_540 = arith.constant 80 : index
          %get3A_541 = tpu.vector_load %arg10[%get3A_539, %get3A_540] {strides = array<i32>} : memref<100x128xf32, #tpu.memory_space<vmem>>, vector<16xf32>,
          %eq3A_542 = arith.constant -2.000000e+00 : f32
          %eq3A_543 = vector.broadcast %eq3A_542 : f32 to vector<16xf32>
          %eq3A_544 = arith.cmpf oeq, %get3A_541, %eq3A_543 : vector<16xf32>
          %jit3A_545 = arith.constant 1.000000e+00 : f32
          %jit3A_546 = arith.constant 0.000000e+00 : f32
          %broadcast_in_dim3A_547 = vector.broadcast %jit3A_545 : f32 to vector<16xf32>
          %broadcast_in_dim3A_548 = vector.broadcast %jit3A_546 : f32 to vector<16xf32>
          %select_n3A_549 = arith.select %eq3A_544, %broadcast_in_dim3A_547, %broadcast_in_dim3A_548 : vector<16xi1>, vector<16xf32>
          %get3A_550 = arith.index_cast %scan3A_536 : i32 to index
          %get3A_551 = arith.constant 80 : index
          %get3A_552 = tpu.vector_load %arg7[%get3A_550, %get3A_551] {strides = array<i32>} : memref<8x128xf32, #tpu.memory_space<vmem>>, vector<16xf32>,
          %select_n3A_553 = arith.select %lt3A_507, %select_n3A_549, %get3A_552 : vector<16xi1>, vector<16xf32>
          %swap3A_554 = arith.index_cast %scan3A_536 : i32 to index
          %swap3A_555 = arith.constant 80 : index
          %swap3A_556 = tpu.vector_load %arg7[%swap3A_554, %swap3A_555] {strides = array<i32>} : memref<8x128xf32, #tpu.memory_space<vmem>>, vector<16xf32>,
          tpu.vector_store %arg7[%swap3A_554, %swap3A_555], %select_n3A_553 {strides = array<i32>} : memref<8x128xf32, #tpu.memory_space<vmem>>, vector<16xf32>,
          %scan3A_557 = arith.constant 0 : i32
          scf.yield %scan3A_557 : i32
        }
        %scan3A_514 = arith.constant 8 : i32
        %lt3A_515 = arith.constant 1.000000e+00 : f32
        %lt3A_516 = vector.broadcast %lt3A_515 : f32 to vector<16xf32>
        %lt3A_517 = arith.cmpf olt, %add3A_238, %lt3A_516 : vector<16xf32>
        %scan3A_518 = arith.constant 0 : i32
        %scan3A_519 = arith.constant 0 : i32
        %scan3A_520 = arith.constant 8 : i32
        %scan3A_521 = arith.addi %scan3A_519, %scan3A_520 : i32
        %scan3A_522 = arith.constant 1 : i32
        %scan3A_523 = scf.for %scan3A_536 = %scan3A_519 to %scan3A_521 step %scan3A_522 iter_args(%scan3A_537 = %scan3A_518) -> (i32)  : i32 {
          %add3A_538 = arith.addi %multiple_of3A_454, %scan3A_536 : i32
          %get3A_539 = arith.index_cast %add3A_538 : i32 to index
          %get3A_540 = arith.constant 96 : index
          %get3A_541 = tpu.vector_load %arg10[%get3A_539, %get3A_540] {strides = array<i32>} : memref<100x128xf32, #tpu.memory_space<vmem>>, vector<16xf32>,
          %eq3A_542 = arith.constant -2.000000e+00 : f32
          %eq3A_543 = vector.broadcast %eq3A_542 : f32 to vector<16xf32>
          %eq3A_544 = arith.cmpf oeq, %get3A_541, %eq3A_543 : vector<16xf32>
          %jit3A_545 = arith.constant 1.000000e+00 : f32
          %jit3A_546 = arith.constant 0.000000e+00 : f32
          %broadcast_in_dim3A_547 = vector.broadcast %jit3A_545 : f32 to vector<16xf32>
          %broadcast_in_dim3A_548 = vector.broadcast %jit3A_546 : f32 to vector<16xf32>
          %select_n3A_549 = arith.select %eq3A_544, %broadcast_in_dim3A_547, %broadcast_in_dim3A_548 : vector<16xi1>, vector<16xf32>
          %get3A_550 = arith.index_cast %scan3A_536 : i32 to index
          %get3A_551 = arith.constant 96 : index
          %get3A_552 = tpu.vector_load %arg7[%get3A_550, %get3A_551] {strides = array<i32>} : memref<8x128xf32, #tpu.memory_space<vmem>>, vector<16xf32>,
          %select_n3A_553 = arith.select %lt3A_517, %select_n3A_549, %get3A_552 : vector<16xi1>, vector<16xf32>
          %swap3A_554 = arith.index_cast %scan3A_536 : i32 to index
          %swap3A_555 = arith.constant 96 : index
          %swap3A_556 = tpu.vector_load %arg7[%swap3A_554, %swap3A_555] {strides = array<i32>} : memref<8x128xf32, #tpu.memory_space<vmem>>, vector<16xf32>,
          tpu.vector_store %arg7[%swap3A_554, %swap3A_555], %select_n3A_553 {strides = array<i32>} : memref<8x128xf32, #tpu.memory_space<vmem>>, vector<16xf32>,
          %scan3A_557 = arith.constant 0 : i32
          scf.yield %scan3A_557 : i32
        }
        %scan3A_524 = arith.constant 8 : i32
        %lt3A_525 = arith.constant 1.000000e+00 : f32
        %lt3A_526 = vector.broadcast %lt3A_525 : f32 to vector<16xf32>
        %lt3A_527 = arith.cmpf olt, %add3A_257, %lt3A_526 : vector<16xf32>
        %scan3A_528 = arith.constant 0 : i32
        %scan3A_529 = arith.constant 0 : i32
        %scan3A_530 = arith.constant 8 : i32
        %scan3A_531 = arith.addi %scan3A_529, %scan3A_530 : i32
        %scan3A_532 = arith.constant 1 : i32
        %scan3A_533 = scf.for %scan3A_536 = %scan3A_529 to %scan3A_531 step %scan3A_532 iter_args(%scan3A_537 = %scan3A_528) -> (i32)  : i32 {
          %add3A_538 = arith.addi %multiple_of3A_454, %scan3A_536 : i32
          %get3A_539 = arith.index_cast %add3A_538 : i32 to index
          %get3A_540 = arith.constant 112 : index
          %get3A_541 = tpu.vector_load %arg10[%get3A_539, %get3A_540] {strides = array<i32>} : memref<100x128xf32, #tpu.memory_space<vmem>>, vector<16xf32>,
          %eq3A_542 = arith.constant -2.000000e+00 : f32
          %eq3A_543 = vector.broadcast %eq3A_542 : f32 to vector<16xf32>
          %eq3A_544 = arith.cmpf oeq, %get3A_541, %eq3A_543 : vector<16xf32>
          %jit3A_545 = arith.constant 1.000000e+00 : f32
          %jit3A_546 = arith.constant 0.000000e+00 : f32
          %broadcast_in_dim3A_547 = vector.broadcast %jit3A_545 : f32 to vector<16xf32>
          %broadcast_in_dim3A_548 = vector.broadcast %jit3A_546 : f32 to vector<16xf32>
          %select_n3A_549 = arith.select %eq3A_544, %broadcast_in_dim3A_547, %broadcast_in_dim3A_548 : vector<16xi1>, vector<16xf32>
          %get3A_550 = arith.index_cast %scan3A_536 : i32 to index
          %get3A_551 = arith.constant 112 : index
          %get3A_552 = tpu.vector_load %arg7[%get3A_550, %get3A_551] {strides = array<i32>} : memref<8x128xf32, #tpu.memory_space<vmem>>, vector<16xf32>,
          %select_n3A_553 = arith.select %lt3A_527, %select_n3A_549, %get3A_552 : vector<16xi1>, vector<16xf32>
          %swap3A_554 = arith.index_cast %scan3A_536 : i32 to index
          %swap3A_555 = arith.constant 112 : index
          %swap3A_556 = tpu.vector_load %arg7[%swap3A_554, %swap3A_555] {strides = array<i32>} : memref<8x128xf32, #tpu.memory_space<vmem>>, vector<16xf32>,
          tpu.vector_store %arg7[%swap3A_554, %swap3A_555], %select_n3A_553 {strides = array<i32>} : memref<8x128xf32, #tpu.memory_space<vmem>>, vector<16xf32>,
          %scan3A_557 = arith.constant 0 : i32
          scf.yield %scan3A_557 : i32
        }
        %scan3A_534 = arith.constant 8 : i32
        "tpu.region"() ({
          %run_scoped3A = tpu.sem_alloc : memref<!tpu.dma_semaphore, #tpu.memory_space<semaphore_mem>>
          %dma_start3A_536 = arith.constant 0 : i32
          %dma_start3A_537 = arith.constant 0 : i32
          %dma_start3A_538 = tpu.memref_slice %arg7[%dma_start3A_536, %dma_start3A_537] : memref<8x128xf32, #tpu.memory_space<vmem>> -> memref<8x128xf32, #tpu.memory_space<vmem>>
          %dma_start3A_539 = tpu.memref_slice %arg3[%multiple_of3A_454, %mul3A_32] : memref<100x1024xf32, #tpu.memory_space<hbm>> -> memref<8x128xf32, #tpu.memory_space<hbm>>
          %dma_start3A_540 = tpu.memref_slice %arg3[%multiple_of3A_454, %mul3A_32] : memref<100x1024xf32, #tpu.memory_space<hbm>> -> memref<8x128xf32, #tpu.memory_space<hbm>>
          %dma_start3A_541 = arith.constant 0 : i32
          %dma_start3A_542 = arith.constant 0 : i32
          %dma_start3A_543 = tpu.memref_slice %arg7[%dma_start3A_541, %dma_start3A_542] : memref<8x128xf32, #tpu.memory_space<vmem>> -> memref<8x128xf32, #tpu.memory_space<vmem>>
          tpu.enqueue_dma source(%dma_start3A_543 : memref<8x128xf32, #tpu.memory_space<vmem>>) target(%dma_start3A_540 : memref<8x128xf32, #tpu.memory_space<hbm>>) target_semaphore(%run_scoped3A : memref<!tpu.dma_semaphore, #tpu.memory_space<semaphore_mem>>)
          %dma_wait3A = arith.constant 0 : i32
          %dma_wait3A_544 = arith.constant 0 : i32
          %dma_wait3A_545 = tpu.memref_slice %arg7[%dma_wait3A, %dma_wait3A_544] : memref<8x128xf32, #tpu.memory_space<vmem>> -> memref<8x128xf32, #tpu.memory_space<vmem>>
          %dma_wait3A_546 = tpu.memref_slice %arg3[%multiple_of3A_454, %mul3A_32] : memref<100x1024xf32, #tpu.memory_space<hbm>> -> memref<8x128xf32, #tpu.memory_space<hbm>>
          %dma_wait3A_547 = tpu.memref_slice %arg3[%multiple_of3A_454, %mul3A_32] : memref<100x1024xf32, #tpu.memory_space<hbm>> -> memref<8x128xf32, #tpu.memory_space<hbm>>
          %dma_wait3A_548 = arith.constant 0 : i32
          %dma_wait3A_549 = arith.constant 0 : i32
          %dma_wait3A_550 = tpu.memref_slice %arg7[%dma_wait3A_548, %dma_wait3A_549] : memref<8x128xf32, #tpu.memory_space<vmem>> -> memref<8x128xf32, #tpu.memory_space<vmem>>
          tpu.wait_dma2 semaphore(%run_scoped3A : memref<!tpu.dma_semaphore, #tpu.memory_space<semaphore_mem>>) src(%dma_wait3A_550 : memref<8x128xf32, #tpu.memory_space<vmem>>) dst(%dma_wait3A_547 : memref<8x128xf32, #tpu.memory_space<hbm>>)
          tpu.yield
        }) : () -> ()
        %scan3A_535 = arith.constant 0 : i32
        scf.yield %scan3A_535 : i32
      }
      %scan3A_369 = arith.constant 12 : i32
      "tpu.region"() ({
        %run_scoped3A = tpu.sem_alloc : memref<!tpu.dma_semaphore, #tpu.memory_space<semaphore_mem>>
        %dma_start3A_450 = arith.constant 0 : i32
        %dma_start3A_451 = arith.constant 0 : i32
        %dma_start3A_452 = tpu.memref_slice %arg7[%dma_start3A_450, %dma_start3A_451] : memref<8x128xf32, #tpu.memory_space<vmem>> -> memref<4x128xf32, #tpu.memory_space<vmem>>
        %dma_start3A_453 = arith.constant 96 : i32
        %dma_start3A_454 = tpu.memref_slice %arg3[%dma_start3A_453, %mul3A_32] : memref<100x1024xf32, #tpu.memory_space<hbm>> -> memref<4x128xf32, #tpu.memory_space<hbm>>
        %dma_start3A_455 = arith.constant 0 : i32
        %dma_start3A_456 = arith.constant 0 : i32
        %dma_start3A_457 = tpu.memref_slice %arg7[%dma_start3A_455, %dma_start3A_456] : memref<8x128xf32, #tpu.memory_space<vmem>> -> memref<4x128xf32, #tpu.memory_space<vmem>>
        %dma_start3A_458 = arith.constant 96 : i32
        %dma_start3A_459 = tpu.memref_slice %arg3[%dma_start3A_458, %mul3A_32] : memref<100x1024xf32, #tpu.memory_space<hbm>> -> memref<4x128xf32, #tpu.memory_space<hbm>>
        tpu.enqueue_dma source(%dma_start3A_459 : memref<4x128xf32, #tpu.memory_space<hbm>>) target(%dma_start3A_457 : memref<4x128xf32, #tpu.memory_space<vmem>>) target_semaphore(%run_scoped3A : memref<!tpu.dma_semaphore, #tpu.memory_space<semaphore_mem>>)
        %dma_wait3A = arith.constant 0 : i32
        %dma_wait3A_460 = arith.constant 0 : i32
        %dma_wait3A_461 = tpu.memref_slice %arg7[%dma_wait3A, %dma_wait3A_460] : memref<8x128xf32, #tpu.memory_space<vmem>> -> memref<4x128xf32, #tpu.memory_space<vmem>>
        %dma_wait3A_462 = arith.constant 96 : i32
        %dma_wait3A_463 = tpu.memref_slice %arg3[%dma_wait3A_462, %mul3A_32] : memref<100x1024xf32, #tpu.memory_space<hbm>> -> memref<4x128xf32, #tpu.memory_space<hbm>>
        %dma_wait3A_464 = arith.constant 0 : i32
        %dma_wait3A_465 = arith.constant 0 : i32
        %dma_wait3A_466 = tpu.memref_slice %arg7[%dma_wait3A_464, %dma_wait3A_465] : memref<8x128xf32, #tpu.memory_space<vmem>> -> memref<4x128xf32, #tpu.memory_space<vmem>>
        %dma_wait3A_467 = arith.constant 96 : i32
        %dma_wait3A_468 = tpu.memref_slice %arg3[%dma_wait3A_467, %mul3A_32] : memref<100x1024xf32, #tpu.memory_space<hbm>> -> memref<4x128xf32, #tpu.memory_space<hbm>>
        tpu.wait_dma2 semaphore(%run_scoped3A : memref<!tpu.dma_semaphore, #tpu.memory_space<semaphore_mem>>) src(%dma_wait3A_468 : memref<4x128xf32, #tpu.memory_space<hbm>>) dst(%dma_wait3A_466 : memref<4x128xf32, #tpu.memory_space<vmem>>)
        tpu.yield
      }) : () -> ()
      %lt3A_370 = arith.constant 1.000000e+00 : f32
      %lt3A_371 = vector.broadcast %lt3A_370 : f32 to vector<16xf32>
      %lt3A_372 = arith.cmpf olt, %add3A_124, %lt3A_371 : vector<16xf32>
      %scan3A_373 = arith.constant 0 : i32
      %scan3A_374 = arith.constant 0 : i32
      %scan3A_375 = arith.constant 4 : i32
      %scan3A_376 = arith.addi %scan3A_374, %scan3A_375 : i32
      %scan3A_377 = arith.constant 1 : i32
      %scan3A_378 = scf.for %scan3A_450 = %scan3A_374 to %scan3A_376 step %scan3A_377 iter_args(%scan3A_451 = %scan3A_373) -> (i32)  : i32 {
        %add3A_452 = arith.constant 96 : i32
        %add3A_453 = arith.addi %add3A_452, %scan3A_450 : i32
        %get3A_454 = arith.index_cast %add3A_453 : i32 to index
        %get3A_455 = arith.constant 0 : index
        %get3A_456 = tpu.vector_load %arg10[%get3A_454, %get3A_455] {strides = array<i32>} : memref<100x128xf32, #tpu.memory_space<vmem>>, vector<16xf32>,
        %eq3A_457 = arith.constant -2.000000e+00 : f32
        %eq3A_458 = vector.broadcast %eq3A_457 : f32 to vector<16xf32>
        %eq3A_459 = arith.cmpf oeq, %get3A_456, %eq3A_458 : vector<16xf32>
        %jit3A_460 = arith.constant 1.000000e+00 : f32
        %jit3A_461 = arith.constant 0.000000e+00 : f32
        %broadcast_in_dim3A_462 = vector.broadcast %jit3A_460 : f32 to vector<16xf32>
        %broadcast_in_dim3A_463 = vector.broadcast %jit3A_461 : f32 to vector<16xf32>
        %select_n3A_464 = arith.select %eq3A_459, %broadcast_in_dim3A_462, %broadcast_in_dim3A_463 : vector<16xi1>, vector<16xf32>
        %get3A_465 = arith.index_cast %scan3A_450 : i32 to index
        %get3A_466 = arith.constant 0 : index
        %get3A_467 = tpu.vector_load %arg7[%get3A_465, %get3A_466] {strides = array<i32>} : memref<8x128xf32, #tpu.memory_space<vmem>>, vector<16xf32>,
        %select_n3A_468 = arith.select %lt3A_372, %select_n3A_464, %get3A_467 : vector<16xi1>, vector<16xf32>
        %swap3A_469 = arith.index_cast %scan3A_450 : i32 to index
        %swap3A_470 = arith.constant 0 : index
        %swap3A_471 = tpu.vector_load %arg7[%swap3A_469, %swap3A_470] {strides = array<i32>} : memref<8x128xf32, #tpu.memory_space<vmem>>, vector<16xf32>,
        tpu.vector_store %arg7[%swap3A_469, %swap3A_470], %select_n3A_468 {strides = array<i32>} : memref<8x128xf32, #tpu.memory_space<vmem>>, vector<16xf32>,
        %scan3A_472 = arith.constant 0 : i32
        scf.yield %scan3A_472 : i32
      }
      %scan3A_379 = arith.constant 4 : i32
      %lt3A_380 = arith.constant 1.000000e+00 : f32
      %lt3A_381 = vector.broadcast %lt3A_380 : f32 to vector<16xf32>
      %lt3A_382 = arith.cmpf olt, %add3A_143, %lt3A_381 : vector<16xf32>
      %scan3A_383 = arith.constant 0 : i32
      %scan3A_384 = arith.constant 0 : i32
      %scan3A_385 = arith.constant 4 : i32
      %scan3A_386 = arith.addi %scan3A_384, %scan3A_385 : i32
      %scan3A_387 = arith.constant 1 : i32
      %scan3A_388 = scf.for %scan3A_450 = %scan3A_384 to %scan3A_386 step %scan3A_387 iter_args(%scan3A_451 = %scan3A_383) -> (i32)  : i32 {
        %add3A_452 = arith.constant 96 : i32
        %add3A_453 = arith.addi %add3A_452, %scan3A_450 : i32
        %get3A_454 = arith.index_cast %add3A_453 : i32 to index
        %get3A_455 = arith.constant 16 : index
        %get3A_456 = tpu.vector_load %arg10[%get3A_454, %get3A_455] {strides = array<i32>} : memref<100x128xf32, #tpu.memory_space<vmem>>, vector<16xf32>,
        %eq3A_457 = arith.constant -2.000000e+00 : f32
        %eq3A_458 = vector.broadcast %eq3A_457 : f32 to vector<16xf32>
        %eq3A_459 = arith.cmpf oeq, %get3A_456, %eq3A_458 : vector<16xf32>
        %jit3A_460 = arith.constant 1.000000e+00 : f32
        %jit3A_461 = arith.constant 0.000000e+00 : f32
        %broadcast_in_dim3A_462 = vector.broadcast %jit3A_460 : f32 to vector<16xf32>
        %broadcast_in_dim3A_463 = vector.broadcast %jit3A_461 : f32 to vector<16xf32>
        %select_n3A_464 = arith.select %eq3A_459, %broadcast_in_dim3A_462, %broadcast_in_dim3A_463 : vector<16xi1>, vector<16xf32>
        %get3A_465 = arith.index_cast %scan3A_450 : i32 to index
        %get3A_466 = arith.constant 16 : index
        %get3A_467 = tpu.vector_load %arg7[%get3A_465, %get3A_466] {strides = array<i32>} : memref<8x128xf32, #tpu.memory_space<vmem>>, vector<16xf32>,
        %select_n3A_468 = arith.select %lt3A_382, %select_n3A_464, %get3A_467 : vector<16xi1>, vector<16xf32>
        %swap3A_469 = arith.index_cast %scan3A_450 : i32 to index
        %swap3A_470 = arith.constant 16 : index
        %swap3A_471 = tpu.vector_load %arg7[%swap3A_469, %swap3A_470] {strides = array<i32>} : memref<8x128xf32, #tpu.memory_space<vmem>>, vector<16xf32>,
        tpu.vector_store %arg7[%swap3A_469, %swap3A_470], %select_n3A_468 {strides = array<i32>} : memref<8x128xf32, #tpu.memory_space<vmem>>, vector<16xf32>,
        %scan3A_472 = arith.constant 0 : i32
        scf.yield %scan3A_472 : i32
      }
      %scan3A_389 = arith.constant 4 : i32
      %lt3A_390 = arith.constant 1.000000e+00 : f32
      %lt3A_391 = vector.broadcast %lt3A_390 : f32 to vector<16xf32>
      %lt3A_392 = arith.cmpf olt, %add3A_162, %lt3A_391 : vector<16xf32>
      %scan3A_393 = arith.constant 0 : i32
      %scan3A_394 = arith.constant 0 : i32
      %scan3A_395 = arith.constant 4 : i32
      %scan3A_396 = arith.addi %scan3A_394, %scan3A_395 : i32
      %scan3A_397 = arith.constant 1 : i32
      %scan3A_398 = scf.for %scan3A_450 = %scan3A_394 to %scan3A_396 step %scan3A_397 iter_args(%scan3A_451 = %scan3A_393) -> (i32)  : i32 {
        %add3A_452 = arith.constant 96 : i32
        %add3A_453 = arith.addi %add3A_452, %scan3A_450 : i32
        %get3A_454 = arith.index_cast %add3A_453 : i32 to index
        %get3A_455 = arith.constant 32 : index
        %get3A_456 = tpu.vector_load %arg10[%get3A_454, %get3A_455] {strides = array<i32>} : memref<100x128xf32, #tpu.memory_space<vmem>>, vector<16xf32>,
        %eq3A_457 = arith.constant -2.000000e+00 : f32
        %eq3A_458 = vector.broadcast %eq3A_457 : f32 to vector<16xf32>
        %eq3A_459 = arith.cmpf oeq, %get3A_456, %eq3A_458 : vector<16xf32>
        %jit3A_460 = arith.constant 1.000000e+00 : f32
        %jit3A_461 = arith.constant 0.000000e+00 : f32
        %broadcast_in_dim3A_462 = vector.broadcast %jit3A_460 : f32 to vector<16xf32>
        %broadcast_in_dim3A_463 = vector.broadcast %jit3A_461 : f32 to vector<16xf32>
        %select_n3A_464 = arith.select %eq3A_459, %broadcast_in_dim3A_462, %broadcast_in_dim3A_463 : vector<16xi1>, vector<16xf32>
        %get3A_465 = arith.index_cast %scan3A_450 : i32 to index
        %get3A_466 = arith.constant 32 : index
        %get3A_467 = tpu.vector_load %arg7[%get3A_465, %get3A_466] {strides = array<i32>} : memref<8x128xf32, #tpu.memory_space<vmem>>, vector<16xf32>,
        %select_n3A_468 = arith.select %lt3A_392, %select_n3A_464, %get3A_467 : vector<16xi1>, vector<16xf32>
        %swap3A_469 = arith.index_cast %scan3A_450 : i32 to index
        %swap3A_470 = arith.constant 32 : index
        %swap3A_471 = tpu.vector_load %arg7[%swap3A_469, %swap3A_470] {strides = array<i32>} : memref<8x128xf32, #tpu.memory_space<vmem>>, vector<16xf32>,
        tpu.vector_store %arg7[%swap3A_469, %swap3A_470], %select_n3A_468 {strides = array<i32>} : memref<8x128xf32, #tpu.memory_space<vmem>>, vector<16xf32>,
        %scan3A_472 = arith.constant 0 : i32
        scf.yield %scan3A_472 : i32
      }
      %scan3A_399 = arith.constant 4 : i32
      %lt3A_400 = arith.constant 1.000000e+00 : f32
      %lt3A_401 = vector.broadcast %lt3A_400 : f32 to vector<16xf32>
      %lt3A_402 = arith.cmpf olt, %add3A_181, %lt3A_401 : vector<16xf32>
      %scan3A_403 = arith.constant 0 : i32
      %scan3A_404 = arith.constant 0 : i32
      %scan3A_405 = arith.constant 4 : i32
      %scan3A_406 = arith.addi %scan3A_404, %scan3A_405 : i32
      %scan3A_407 = arith.constant 1 : i32
      %scan3A_408 = scf.for %scan3A_450 = %scan3A_404 to %scan3A_406 step %scan3A_407 iter_args(%scan3A_451 = %scan3A_403) -> (i32)  : i32 {
        %add3A_452 = arith.constant 96 : i32
        %add3A_453 = arith.addi %add3A_452, %scan3A_450 : i32
        %get3A_454 = arith.index_cast %add3A_453 : i32 to index
        %get3A_455 = arith.constant 48 : index
        %get3A_456 = tpu.vector_load %arg10[%get3A_454, %get3A_455] {strides = array<i32>} : memref<100x128xf32, #tpu.memory_space<vmem>>, vector<16xf32>,
        %eq3A_457 = arith.constant -2.000000e+00 : f32
        %eq3A_458 = vector.broadcast %eq3A_457 : f32 to vector<16xf32>
        %eq3A_459 = arith.cmpf oeq, %get3A_456, %eq3A_458 : vector<16xf32>
        %jit3A_460 = arith.constant 1.000000e+00 : f32
        %jit3A_461 = arith.constant 0.000000e+00 : f32
        %broadcast_in_dim3A_462 = vector.broadcast %jit3A_460 : f32 to vector<16xf32>
        %broadcast_in_dim3A_463 = vector.broadcast %jit3A_461 : f32 to vector<16xf32>
        %select_n3A_464 = arith.select %eq3A_459, %broadcast_in_dim3A_462, %broadcast_in_dim3A_463 : vector<16xi1>, vector<16xf32>
        %get3A_465 = arith.index_cast %scan3A_450 : i32 to index
        %get3A_466 = arith.constant 48 : index
        %get3A_467 = tpu.vector_load %arg7[%get3A_465, %get3A_466] {strides = array<i32>} : memref<8x128xf32, #tpu.memory_space<vmem>>, vector<16xf32>,
        %select_n3A_468 = arith.select %lt3A_402, %select_n3A_464, %get3A_467 : vector<16xi1>, vector<16xf32>
        %swap3A_469 = arith.index_cast %scan3A_450 : i32 to index
        %swap3A_470 = arith.constant 48 : index
        %swap3A_471 = tpu.vector_load %arg7[%swap3A_469, %swap3A_470] {strides = array<i32>} : memref<8x128xf32, #tpu.memory_space<vmem>>, vector<16xf32>,
        tpu.vector_store %arg7[%swap3A_469, %swap3A_470], %select_n3A_468 {strides = array<i32>} : memref<8x128xf32, #tpu.memory_space<vmem>>, vector<16xf32>,
        %scan3A_472 = arith.constant 0 : i32
        scf.yield %scan3A_472 : i32
      }
      %scan3A_409 = arith.constant 4 : i32
      %lt3A_410 = arith.constant 1.000000e+00 : f32
      %lt3A_411 = vector.broadcast %lt3A_410 : f32 to vector<16xf32>
      %lt3A_412 = arith.cmpf olt, %add3A_200, %lt3A_411 : vector<16xf32>
      %scan3A_413 = arith.constant 0 : i32
      %scan3A_414 = arith.constant 0 : i32
      %scan3A_415 = arith.constant 4 : i32
      %scan3A_416 = arith.addi %scan3A_414, %scan3A_415 : i32
      %scan3A_417 = arith.constant 1 : i32
      %scan3A_418 = scf.for %scan3A_450 = %scan3A_414 to %scan3A_416 step %scan3A_417 iter_args(%scan3A_451 = %scan3A_413) -> (i32)  : i32 {
        %add3A_452 = arith.constant 96 : i32
        %add3A_453 = arith.addi %add3A_452, %scan3A_450 : i32
        %get3A_454 = arith.index_cast %add3A_453 : i32 to index
        %get3A_455 = arith.constant 64 : index
        %get3A_456 = tpu.vector_load %arg10[%get3A_454, %get3A_455] {strides = array<i32>} : memref<100x128xf32, #tpu.memory_space<vmem>>, vector<16xf32>,
        %eq3A_457 = arith.constant -2.000000e+00 : f32
        %eq3A_458 = vector.broadcast %eq3A_457 : f32 to vector<16xf32>
        %eq3A_459 = arith.cmpf oeq, %get3A_456, %eq3A_458 : vector<16xf32>
        %jit3A_460 = arith.constant 1.000000e+00 : f32
        %jit3A_461 = arith.constant 0.000000e+00 : f32
        %broadcast_in_dim3A_462 = vector.broadcast %jit3A_460 : f32 to vector<16xf32>
        %broadcast_in_dim3A_463 = vector.broadcast %jit3A_461 : f32 to vector<16xf32>
        %select_n3A_464 = arith.select %eq3A_459, %broadcast_in_dim3A_462, %broadcast_in_dim3A_463 : vector<16xi1>, vector<16xf32>
        %get3A_465 = arith.index_cast %scan3A_450 : i32 to index
        %get3A_466 = arith.constant 64 : index
        %get3A_467 = tpu.vector_load %arg7[%get3A_465, %get3A_466] {strides = array<i32>} : memref<8x128xf32, #tpu.memory_space<vmem>>, vector<16xf32>,
        %select_n3A_468 = arith.select %lt3A_412, %select_n3A_464, %get3A_467 : vector<16xi1>, vector<16xf32>
        %swap3A_469 = arith.index_cast %scan3A_450 : i32 to index
        %swap3A_470 = arith.constant 64 : index
        %swap3A_471 = tpu.vector_load %arg7[%swap3A_469, %swap3A_470] {strides = array<i32>} : memref<8x128xf32, #tpu.memory_space<vmem>>, vector<16xf32>,
        tpu.vector_store %arg7[%swap3A_469, %swap3A_470], %select_n3A_468 {strides = array<i32>} : memref<8x128xf32, #tpu.memory_space<vmem>>, vector<16xf32>,
        %scan3A_472 = arith.constant 0 : i32
        scf.yield %scan3A_472 : i32
      }
      %scan3A_419 = arith.constant 4 : i32
      %lt3A_420 = arith.constant 1.000000e+00 : f32
      %lt3A_421 = vector.broadcast %lt3A_420 : f32 to vector<16xf32>
      %lt3A_422 = arith.cmpf olt, %add3A_219, %lt3A_421 : vector<16xf32>
      %scan3A_423 = arith.constant 0 : i32
      %scan3A_424 = arith.constant 0 : i32
      %scan3A_425 = arith.constant 4 : i32
      %scan3A_426 = arith.addi %scan3A_424, %scan3A_425 : i32
      %scan3A_427 = arith.constant 1 : i32
      %scan3A_428 = scf.for %scan3A_450 = %scan3A_424 to %scan3A_426 step %scan3A_427 iter_args(%scan3A_451 = %scan3A_423) -> (i32)  : i32 {
        %add3A_452 = arith.constant 96 : i32
        %add3A_453 = arith.addi %add3A_452, %scan3A_450 : i32
        %get3A_454 = arith.index_cast %add3A_453 : i32 to index
        %get3A_455 = arith.constant 80 : index
        %get3A_456 = tpu.vector_load %arg10[%get3A_454, %get3A_455] {strides = array<i32>} : memref<100x128xf32, #tpu.memory_space<vmem>>, vector<16xf32>,
        %eq3A_457 = arith.constant -2.000000e+00 : f32
        %eq3A_458 = vector.broadcast %eq3A_457 : f32 to vector<16xf32>
        %eq3A_459 = arith.cmpf oeq, %get3A_456, %eq3A_458 : vector<16xf32>
        %jit3A_460 = arith.constant 1.000000e+00 : f32
        %jit3A_461 = arith.constant 0.000000e+00 : f32
        %broadcast_in_dim3A_462 = vector.broadcast %jit3A_460 : f32 to vector<16xf32>
        %broadcast_in_dim3A_463 = vector.broadcast %jit3A_461 : f32 to vector<16xf32>
        %select_n3A_464 = arith.select %eq3A_459, %broadcast_in_dim3A_462, %broadcast_in_dim3A_463 : vector<16xi1>, vector<16xf32>
        %get3A_465 = arith.index_cast %scan3A_450 : i32 to index
        %get3A_466 = arith.constant 80 : index
        %get3A_467 = tpu.vector_load %arg7[%get3A_465, %get3A_466] {strides = array<i32>} : memref<8x128xf32, #tpu.memory_space<vmem>>, vector<16xf32>,
        %select_n3A_468 = arith.select %lt3A_422, %select_n3A_464, %get3A_467 : vector<16xi1>, vector<16xf32>
        %swap3A_469 = arith.index_cast %scan3A_450 : i32 to index
        %swap3A_470 = arith.constant 80 : index
        %swap3A_471 = tpu.vector_load %arg7[%swap3A_469, %swap3A_470] {strides = array<i32>} : memref<8x128xf32, #tpu.memory_space<vmem>>, vector<16xf32>,
        tpu.vector_store %arg7[%swap3A_469, %swap3A_470], %select_n3A_468 {strides = array<i32>} : memref<8x128xf32, #tpu.memory_space<vmem>>, vector<16xf32>,
        %scan3A_472 = arith.constant 0 : i32
        scf.yield %scan3A_472 : i32
      }
      %scan3A_429 = arith.constant 4 : i32
      %lt3A_430 = arith.constant 1.000000e+00 : f32
      %lt3A_431 = vector.broadcast %lt3A_430 : f32 to vector<16xf32>
      %lt3A_432 = arith.cmpf olt, %add3A_238, %lt3A_431 : vector<16xf32>
      %scan3A_433 = arith.constant 0 : i32
      %scan3A_434 = arith.constant 0 : i32
      %scan3A_435 = arith.constant 4 : i32
      %scan3A_436 = arith.addi %scan3A_434, %scan3A_435 : i32
      %scan3A_437 = arith.constant 1 : i32
      %scan3A_438 = scf.for %scan3A_450 = %scan3A_434 to %scan3A_436 step %scan3A_437 iter_args(%scan3A_451 = %scan3A_433) -> (i32)  : i32 {
        %add3A_452 = arith.constant 96 : i32
        %add3A_453 = arith.addi %add3A_452, %scan3A_450 : i32
        %get3A_454 = arith.index_cast %add3A_453 : i32 to index
        %get3A_455 = arith.constant 96 : index
        %get3A_456 = tpu.vector_load %arg10[%get3A_454, %get3A_455] {strides = array<i32>} : memref<100x128xf32, #tpu.memory_space<vmem>>, vector<16xf32>,
        %eq3A_457 = arith.constant -2.000000e+00 : f32
        %eq3A_458 = vector.broadcast %eq3A_457 : f32 to vector<16xf32>
        %eq3A_459 = arith.cmpf oeq, %get3A_456, %eq3A_458 : vector<16xf32>
        %jit3A_460 = arith.constant 1.000000e+00 : f32
        %jit3A_461 = arith.constant 0.000000e+00 : f32
        %broadcast_in_dim3A_462 = vector.broadcast %jit3A_460 : f32 to vector<16xf32>
        %broadcast_in_dim3A_463 = vector.broadcast %jit3A_461 : f32 to vector<16xf32>
        %select_n3A_464 = arith.select %eq3A_459, %broadcast_in_dim3A_462, %broadcast_in_dim3A_463 : vector<16xi1>, vector<16xf32>
        %get3A_465 = arith.index_cast %scan3A_450 : i32 to index
        %get3A_466 = arith.constant 96 : index
        %get3A_467 = tpu.vector_load %arg7[%get3A_465, %get3A_466] {strides = array<i32>} : memref<8x128xf32, #tpu.memory_space<vmem>>, vector<16xf32>,
        %select_n3A_468 = arith.select %lt3A_432, %select_n3A_464, %get3A_467 : vector<16xi1>, vector<16xf32>
        %swap3A_469 = arith.index_cast %scan3A_450 : i32 to index
        %swap3A_470 = arith.constant 96 : index
        %swap3A_471 = tpu.vector_load %arg7[%swap3A_469, %swap3A_470] {strides = array<i32>} : memref<8x128xf32, #tpu.memory_space<vmem>>, vector<16xf32>,
        tpu.vector_store %arg7[%swap3A_469, %swap3A_470], %select_n3A_468 {strides = array<i32>} : memref<8x128xf32, #tpu.memory_space<vmem>>, vector<16xf32>,
        %scan3A_472 = arith.constant 0 : i32
        scf.yield %scan3A_472 : i32
      }
      %scan3A_439 = arith.constant 4 : i32
      %lt3A_440 = arith.constant 1.000000e+00 : f32
      %lt3A_441 = vector.broadcast %lt3A_440 : f32 to vector<16xf32>
      %lt3A_442 = arith.cmpf olt, %add3A_257, %lt3A_441 : vector<16xf32>
      %scan3A_443 = arith.constant 0 : i32
      %scan3A_444 = arith.constant 0 : i32
      %scan3A_445 = arith.constant 4 : i32
      %scan3A_446 = arith.addi %scan3A_444, %scan3A_445 : i32
      %scan3A_447 = arith.constant 1 : i32
      %scan3A_448 = scf.for %scan3A_450 = %scan3A_444 to %scan3A_446 step %scan3A_447 iter_args(%scan3A_451 = %scan3A_443) -> (i32)  : i32 {
        %add3A_452 = arith.constant 96 : i32
        %add3A_453 = arith.addi %add3A_452, %scan3A_450 : i32
        %get3A_454 = arith.index_cast %add3A_453 : i32 to index
        %get3A_455 = arith.constant 112 : index
        %get3A_456 = tpu.vector_load %arg10[%get3A_454, %get3A_455] {strides = array<i32>} : memref<100x128xf32, #tpu.memory_space<vmem>>, vector<16xf32>,
        %eq3A_457 = arith.constant -2.000000e+00 : f32
        %eq3A_458 = vector.broadcast %eq3A_457 : f32 to vector<16xf32>
        %eq3A_459 = arith.cmpf oeq, %get3A_456, %eq3A_458 : vector<16xf32>
        %jit3A_460 = arith.constant 1.000000e+00 : f32
        %jit3A_461 = arith.constant 0.000000e+00 : f32
        %broadcast_in_dim3A_462 = vector.broadcast %jit3A_460 : f32 to vector<16xf32>
        %broadcast_in_dim3A_463 = vector.broadcast %jit3A_461 : f32 to vector<16xf32>
        %select_n3A_464 = arith.select %eq3A_459, %broadcast_in_dim3A_462, %broadcast_in_dim3A_463 : vector<16xi1>, vector<16xf32>
        %get3A_465 = arith.index_cast %scan3A_450 : i32 to index
        %get3A_466 = arith.constant 112 : index
        %get3A_467 = tpu.vector_load %arg7[%get3A_465, %get3A_466] {strides = array<i32>} : memref<8x128xf32, #tpu.memory_space<vmem>>, vector<16xf32>,
        %select_n3A_468 = arith.select %lt3A_442, %select_n3A_464, %get3A_467 : vector<16xi1>, vector<16xf32>
        %swap3A_469 = arith.index_cast %scan3A_450 : i32 to index
        %swap3A_470 = arith.constant 112 : index
        %swap3A_471 = tpu.vector_load %arg7[%swap3A_469, %swap3A_470] {strides = array<i32>} : memref<8x128xf32, #tpu.memory_space<vmem>>, vector<16xf32>,
        tpu.vector_store %arg7[%swap3A_469, %swap3A_470], %select_n3A_468 {strides = array<i32>} : memref<8x128xf32, #tpu.memory_space<vmem>>, vector<16xf32>,
        %scan3A_472 = arith.constant 0 : i32
        scf.yield %scan3A_472 : i32
      }
      %scan3A_449 = arith.constant 4 : i32
      "tpu.region"() ({
        %run_scoped3A = tpu.sem_alloc : memref<!tpu.dma_semaphore, #tpu.memory_space<semaphore_mem>>
        %dma_start3A_450 = arith.constant 0 : i32
        %dma_start3A_451 = arith.constant 0 : i32
        %dma_start3A_452 = tpu.memref_slice %arg7[%dma_start3A_450, %dma_start3A_451] : memref<8x128xf32, #tpu.memory_space<vmem>> -> memref<4x128xf32, #tpu.memory_space<vmem>>
        %dma_start3A_453 = arith.constant 96 : i32
        %dma_start3A_454 = tpu.memref_slice %arg3[%dma_start3A_453, %mul3A_32] : memref<100x1024xf32, #tpu.memory_space<hbm>> -> memref<4x128xf32, #tpu.memory_space<hbm>>
        %dma_start3A_455 = arith.constant 96 : i32
        %dma_start3A_456 = tpu.memref_slice %arg3[%dma_start3A_455, %mul3A_32] : memref<100x1024xf32, #tpu.memory_space<hbm>> -> memref<4x128xf32, #tpu.memory_space<hbm>>
        %dma_start3A_457 = arith.constant 0 : i32
        %dma_start3A_458 = arith.constant 0 : i32
        %dma_start3A_459 = tpu.memref_slice %arg7[%dma_start3A_457, %dma_start3A_458] : memref<8x128xf32, #tpu.memory_space<vmem>> -> memref<4x128xf32, #tpu.memory_space<vmem>>
        tpu.enqueue_dma source(%dma_start3A_459 : memref<4x128xf32, #tpu.memory_space<vmem>>) target(%dma_start3A_456 : memref<4x128xf32, #tpu.memory_space<hbm>>) target_semaphore(%run_scoped3A : memref<!tpu.dma_semaphore, #tpu.memory_space<semaphore_mem>>)
        %dma_wait3A = arith.constant 0 : i32
        %dma_wait3A_460 = arith.constant 0 : i32
        %dma_wait3A_461 = tpu.memref_slice %arg7[%dma_wait3A, %dma_wait3A_460] : memref<8x128xf32, #tpu.memory_space<vmem>> -> memref<4x128xf32, #tpu.memory_space<vmem>>
        %dma_wait3A_462 = arith.constant 96 : i32
        %dma_wait3A_463 = tpu.memref_slice %arg3[%dma_wait3A_462, %mul3A_32] : memref<100x1024xf32, #tpu.memory_space<hbm>> -> memref<4x128xf32, #tpu.memory_space<hbm>>
        %dma_wait3A_464 = arith.constant 96 : i32
        %dma_wait3A_465 = tpu.memref_slice %arg3[%dma_wait3A_464, %mul3A_32] : memref<100x1024xf32, #tpu.memory_space<hbm>> -> memref<4x128xf32, #tpu.memory_space<hbm>>
        %dma_wait3A_466 = arith.constant 0 : i32
        %dma_wait3A_467 = arith.constant 0 : i32
        %dma_wait3A_468 = tpu.memref_slice %arg7[%dma_wait3A_466, %dma_wait3A_467] : memref<8x128xf32, #tpu.memory_space<vmem>> -> memref<4x128xf32, #tpu.memory_space<vmem>>
        tpu.wait_dma2 semaphore(%run_scoped3A : memref<!tpu.dma_semaphore, #tpu.memory_space<semaphore_mem>>) src(%dma_wait3A_468 : memref<4x128xf32, #tpu.memory_space<vmem>>) dst(%dma_wait3A_465 : memref<4x128xf32, #tpu.memory_space<hbm>>)
        tpu.yield
      }) : () -> ()
    } else {
    }
    return
  }
}

</mosaic_0001>

<sc_bundles>
// kernel: kernel.3.cloned.1.call-start
scs
__scs_entry_jumppad:
0x0: {  	(pc) =	sbr.rel $0x88, $3  }
0x1: {  	(tag) =	ssettag $0x0;
	lr =	simm.s32 $0x1  }
0x2: {  	[smem:$0x3F9F] =	sst lr;
	_ =	strace $0xD0000000  }
0x3: {  	_ = 	snop  }
0x4: {  	_ = 	snop  }
0x5: {  	_ = 	snop  }
0x6: {  	_ = 	snop  }
0x7: {  	_ = 	snop  }
__scs_overlays_trampoline_lowered:
0x8: {  	[smem:$0x3FAE] =	sst s0  }
0x9: {  	[smem:$0x3FAF] =	sst s1  }
0xa: {  	[smem:$0x3FB0] =	sst s2  }
0xb: {  	[smem:$0x3FB1] =	sst s3  }
0xc: {  	[smem:$0x3FB2] =	sst s4  }
0xd: {  	[smem:$0x3FB3] =	sst s5  }
0xe: {  	[smem:$0x3FB4] =	sst s6  }
0xf: {  	[smem:$0x3FB5] =	sst s7  }
0x10: {  	[smem:$0x3FB6] =	sst s8  }
0x11: {  	[smem:$0x3FB7] =	sst s9;
	s0 =	simm.s32 @!p0 $0x0  }
0x12: {  	s1 =	sld [smem:$0x3F9D];
	s0 =	simm.s32 @p0 $0x1  }
0x13: {  	[smem:$0x3FB8] =	sst s0;
	s0 =	simm.s32 @!p1 $0x0  }
0x14: {  	s2 =	sld [smem:$0x3F9C];
	s0 =	simm.s32 @p1 $0x1  }
0x15: {  	[smem:$0x3FB9] =	sst s0;
	s0 =	simm.s32 @!p2 $0x0  }
0x16: {  	s3 =	sld [smem:$0x3FDB];
	s0 =	simm.s32 @p2 $0x1  }
0x17: {  	s4 =	simm.s32 $0x1BF5;
	[smem:$0x3FBB] =	sst s0  }
0x18: {  	s0 =	sld [smem:$0x3F9E];
	_ =	swait.ge [sflag:s4], $0x0  }
0x19: {  	s7 =	sld [smem:$0x3F9F]  }
0x1a: {  	s8 =	sadd.s32 $0xFFFFE003, lr  }
0x1b: {  	s9 =	sadd.s32 $0xFFFFFEF7, lr;
	s5 =	simm.s32 $0xFFFFFFFF;
	p2 =	slt.u32 s8, $0xFFFFF086  }
0x1c: {  	p1 =	slt.u32 s9, $0xF7A;
	s5 =	simm.s32 @!p2 $0x0  }
0x1d: {  	s5 =	simm.s32 @p1 $0x1;
	p0 =	seq.s32 s7, s2  }
0x1e: {  	s7 =	smul.u32 @!p0 $0xF7A, s2;
	p2 =	seq.s32 @!p0 s5, $0x0  }
0x1f: {  	s9 =	smul.u32 $0xF7A, s1;
	s8 =	simm.s32 @!p0 $0x1BF5;
	p2 =	por !p2, p0  }
0x20: {  	[sflag:s8] =	ssyncset.s32 @!p0 $0xFFFFF086;
	s6 =	sadd.s32 @!p0 s3, s7;
	s7 =	simm.s32 @!p0 $0x108  }
0x21: {  	s3 =	sadd.s32 s3, s9;
	s6 =	sadd.s32 @!p0 $0x88, s6;
	s7 =	simm.s32 @p2 $0x1082  }
0x22: {  	[simem:s7], [sflag:s8] =	dma.local @!p0 [hbm:s6], $0xF7A  }
0x23: {  	s9 =	sor.u32 $0xD0000000, s2;
	s6 =	simm.s32 $0x108;
	_ =	swait.ge @!p0 [sflag:s8], $0x0  }
0x24: {  	s3 =	sadd.s32 $0x88, s3;
	s6 =	simm.s32 @!p1 $0x1082;
	[sflag:s4] =	ssyncset.s32 $0xFFFFF086  }
0x25: {  	[simem:s6], [sflag:s4] =	dma.local [hbm:s3], $0xF7A  }
0x26: {  	[smem:$0x3F9F] =	sst s1;
	(tag) =	ssettag s2;
	_ =	strace s9  }
0x27: {  	s1 =	sld [smem:$0x3FAF]  }
0x28: {  	s2 =	sld [smem:$0x3FB0]  }
0x29: {  	s4 =	sld [smem:$0x3FB2]  }
0x2a: {  	p0 =	seq.s32 s5, $0x0;
	s5 =	sld [smem:$0x3FB3]  }
0x2b: {  	s6 =	sld [smem:$0x3FB4]  }
0x2c: {  	s7 =	sld [smem:$0x3FB5]  }
0x2d: {  	s3 =	simm.s32 $0x108;
	s8 =	sld [smem:$0x3FB6]  }
0x2e: {  	s3 =	simm.s32 @!p0 $0x1082;
	s9 =	sld [smem:$0x3FB7]  }
0x2f: {  	lr =	sadd.s32 s0, s3;
	s0 =	sld [smem:$0x3FAE]  }
0x30: {  	s3 =	sld [smem:$0x3FB1]  }
0x31: {  	[smem:$0x3FBA] =	sst s10  }
0x32: {  	s10 =	sld [smem:$0x3FB8];
	_ =	sdelay $0x3  }
0x33: {  	p0 =	seq.s32 s10, $0x1;
	s10 =	sld [smem:$0x3FBA];
	_ =	sdelay $0x3  }
0x34: {  	[smem:$0x3FBA] =	sst s10  }
0x35: {  	s10 =	sld [smem:$0x3FB9];
	_ =	sdelay $0x3  }
0x36: {  	p1 =	seq.s32 s10, $0x1;
	s10 =	sld [smem:$0x3FBA];
	_ =	sdelay $0x3  }
0x37: {  	[smem:$0x3FBA] =	sst s10  }
0x38: {  	s10 =	sld [smem:$0x3FBB]  }
0x39: {  	_ = 	snop;
	(pc) =	sbr.ind lr, $3  }
0x3a: {  	_ = 	snop  }
0x3b: {  	_ = 	snop  }
0x3c: {  	p2 =	seq.s32 s10, $0x1;
	s10 =	sld [smem:$0x3FBA]  }
0x3d: {  	_ =	shalt  }
0x3e: {  	_ =	shalt  }
0x3f: {  	_ =	shalt  }
0x40: {  	_ =	shalt  }
0x41: {  	_ =	shalt  }
0x42: {  	_ =	shalt  }
0x43: {  	_ =	shalt  }
0x44: {  	_ =	shalt  }
0x45: {  	_ =	shalt  }
0x46: {  	_ =	shalt  }
0x47: {  	_ =	shalt  }
0x48: {  	_ =	shalt  }
0x49: {  	_ =	shalt  }
0x4a: {  	_ =	shalt  }
0x4b: {  	_ =	shalt  }
0x4c: {  	_ =	shalt  }
0x4d: {  	_ =	shalt  }
0x4e: {  	_ =	shalt  }
0x4f: {  	_ =	shalt  }
0x50: {  	_ =	shalt  }
0x51: {  	_ =	shalt  }
0x52: {  	_ =	shalt  }
0x53: {  	_ =	shalt  }
0x54: {  	_ =	shalt  }
0x55: {  	_ =	shalt  }
0x56: {  	_ =	shalt  }
0x57: {  	_ =	shalt  }
0x58: {  	_ =	shalt  }
0x59: {  	_ =	shalt  }
0x5a: {  	_ =	shalt  }
0x5b: {  	_ =	shalt  }
0x5c: {  	_ =	shalt  }
0x5d: {  	_ =	shalt  }
0x5e: {  	_ =	shalt  }
0x5f: {  	_ =	shalt  }
0x60: {  	_ =	shalt  }
0x61: {  	_ =	shalt  }
0x62: {  	_ =	shalt  }
0x63: {  	_ =	shalt  }
0x64: {  	_ =	shalt  }
0x65: {  	_ =	shalt  }
0x66: {  	_ =	shalt  }
0x67: {  	_ =	shalt  }
0x68: {  	_ =	shalt  }
0x69: {  	_ =	shalt  }
0x6a: {  	_ =	shalt  }
0x6b: {  	_ =	shalt  }
0x6c: {  	_ =	shalt  }
0x6d: {  	_ =	shalt  }
0x6e: {  	_ =	shalt  }
0x6f: {  	_ =	shalt  }
0x70: {  	_ =	shalt  }
0x71: {  	_ =	shalt  }
0x72: {  	_ =	shalt  }
0x73: {  	_ =	shalt  }
0x74: {  	_ =	shalt  }
0x75: {  	_ =	shalt  }
0x76: {  	_ =	shalt  }
0x77: {  	_ =	shalt  }
0x78: {  	_ =	shalt  }
0x79: {  	_ =	shalt  }
0x7a: {  	_ =	shalt  }
0x7b: {  	_ =	shalt  }
0x7c: {  	_ =	shalt  }
0x7d: {  	_ =	shalt  }
0x7e: {  	_ =	shalt  }
0x7f: {  	_ =	shalt  }
0x80: {  	_ =	shalt  }
0x81: {  	_ =	shalt  }
0x82: {  	_ =	shalt  }
0x83: {  	_ =	shalt  }
0x84: {  	_ =	shalt  }
0x85: {  	_ =	shalt  }
0x86: {  	_ =	shalt  }
0x87: {  	_ =	shalt  }
.Lfunc_end0:
.L_simem_size_0:
called_computation_lowered:
.L_overlay_start_0:
0x88: {  	s2 =	sld [smem:$0x3FD9]  }
0x89: {  	s3 =	sld [smem:$0x3FFE];
	_ =	sdelay $0x1  }
0x8a: {  	s1 =	srdreg.scid  }
0x8b: {  	s0 =	sand.u32 $0x1, s1  }
0x8c: {  	s15 =	sshll.u32 s0, $0xA;
	s2 =	sadd.s32 s3, s2  }
0x8d: {  	s2 =	sadd.s32 s2, s15  }
0x8e: {  	[smem:$0x3FC6] =	sst s2  }
0x8f: {  	_ = 	snop  }
0x90: {  	s2 =	sld [smem:$0x3FD0];
	_ =	sdelay $0x2  }
0x91: {  	s4 =	simm.s32 $0xA;
	s5 =	simm.s32 $0x10;
	s16 =	sld [smem:$0x3FC8]  }
0x92: {  	[smem:s5], [sflag:s4] =	dma.local [hbm:s2], $0x1  }
0x93: {  	_ =	swait.eq [sflag:s4], $0x1  }
0x94: {  	[sflag:s4] =	ssyncset.done $0x0  }
0x95: {  	[sflag:s4] =	ssyncadd.s32 $0xFFFFFFFF  }
0x96: {  	s17 =	sld [smem:$0x11];
	(tm) =	ssettm $0x1  }
0x97: {  	s18 =	sld [smem:$0x3FFB];
	_ =	sdelay $0x3  }
0x98: {  	_ =	strace s18  }
0x99: {  	s4 =	sld [smem:$0x3FFC];
	_ =	sdelay $0x3  }
0x9a: {  	_ =	strace s4  }
0x9b: {  	s4 =	sld [smem:$0x3FFD];
	_ =	sdelay $0x3  }
0x9c: {  	_ =	strace s4  }
0x9d: {  	_ =	strace $0x8FFFFFFF  }
0x9e: {  	s19 =	sld [smem:$0x3FDB];
	_ =	sdelay $0x1  }
0x9f: {  	s20 =	simm.s32 $_scs_section_size  }
0xa0: {  	s6 =	simm.s32 $_size__tile_overlayer_lowered;
	s7 =	simm.s32 $_tile_overlayer_lowered  }
0xa1: {  	s23 =	simm.s32 $0x1BFF;
	s22 =	sshll.u32 s7, $0x1;
	s4 =	sadd.s32 s20, s19  }
0xa2: {  	s8 =	simm.s32 $0x0;
	s21 =	sshll.u32 s6, $0x1;
	s6 =	sadd.s32 s22, s4  }
0xa3: {  	[timem:s8], [sflag:s23] =	dma.local [hbm:s6], s21  }
0xa4: {  	_ =	swait.ge [sflag:s23], s21  }
0xa5: {  	s5 =	ssub.s32 $0x0, s21;
	[sflag:s23] =	ssyncset.done $0x0  }
0xa6: {  	[sflag:s23] =	ssyncadd.s32 s5;
	_ =	sdelay $0x1  }
0xa7: {  	s24 =	simm.s32 $0x1B8B  }
0xa8: {  	_ =	swait.ge [sflag:s24], $0x1  }
0xa9: {  	[sflag:s24] =	ssyncset.done $0x0  }
0xaa: {  	s25 =	simm.s32 $0x1B8E;
	[sflag:s24] =	ssyncadd.s32 $0xFFFFFFFF  }
0xab: {  	s26 =	simm.s32 $execute0_lowered;
	[smem:$0x3FD2] =	sst s25  }
0xac: {  	s5 =	sshll.u32 s26, $0x1;
	_ =	strace $0x80000046;
	[dreg:$0x1] =	wrdreg $0xFFFFFFFF  }
0xad: {  	s28 =	simm.s32 $_size_execute0_lowered;
	s4 =	sadd.s32 s4, s5;
	[dreg:$0x0] =	wrdreg $0x0  }
0xae: {  	s5 =	sshll.u32 s28, $0x1;
	[dreg:$0x2] =	wrdreg s4  }
0xaf: {  	[dreg:$0x3] =	wrdreg s5  }
0xb0: {  	[dreg:$0x4] =	wrdreg $0xC0  }
0xb1: {  	_ =	task [dreg:s8], $0x5FFFF  }
0xb2: {  	[dreg:$0x1] =	wrdreg $0xFFFFFFFF  }
0xb3: {  	[dreg:$0x0] =	wrdreg $0x60  }
0xb4: {  	[dreg:$0x2] =	wrdreg s16  }
0xb5: {  	[dreg:$0x3] =	wrdreg s17  }
0xb6: {  	[dreg:$0x4] =	wrdreg $0x1AE800  }
0xb7: {  	[dreg:$0x5] =	wrdreg $0x9  }
0xb8: {  	_ =	task.clear_ibuf [dreg:s8], $0x6FFFF;
	_ =	strace $0x90000046  }
0xb9: {  	s29 =	simm.s32 $0x9;
	_ =	strace $0x80000048  }
0xba: {  	_ =	swait.ge [sflag:s29], $0x1  }
0xbb: {  	[sflag:s29] =	ssyncadd.s32 $0xFFFFFFFF  }
0xbc: {  	_ =	strace $0x90000048  }
0xbd: {  	_ =	sfence  }
0xbe: {  	s30 =	sld [smem:$0x0];
	_ =	sdelay $0x2  }
0xbf: {  	s31 =	sshll.u32 s1, $0xD;
	s1 =	sshrl.u32 s1, $0x2  }
0xc0: {  	s3 =	sand.u32 $0x4000, s31;
	s1 =	sadd.s32 s1, s30  }
0xc1: {  	s0 =	sor.u32 s3, s0;
	s1 =	sshll.u32 s1, $0x11  }
0xc2: {  	s0 =	sor.u32 s1, s0  }
0xc3: {  	s0 =	sadd.s32 $0x8F2B, s0  }
0xc4: {  	[sflag:s0] =	ssyncadd.remote.s32 $0x1  }
0xc5: {  	_ =	sfence.sel $0xFFFF  }
0xc6: {  	[dreg:$0x0] =	wrdreg $0xFFFFFFFF;
	(pc) =	sbr.abs _section_cstart, $3  }
0xc7: {  	[dreg:$0x1] =	wrdreg $0xFFFFFFFF  }
0xc8: {  	_ =	task.clear_ibuf [dreg:s8], $0x2FFFF;
	_ =	strace $0x9FFFFFFF  }
0xc9: {  	(tm) =	ssettm $0x7FFFFFFF  }
tec
execute0_lowered:
.L_overlay_start_1:
0x0: {  	(tag) =	ssettag $0x1  }
0x1: {  	s1 =	rddreg [dreg:$0x0]  }
0x2: {  	s2 =	rddreg [dreg:$0x1]  }
0x3: {  	s0 =	rddreg [dreg:$0x2];
	s4 =	simm.s32 $0x0;
	s3 =	srdreg.scid  }
0x4: {  	s12 =	stileid.u32;
	s16 =	simm.s32 $0x400;
	s17 =	simm.s32 $0x1A000  }
0x5: {  	s18 =	simm.s32 $0x1;
	s19 =	simm.s32 $0xB800;
	s20 =	simm.s32 $0x2  }
0x6: {  	s21 =	simm.s32 $0x17400;
	s22 =	simm.s32 $0x3;
	s13 =	simm.s32 $0x2000  }
0x7: {  	s26 =	simm.s32 $0x0;
	s3 =	sand.u32 $0x1, s3;
	s7 =	sshrl.u32 s12, $0x2  }
0x8: {  	s23 =	sand.u32 $0x3, s12;
	[smem:$0x7FF] =	sst s4;
	s12 =	sshll.u32 s12, $0x7  }
0x9: {  	s5 =	sshll.u32 s3, $0xC;
	s6 =	sshll.u32 s7, $0xA;
	s8 =	smul.u32 $0x6000, s23  }
0xa: {  	s3 =	ssub.s32 $0x2, s3;
	_ =	strace $0x80000047;
	s7 =	sshll.u32 s7, $0x9  }
0xb: {  	s12 =	sadd.s32 s12, s0;
	p0 =	sne.s32 s23, $0x3;
	p1 =	sne.s32 s23, $0x0  }
0xc: {  	s5 =	sor.u32 s5, s6;
	s9 =	sshrl.u32 s3, $0x1;
	[dreg:$0x5] =	wrdreg s12  }
0xd: {  	s0 =	sadd.s32 s7, s0;
	s6 =	sor.u32 s8, s5;
	s15 =	sshrl.u32 s5, $0x3  }
.Ltmp0:
0xe: {  	s3 =	ssub.s32 s3, s9;
	[dreg:$0x6] =	wrdreg s0;
	(pc) =	sbr.rel .LBB2_1-.Ltmp0, $4  }
0xf: {  	s8 =	sshrl.u32 s6, $0x3;
	s6 =	smul.u32 $0x3, s23;
	s11 =	sor.u32 $0x3000, s15  }
0x10: {  	s10 =	sadd.s32 s15, s1;
	s14 =	smax.u32 s3, $0x1;
	s15 =	sadd.s32 s15, s2  }
0x11: {  	s8 =	sadd.s32 s1, s8;
	s9 =	sadd.s32 s1, s11;
	s10 =	sadd.s32 $0x98800, s10  }
0x12: {  	v0 =	vimm.f32 $0.0e+00;
	s11 =	sadd.s32 s2, s11;
	[dreg:$0x4] =	wrdreg s8;
	s8 =	sadd.s32 $0x1, s6  }
.LBB2_102:
0x13: {  	s26 =	sadd.s32 $0x1, s26  }
0x14: {  	p2 =	sne.s32 s26, s14  }
.Ltmp1:
0x15: {  	_ = 	snop;
	(pc) =	sbr.rel @!p2 .LBB2_103-.Ltmp1, $1  }
0x16: {  	_ =	sdelay $0x3  }
.LBB2_1:
0x17: {  	[tilespmem:$0x17800] =	vst v0  }
0x18: {  	[tilespmem:$0x17810] =	vst v0  }
0x19: {  	[tilespmem:$0x17820] =	vst v0  }
0x1a: {  	[tilespmem:$0x17830] =	vst v0  }
0x1b: {  	[tilespmem:$0x17840] =	vst v0  }
0x1c: {  	[tilespmem:$0x17850] =	vst v0  }
0x1d: {  	[tilespmem:$0x17860] =	vst v0  }
0x1e: {  	[tilespmem:$0x17870] =	vst v0;
	s0 =	rddreg [dreg:$0x4];
	s28 =	simm.s32 $0x0  }
0x1f: {  	[tilespmem:s4], [sflag:$0x1] =	stream.strided.gather [hbm4b:s0+s16], $0xB800, s17, s16, $0x38;
	[tilespmem:$0x1AF00] =	vst v63  }
.LBB2_2:
0x20: {  	s0 =	sadd.s32 s6, s28  }
0x21: {  	s0 =	sshll.u32 s0, $0xD  }
0x22: {  	s0 =	sor.u32 s5, s0  }
0x23: {  	_ =	swait.ge [sflag:s18], $0xB800;
	s29 =	sshrl.u32 s0, $0x3  }
0x24: {  	[sflag:s18] =	ssyncset.done $0x0;
	s0 =	sadd.s32 s1, s29  }
0x25: {  	[sflag:s18] =	ssyncadd.s32 $0xFFFF4800;
	s0 =	sadd.s32 $0x95800, s0  }
0x26: {  	[tilespmem:s19], [sflag:$0x2] =	stream.strided.gather [hbm4b:s0+s16], $0xB800, s17, s16, $0x38;
	[tilespmem:$0x1AF00] =	vst v63  }
0x27: {  	s3 =	simm.s32 $0x0;
	s24 =	simm.s32 $0x0;
	s0 =	simm.s32 $0x0  }
.LBB2_3:
0x28: {  	s7 =	sshll.u32 s3, $0x2;
	s23 =	sand.u32 $0x7, s0  }
0x29: {  	s7 =	sand.u32 $0xFFFFFE00, s7;
	s23 =	sshll.u32 s23, $0x6  }
0x2a: {  	s7 =	sor.u32 s23, s7  }
0x2b: {  	s7 =	sshrl.u32 s7, $0x2  }
0x2c: {  	s7 =	sadd.s32 $0x1400, s7  }
0x2d: {  	v1 =	vmov s7;
	_ =	sdelay $0x2  }
0x2e: {  	s30 =	sshll.u32 s24, $0x4  }
0x2f: {  	s31 =	simm.s32 $0x0;
	v4 =	vld [tilespmem:s30+$0x0]  }
0x30: {  	v5 =	vld.idx.msk [tilespmem:v1+s31+$0xFFFFF000 ss:$0x1], $0xffff  }
0x31: {  	v7 =	vld.idx.msk [tilespmem:v1+s31+$0xFFFFF400 ss:$0x1], $0xffff  }
0x32: {  	v8 =	vld.idx.msk [tilespmem:v1+s31+$0xFFFFF800 ss:$0x1], $0xffff  }
0x33: {  	v6 =	vld.idx.msk [tilespmem:v1+s31+$0xFFFFFC00 ss:$0x1], $0xffff  }
0x34: {  	v3 =	vld.idx.msk [tilespmem:v1+s31+$0x0 ss:$0x1], $0xffff  }
0x35: {  	v2 =	vld.idx.msk [tilespmem:v1+s31+$0x400 ss:$0x1], $0xffff  }
0x36: {  	v5 =	vmax.f32 v4, v5;
	v4 =	vld.idx.msk [tilespmem:v1+s31+$0x800 ss:$0x1], $0xffff  }
0x37: {  	v7 =	vmax.f32 v5, v7;
	v5 =	vld.idx.msk [tilespmem:v1+s31+$0xC00 ss:$0x1], $0xffff  }
0x38: {  	s25 =	simm.s32 $0x2400;
	s23 =	simm.s32 $0x12000;
	v8 =	vmax.f32 v7, v8;
	v7 =	vld.idx.msk [tilespmem:v1+s31+$0x1000 ss:$0x1], $0xffff  }
.LBB2_4:
0x39: {  	p2 =	sne.s32 s23, $0x24000;
	v9 =	vld.idx.msk [tilespmem:v1+s25+$0xFFFFF000 ss:$0x1], $0xffff;
	v6 =	vmax.f32 v8, v6  }
0x3a: {  	v8 =	vld.idx.msk [tilespmem:v1+s25+$0xFFFFF400 ss:$0x1], $0xffff;
	v3 =	vmax.f32 v6, v3  }
0x3b: {  	v10 =	vld.idx.msk [tilespmem:v1+s25+$0xFFFFF800 ss:$0x1], $0xffff;
	v2 =	vmax.f32 v3, v2  }
0x3c: {  	v6 =	vld.idx.msk [tilespmem:v1+s25+$0xFFFFFC00 ss:$0x1], $0xffff;
	v2 =	vmax.f32 v2, v4  }
.Ltmp2:
0x3d: {  	v3 =	vld.idx.msk [tilespmem:v1+s25+$0x0 ss:$0x1], $0xffff;
	v4 =	vmax.f32 v2, v5;
	(pc) =	sbr.rel @p2 .LBB2_4-.Ltmp2, $4  }
0x3e: {  	v2 =	vld.idx.msk [tilespmem:v1+s25+$0x400 ss:$0x1], $0xffff;
	v4 =	vmax.f32 v4, v7  }
0x3f: {  	v5 =	vmax.f32 v4, v9;
	v4 =	vld.idx.msk [tilespmem:v1+s25+$0x800 ss:$0x1], $0xffff  }
0x40: {  	v7 =	vmax.f32 v5, v8;
	v5 =	vld.idx.msk [tilespmem:v1+s25+$0xC00 ss:$0x1], $0xffff  }
0x41: {  	v8 =	vmax.f32 v7, v10;
	v7 =	vld.idx.msk [tilespmem:v1+s25+$0x1000 ss:$0x1], $0xffff;
	s25 =	sshra.s32 s23, $0x2;
	s23 =	sadd.s32 $0x9000, s23  }
0x42: {  	_ =	sdelay $0x2  }
0x43: {  	v6 =	vmax.f32 v8, v6  }
0x44: {  	v57 =	vld.idx.msk [tilespmem:v1+s25+$0xFFFFF000 ss:$0x1], $0xffff;
	v3 =	vmax.f32 v6, v3  }
0x45: {  	v58 =	vld.idx.msk [tilespmem:v1+s25+$0xFFFFF400 ss:$0x1], $0xffff;
	v2 =	vmax.f32 v3, v2  }
0x46: {  	v3 =	vld.idx.msk [tilespmem:v1+s25+$0xFFFFF800 ss:$0x1], $0xffff;
	v2 =	vmax.f32 v2, v4  }
0x47: {  	v59 =	vld.idx.msk [tilespmem:v1+s25+$0xFFFFFC00 ss:$0x1], $0xffff;
	v2 =	vmax.f32 v2, v5  }
0x48: {  	v60 =	vld.idx.msk [tilespmem:v1+s25+$0x0 ss:$0x1], $0xffff;
	v2 =	vmax.f32 v2, v7  }
0x49: {  	v61 =	vld.idx.msk [tilespmem:v1+s25+$0x400 ss:$0x1], $0xffff;
	v2 =	vmax.f32 v2, v57  }
0x4a: {  	v62 =	vld.idx.msk [tilespmem:v1+s25+$0x800 ss:$0x1], $0xffff;
	v2 =	vmax.f32 v2, v58  }
0x4b: {  	v63 =	vld.idx.msk [tilespmem:v1+s25+$0xC00 ss:$0x1], $0xffff;
	v2 =	vmax.f32 v2, v3  }
0x4c: {  	s24 =	sadd.s32 $0x1, s24;
	v1 =	vld.idx.msk [tilespmem:v1+s25+$0x1000 ss:$0x1], $0xffff;
	v2 =	vmax.f32 v2, v59  }
0x4d: {  	p2 =	sne.s32 s24, $0x40;
	v2 =	vmax.f32 v2, v60  }
.Ltmp3:
0x4e: {  	v2 =	vmax.f32 v2, v61;
	(pc) =	sbr.rel @p2 .LBB2_3-.Ltmp3, $4  }
0x4f: {  	v2 =	vmax.f32 v2, v62  }
0x50: {  	v2 =	vmax.f32 v2, v63  }
0x51: {  	v1 =	vmax.f32 v2, v1  }
0x52: {  	s3 =	sadd.s32 $0x10, s3;
	s0 =	sadd.s32 $0x1, s0;
	[tilespmem:s30+$0x17000] =	vst v1  }
0x53: {  	p2 =	seq.s32 s28, $0x2  }
0x54: {  	s0 =	sadd.s32 @!p2 s28, s8  }
0x55: {  	_ =	swait.ge [sflag:s20], $0xB800;
	s0 =	sshll.u32 @!p2 s0, $0xD  }
0x56: {  	[sflag:s20] =	ssyncset.done $0x0;
	s0 =	sor.u32 @!p2 s5, s0  }
0x57: {  	s3 =	simm.s32 @!p2 $0x400;
	s7 =	simm.s32 @!p2 $0x1A000;
	s0 =	sshrl.u32 @!p2 s0, $0x3  }
0x58: {  	s23 =	simm.s32 @!p2 $0x0;
	[sflag:s20] =	ssyncadd.s32 $0xFFFF4800;
	s0 =	sadd.s32 @!p2 s1, s0  }
0x59: {  	[tilespmem:s23], [sflag:$0x1] =	stream.strided.gather @!p2 [hbm4b:s0+s3], $0xB800, s7, s3, $0x38;
	[tilespmem:$0x1AF00] =	vst v63  }
0x5a: {  	s24 =	simm.s32 $0x0;
	s0 =	simm.s32 $0x0;
	s3 =	simm.s32 $0x0  }
.LBB2_7:
0x5b: {  	s7 =	sshll.u32 s3, $0x2;
	s23 =	sand.u32 $0x7, s0  }
0x5c: {  	s7 =	sand.u32 $0xFFFFFE00, s7;
	s23 =	sshll.u32 s23, $0x6  }
0x5d: {  	s7 =	sor.u32 s23, s7  }
0x5e: {  	s7 =	sshrl.u32 s7, $0x2  }
0x5f: {  	s7 =	sadd.s32 $0xC800, s7  }
0x60: {  	v1 =	vmov s7;
	_ =	sdelay $0x2  }
0x61: {  	s30 =	sshll.u32 s24, $0x4  }
0x62: {  	s12 =	simm.s32 $0x0;
	v4 =	vld [tilespmem:s30+$0x17000]  }
0x63: {  	v6 =	vld.idx.msk [tilespmem:v1+s12+$0xFFFFF000 ss:$0x1], $0xffff  }
0x64: {  	v7 =	vld.idx.msk [tilespmem:v1+s12+$0xFFFFF400 ss:$0x1], $0xffff  }
0x65: {  	v8 =	vld.idx.msk [tilespmem:v1+s12+$0xFFFFF800 ss:$0x1], $0xffff  }
0x66: {  	v5 =	vld.idx.msk [tilespmem:v1+s12+$0xFFFFFC00 ss:$0x1], $0xffff  }
0x67: {  	v3 =	vld.idx.msk [tilespmem:v1+s12+$0x0 ss:$0x1], $0xffff  }
0x68: {  	v2 =	vld.idx.msk [tilespmem:v1+s12+$0x400 ss:$0x1], $0xffff  }
0x69: {  	v6 =	vmax.f32 v4, v6;
	v4 =	vld.idx.msk [tilespmem:v1+s12+$0x800 ss:$0x1], $0xffff  }
0x6a: {  	s31 =	sand.u32 $0x70, s30;
	v7 =	vmax.f32 v6, v7;
	v6 =	vld.idx.msk [tilespmem:v1+s12+$0xC00 ss:$0x1], $0xffff  }
0x6b: {  	s25 =	sand.u32 $0x380, s30;
	s23 =	simm.s32 $0x2400;
	s7 =	simm.s32 $0x12000;
	v8 =	vmax.f32 v7, v8;
	v7 =	vld.idx.msk [tilespmem:v1+s12+$0x1000 ss:$0x1], $0xffff  }
.LBB2_8:
0x6c: {  	p2 =	sne.s32 s7, $0x24000;
	v9 =	vld.idx.msk [tilespmem:v1+s23+$0xFFFFF000 ss:$0x1], $0xffff;
	v5 =	vmax.f32 v8, v5  }
0x6d: {  	v8 =	vld.idx.msk [tilespmem:v1+s23+$0xFFFFF400 ss:$0x1], $0xffff;
	v3 =	vmax.f32 v5, v3  }
0x6e: {  	v10 =	vld.idx.msk [tilespmem:v1+s23+$0xFFFFF800 ss:$0x1], $0xffff;
	v2 =	vmax.f32 v3, v2  }
0x6f: {  	v5 =	vld.idx.msk [tilespmem:v1+s23+$0xFFFFFC00 ss:$0x1], $0xffff;
	v2 =	vmax.f32 v2, v4  }
.Ltmp4:
0x70: {  	v3 =	vld.idx.msk [tilespmem:v1+s23+$0x0 ss:$0x1], $0xffff;
	v4 =	vmax.f32 v2, v6;
	(pc) =	sbr.rel @p2 .LBB2_8-.Ltmp4, $4  }
0x71: {  	v2 =	vld.idx.msk [tilespmem:v1+s23+$0x400 ss:$0x1], $0xffff;
	v4 =	vmax.f32 v4, v7  }
0x72: {  	v6 =	vmax.f32 v4, v9;
	v4 =	vld.idx.msk [tilespmem:v1+s23+$0x800 ss:$0x1], $0xffff  }
0x73: {  	v7 =	vmax.f32 v6, v8;
	v6 =	vld.idx.msk [tilespmem:v1+s23+$0xC00 ss:$0x1], $0xffff  }
0x74: {  	v8 =	vmax.f32 v7, v10;
	v7 =	vld.idx.msk [tilespmem:v1+s23+$0x1000 ss:$0x1], $0xffff;
	s23 =	sshra.s32 s7, $0x2;
	s7 =	sadd.s32 $0x9000, s7  }
0x75: {  	_ =	sdelay $0x2  }
0x76: {  	v5 =	vmax.f32 v8, v5  }
0x77: {  	v57 =	vld.idx.msk [tilespmem:v1+s23+$0xFFFFF000 ss:$0x1], $0xffff;
	v3 =	vmax.f32 v5, v3  }
0x78: {  	v58 =	vld.idx.msk [tilespmem:v1+s23+$0xFFFFF400 ss:$0x1], $0xffff;
	v2 =	vmax.f32 v3, v2  }
0x79: {  	v3 =	vld.idx.msk [tilespmem:v1+s23+$0xFFFFF800 ss:$0x1], $0xffff;
	v2 =	vmax.f32 v2, v4  }
0x7a: {  	v59 =	vld.idx.msk [tilespmem:v1+s23+$0xFFFFFC00 ss:$0x1], $0xffff;
	v2 =	vmax.f32 v2, v6  }
0x7b: {  	v60 =	vld.idx.msk [tilespmem:v1+s23+$0x0 ss:$0x1], $0xffff;
	v2 =	vmax.f32 v2, v7  }
0x7c: {  	v61 =	vld.idx.msk [tilespmem:v1+s23+$0x400 ss:$0x1], $0xffff;
	v2 =	vmax.f32 v2, v57  }
0x7d: {  	v62 =	vld.idx.msk [tilespmem:v1+s23+$0x800 ss:$0x1], $0xffff;
	v2 =	vmax.f32 v2, v58  }
0x7e: {  	v63 =	vld.idx.msk [tilespmem:v1+s23+$0xC00 ss:$0x1], $0xffff;
	v2 =	vmax.f32 v2, v3  }
0x7f: {  	s7 =	sadd.s32 s31, s25;
	v1 =	vld.idx.msk [tilespmem:v1+s23+$0x1000 ss:$0x1], $0xffff;
	v2 =	vmax.f32 v2, v59  }
0x80: {  	v3 =	vld [tilespmem:s7+$0x16C00];
	v2 =	vmax.f32 v2, v60  }
0x81: {  	v2 =	vmax.f32 v2, v61  }
0x82: {  	v2 =	vmax.f32 v2, v62  }
0x83: {  	v2 =	vmax.f32 v2, v63  }
0x84: {  	v1 =	vmax.f32 v2, v1  }
0x85: {  	vm0 =	vge.f32 v1, v3  }
0x86: {  	v1 =	vsel vm0, $0x3F800000, v0  }
0x87: {  	[tilespmem:s30+$0x17400] =	vst v1  }
0x88: {  	v2 =	vld [tilespmem:s31+$0x17800]  }
0x89: {  	s24 =	sadd.s32 $0x1, s24  }
0x8a: {  	p2 =	sne.s32 s24, $0x40  }
.Ltmp5:
0x8b: {  	_ = 	snop;
	(pc) =	sbr.rel @p2 .LBB2_7-.Ltmp5, $3  }
0x8c: {  	_ = 	snop  }
0x8d: {  	v1 =	vadd.f32 v1, v2;
	_ =	sdelay $0x1  }
0x8e: {  	s3 =	sadd.s32 $0x10, s3;
	s0 =	sadd.s32 $0x1, s0;
	[tilespmem:s31+$0x17800] =	vst v1  }
0x8f: {  	s28 =	sadd.s32 $0x1, s28  }
0x90: {  	p2 =	sne.s32 s28, $0x3  }
.Ltmp6:
0x91: {  	s0 =	sadd.s32 s2, s29;
	(pc) =	sbr.rel @p2 .LBB2_2-.Ltmp6, $4  }
0x92: {  	[hbm4b:s0+s4] =	stream.linear.scatter [tilespmem:s21], [sflag:$0x3], $0x400, $0x38;
	[tilespmem:$0x1AF00] =	vst v63  }
0x93: {  	_ =	swait.ge [sflag:s22], $0x400  }
0x94: {  	[sflag:s22] =	ssyncset.done $0x0  }
0x95: {  	[sflag:s22] =	ssyncadd.s32 $0xFFFFFC00  }
.Ltmp7:
0x96: {  	(pc) =	sbr.rel @p0 .LBB2_23-.Ltmp7, $1  }
0x97: {  	_ =	sdelay $0x3  }
0x98: {  	s0 =	simm.s32 $0x1000  }
0x99: {  	s23 =	simm.s32 $0x0;
	s3 =	sadd.s32 $0x3400, s9;
	s7 =	smov.u32 s9  }
.LBB2_13:
0x9a: {  	[tilespmem:s23], [sflag:$0x3] =	stream.linear.gather [hbm4b:s7+s4], $0x200, $0x38;
	[tilespmem:$0x1AF00] =	vst v63  }
0x9b: {  	s12 =	smov.u32 s0;
	s7 =	smov.u32 s3;
	p2 =	sne.s32 s0, $0x2D000  }
.Ltmp8:
0x9c: {  	s0 =	sadd.s32 $0x1000, s0;
	(pc) =	sbr.rel @p2 .LBB2_13-.Ltmp8, $2  }
0x9d: {  	_ =	sdelay $0x2  }
0x9e: {  	s3 =	sadd.s32 $0x3400, s3;
	s23 =	sshra.s32 s12, $0x2  }
0x9f: {  	[tilespmem:s23], [sflag:$0x3] =	stream.linear.gather [hbm4b:s7+s4], $0x200, $0x38;
	[tilespmem:$0x1AF00] =	vst v63  }
0xa0: {  	_ =	swait.ge [sflag:s22], $0x5C00  }
0xa1: {  	[sflag:s22] =	ssyncset.done $0x0  }
0xa2: {  	s0 =	simm.s32 $0xB800;
	[sflag:s22] =	ssyncadd.s32 $0xFFFFA400  }
0xa3: {  	[tilespmem:s0], [sflag:$0x3] =	stream.linear.gather [hbm4b:s10+s4], $0x200, $0x38;
	[tilespmem:$0x1AF00] =	vst v63  }
0xa4: {  	s3 =	smov.u32 s10;
	s0 =	simm.s32 $0x1000  }
.LBB2_15:
0xa5: {  	p2 =	sne.s32 s0, $0x2D000  }
.Ltmp9:
0xa6: {  	_ = 	snop;
	(pc) =	sbr.rel @p2 .LBB2_15-.Ltmp9, $4  }
0xa7: {  	_ = 	snop  }
0xa8: {  	s7 =	sshra.s32 s0, $0x2;
	s0 =	sadd.s32 $0x1000, s0  }
0xa9: {  	s3 =	sadd.s32 $0x3400, s3;
	s7 =	sadd.s32 $0xB800, s7  }
0xaa: {  	[tilespmem:s7], [sflag:$0x3] =	stream.linear.gather [hbm4b:s3+s4], $0x200, $0x38;
	[tilespmem:$0x1AF00] =	vst v63  }
0xab: {  	_ =	swait.ge [sflag:s22], $0x5C00  }
0xac: {  	s28 =	simm.s32 $0x0;
	[sflag:s22] =	ssyncset.done $0x0  }
0xad: {  	s29 =	simm.s32 $0x0;
	s30 =	simm.s32 $0x0;
	[sflag:s22] =	ssyncadd.s32 $0xFFFFA400  }
.LBB2_17:
0xae: {  	s0 =	sshll.u32 s29, $0x2;
	s3 =	sand.u32 $0x7, s28  }
0xaf: {  	s0 =	sand.u32 $0xFFFFFE00, s0;
	s3 =	sshll.u32 s3, $0x6  }
0xb0: {  	s0 =	sor.u32 s3, s0  }
0xb1: {  	s0 =	sshrl.u32 s0, $0x2  }
0xb2: {  	s25 =	sadd.s32 $0x1400, s0  }
0xb3: {  	v2 =	vmov s25;
	_ =	sdelay $0x2  }
0xb4: {  	s31 =	sshll.u32 s30, $0x4  }
0xb5: {  	s12 =	simm.s32 $0x0;
	v4 =	vld [tilespmem:s31+$0x0]  }
0xb6: {  	v6 =	vld.idx.msk [tilespmem:v2+s12+$0xFFFFF000 ss:$0x1], $0xffff  }
0xb7: {  	v7 =	vld.idx.msk [tilespmem:v2+s12+$0xFFFFF400 ss:$0x1], $0xffff  }
0xb8: {  	v8 =	vld.idx.msk [tilespmem:v2+s12+$0xFFFFF800 ss:$0x1], $0xffff  }
0xb9: {  	v5 =	vld.idx.msk [tilespmem:v2+s12+$0xFFFFFC00 ss:$0x1], $0xffff  }
0xba: {  	v3 =	vld.idx.msk [tilespmem:v2+s12+$0x0 ss:$0x1], $0xffff  }
0xbb: {  	v1 =	vld.idx.msk [tilespmem:v2+s12+$0x400 ss:$0x1], $0xffff  }
0xbc: {  	v6 =	vmax.f32 v4, v6;
	v4 =	vld.idx.msk [tilespmem:v2+s12+$0x800 ss:$0x1], $0xffff  }
0xbd: {  	s23 =	simm.s32 $0x2400;
	s7 =	simm.s32 $0x12000;
	v7 =	vmax.f32 v6, v7;
	v6 =	vld.idx.msk [tilespmem:v2+s12+$0xC00 ss:$0x1], $0xffff  }
0xbe: {  	s3 =	sand.u32 $0x180, s31;
	s24 =	sadd.s32 $0xC800, s0;
	s0 =	sand.u32 $0x70, s31;
	v8 =	vmax.f32 v7, v8;
	v7 =	vld.idx.msk [tilespmem:v2+s12+$0x1000 ss:$0x1], $0xffff  }
.LBB2_18:
0xbf: {  	p2 =	sne.s32 s7, $0x24000;
	v9 =	vld.idx.msk [tilespmem:v2+s23+$0xFFFFF000 ss:$0x1], $0xffff;
	v5 =	vmax.f32 v8, v5  }
0xc0: {  	v8 =	vld.idx.msk [tilespmem:v2+s23+$0xFFFFF400 ss:$0x1], $0xffff;
	v3 =	vmax.f32 v5, v3  }
0xc1: {  	v10 =	vld.idx.msk [tilespmem:v2+s23+$0xFFFFF800 ss:$0x1], $0xffff;
	v1 =	vmax.f32 v3, v1  }
0xc2: {  	v5 =	vld.idx.msk [tilespmem:v2+s23+$0xFFFFFC00 ss:$0x1], $0xffff;
	v1 =	vmax.f32 v1, v4  }
.Ltmp10:
0xc3: {  	v3 =	vld.idx.msk [tilespmem:v2+s23+$0x0 ss:$0x1], $0xffff;
	v4 =	vmax.f32 v1, v6;
	(pc) =	sbr.rel @p2 .LBB2_18-.Ltmp10, $4  }
0xc4: {  	v1 =	vld.idx.msk [tilespmem:v2+s23+$0x400 ss:$0x1], $0xffff;
	v4 =	vmax.f32 v4, v7  }
0xc5: {  	v6 =	vmax.f32 v4, v9;
	v4 =	vld.idx.msk [tilespmem:v2+s23+$0x800 ss:$0x1], $0xffff  }
0xc6: {  	v7 =	vmax.f32 v6, v8;
	v6 =	vld.idx.msk [tilespmem:v2+s23+$0xC00 ss:$0x1], $0xffff  }
0xc7: {  	v8 =	vmax.f32 v7, v10;
	v7 =	vld.idx.msk [tilespmem:v2+s23+$0x1000 ss:$0x1], $0xffff;
	s23 =	sshra.s32 s7, $0x2;
	s7 =	sadd.s32 $0x9000, s7  }
0xc8: {  	_ =	sdelay $0x3  }
0xc9: {  	v9 =	vld.idx.msk [tilespmem:v2+s23+$0xFFFFF000 ss:$0x1], $0xffff;
	v5 =	vmax.f32 v8, v5  }
0xca: {  	v8 =	vld.idx.msk [tilespmem:v2+s23+$0xFFFFF400 ss:$0x1], $0xffff;
	v3 =	vmax.f32 v5, v3  }
0xcb: {  	v5 =	vld.idx.msk [tilespmem:v2+s23+$0xFFFFF800 ss:$0x1], $0xffff;
	v1 =	vmax.f32 v3, v1  }
0xcc: {  	v3 =	vld.idx.msk [tilespmem:v2+s23+$0xFFFFFC00 ss:$0x1], $0xffff;
	v1 =	vmax.f32 v1, v4  }
0xcd: {  	v4 =	vld.idx.msk [tilespmem:v2+s23+$0x0 ss:$0x1], $0xffff;
	v6 =	vmax.f32 v1, v6;
	v1 =	vmov s24  }
0xce: {  	v6 =	vmax.f32 v6, v7;
	v7 =	vld.idx.msk [tilespmem:v2+s23+$0x400 ss:$0x1], $0xffff  }
0xcf: {  	v6 =	vmax.f32 v6, v9;
	v9 =	vld.idx.msk [tilespmem:v2+s23+$0x800 ss:$0x1], $0xffff  }
0xd0: {  	v6 =	vmax.f32 v6, v8;
	v8 =	vld.idx.msk [tilespmem:v2+s23+$0xC00 ss:$0x1], $0xffff  }
0xd1: {  	s12 =	simm.s32 $0x0;
	v5 =	vmax.f32 v6, v5;
	v6 =	vld.idx.msk [tilespmem:v2+s23+$0x1000 ss:$0x1], $0xffff  }
0xd2: {  	v2 =	vmax.f32 v5, v3;
	v5 =	vld.idx.msk [tilespmem:v1+s12+$0xFFFFF000 ss:$0x1], $0xffff  }
0xd3: {  	v10 =	vld.idx.msk [tilespmem:v1+s12+$0xFFFFF400 ss:$0x1], $0xffff;
	v2 =	vmax.f32 v2, v4  }
0xd4: {  	v2 =	vmax.f32 v2, v7;
	v7 =	vld.idx.msk [tilespmem:v1+s12+$0xFFFFF800 ss:$0x1], $0xffff  }
0xd5: {  	v3 =	vmax.f32 v2, v9;
	v2 =	vld.idx.msk [tilespmem:v1+s12+$0xFFFFFC00 ss:$0x1], $0xffff  }
0xd6: {  	v4 =	vmax.f32 v3, v8;
	v3 =	vld.idx.msk [tilespmem:v1+s12+$0x0 ss:$0x1], $0xffff  }
0xd7: {  	v6 =	vmax.f32 v4, v6;
	v4 =	vld.idx.msk [tilespmem:v1+s12+$0x400 ss:$0x1], $0xffff  }
0xd8: {  	v6 =	vmax.f32 v6, v5;
	v5 =	vld.idx.msk [tilespmem:v1+s12+$0x800 ss:$0x1], $0xffff  }
0xd9: {  	v8 =	vmax.f32 v6, v10;
	v6 =	vld.idx.msk [tilespmem:v1+s12+$0xC00 ss:$0x1], $0xffff  }
0xda: {  	s7 =	simm.s32 $0x12000;
	s23 =	simm.s32 $0x2400;
	v8 =	vmax.f32 v8, v7;
	v7 =	vld.idx.msk [tilespmem:v1+s12+$0x1000 ss:$0x1], $0xffff  }
.LBB2_20:
0xdb: {  	p2 =	sne.s32 s7, $0x24000;
	v9 =	vld.idx.msk [tilespmem:v1+s23+$0xFFFFF000 ss:$0x1], $0xffff;
	v2 =	vmax.f32 v8, v2  }
0xdc: {  	v8 =	vld.idx.msk [tilespmem:v1+s23+$0xFFFFF400 ss:$0x1], $0xffff;
	v2 =	vmax.f32 v2, v3  }
0xdd: {  	v10 =	vld.idx.msk [tilespmem:v1+s23+$0xFFFFF800 ss:$0x1], $0xffff;
	v3 =	vmax.f32 v2, v4  }
0xde: {  	v2 =	vld.idx.msk [tilespmem:v1+s23+$0xFFFFFC00 ss:$0x1], $0xffff;
	v4 =	vmax.f32 v3, v5  }
.Ltmp11:
0xdf: {  	v3 =	vld.idx.msk [tilespmem:v1+s23+$0x0 ss:$0x1], $0xffff;
	v5 =	vmax.f32 v4, v6;
	(pc) =	sbr.rel @p2 .LBB2_20-.Ltmp11, $4  }
0xe0: {  	v4 =	vld.idx.msk [tilespmem:v1+s23+$0x400 ss:$0x1], $0xffff;
	v5 =	vmax.f32 v5, v7  }
0xe1: {  	v6 =	vmax.f32 v5, v9;
	v5 =	vld.idx.msk [tilespmem:v1+s23+$0x800 ss:$0x1], $0xffff  }
0xe2: {  	v7 =	vmax.f32 v6, v8;
	v6 =	vld.idx.msk [tilespmem:v1+s23+$0xC00 ss:$0x1], $0xffff  }
0xe3: {  	v8 =	vmax.f32 v7, v10;
	v7 =	vld.idx.msk [tilespmem:v1+s23+$0x1000 ss:$0x1], $0xffff;
	s23 =	sshra.s32 s7, $0x2;
	s7 =	sadd.s32 $0x9000, s7  }
0xe4: {  	_ =	sdelay $0x2  }
0xe5: {  	v2 =	vmax.f32 v8, v2  }
0xe6: {  	v57 =	vld.idx.msk [tilespmem:v1+s23+$0xFFFFF000 ss:$0x1], $0xffff;
	v2 =	vmax.f32 v2, v3  }
0xe7: {  	v3 =	vld.idx.msk [tilespmem:v1+s23+$0xFFFFF400 ss:$0x1], $0xffff;
	v2 =	vmax.f32 v2, v4  }
0xe8: {  	v58 =	vld.idx.msk [tilespmem:v1+s23+$0xFFFFF800 ss:$0x1], $0xffff;
	v2 =	vmax.f32 v2, v5  }
0xe9: {  	v59 =	vld.idx.msk [tilespmem:v1+s23+$0xFFFFFC00 ss:$0x1], $0xffff;
	v2 =	vmax.f32 v2, v6  }
0xea: {  	v60 =	vld.idx.msk [tilespmem:v1+s23+$0x0 ss:$0x1], $0xffff;
	v2 =	vmax.f32 v2, v7  }
0xeb: {  	v61 =	vld.idx.msk [tilespmem:v1+s23+$0x400 ss:$0x1], $0xffff;
	v2 =	vmax.f32 v2, v57  }
0xec: {  	v62 =	vld.idx.msk [tilespmem:v1+s23+$0x800 ss:$0x1], $0xffff;
	v2 =	vmax.f32 v2, v3  }
0xed: {  	v3 =	vld.idx.msk [tilespmem:v1+s23+$0xC00 ss:$0x1], $0xffff;
	v2 =	vmax.f32 v2, v58  }
0xee: {  	s3 =	sadd.s32 s0, s3;
	v1 =	vld.idx.msk [tilespmem:v1+s23+$0x1000 ss:$0x1], $0xffff;
	v2 =	vmax.f32 v2, v59  }
0xef: {  	v63 =	vld [tilespmem:s3+$0x16C00];
	v2 =	vmax.f32 v2, v60  }
0xf0: {  	v2 =	vmax.f32 v2, v61  }
0xf1: {  	v2 =	vmax.f32 v2, v62  }
0xf2: {  	v2 =	vmax.f32 v2, v3  }
0xf3: {  	v1 =	vmax.f32 v2, v1  }
0xf4: {  	vm0 =	vge.f32 v1, v63  }
0xf5: {  	v1 =	vsel vm0, $0x3F800000, v0  }
0xf6: {  	[tilespmem:s31+$0x17400] =	vst v1  }
0xf7: {  	v2 =	vld [tilespmem:s0+$0x17800]  }
0xf8: {  	s30 =	sadd.s32 $0x1, s30  }
0xf9: {  	p2 =	sne.s32 s30, $0x20  }
.Ltmp12:
0xfa: {  	_ = 	snop;
	(pc) =	sbr.rel @p2 .LBB2_17-.Ltmp12, $3  }
0xfb: {  	_ = 	snop  }
0xfc: {  	v1 =	vadd.f32 v1, v2;
	_ =	sdelay $0x1  }
0xfd: {  	s29 =	sadd.s32 $0x10, s29;
	s28 =	sadd.s32 $0x1, s28;
	[tilespmem:s0+$0x17800] =	vst v1  }
0xfe: {  	[hbm4b:s11+s16] =	stream.strided.scatter [tilespmem:s21], [sflag:$0x3], $0x0, s13, s16, $0x38;
	[tilespmem:$0x1AF00] =	vst v63  }
0xff: {  	_ = 	snop  }
0x100: {  	[hbm4b:s11+s4] =	stream.linear.scatter [tilespmem:s21], [sflag:$0x3], $0x200, $0x38;
	[tilespmem:$0x1AF00] =	vst v63  }
0x101: {  	_ =	swait.ge [sflag:s22], $0x200  }
0x102: {  	[sflag:s22] =	ssyncset.done $0x0  }
0x103: {  	[sflag:s22] =	ssyncadd.s32 $0xFFFFFE00  }
.LBB2_23:
0x104: {  	s0 =	rddreg [dreg:$0x5];
	s3 =	simm.s32 $0x17800  }
0x105: {  	[spmem:s0] =	stream.linear.scatter [tilespmem:s3], [sflag:$0x3], $0x80, $0x38;
	[tilespmem:$0x1AF00] =	vst v63  }
0x106: {  	_ =	swait.ge [sflag:s22], $0x80  }
0x107: {  	[sflag:s22] =	ssyncset.done $0x0  }
0x108: {  	[sflag:s22] =	ssyncadd.s32 $0xFFFFFF80  }
0x109: {  	[bflag:$0x0] =	sbarrier.arrive $0xFFFF  }
0x10a: {  	s31 =	simm.s32 $0x17880;
	s30 =	rddreg [dreg:$0x6]  }
0x10b: {  	[tilespmem:s31], [sflag:$0x3] =	stream.linear.gather [spmem:s30], $0x200, $0x38;
	[tilespmem:$0x1AF00] =	vst v63  }
0x10c: {  	_ =	swait.ge [sflag:s22], $0x200  }
0x10d: {  	[sflag:s22] =	ssyncset.done $0x0  }
0x10e: {  	[sflag:s22] =	ssyncadd.s32 $0xFFFFFE00  }
0x10f: {  	v1 =	vld [tilespmem:$0x17880]  }
0x110: {  	v2 =	vld [tilespmem:$0x17900]  }
0x111: {  	v3 =	vld [tilespmem:$0x17980]  }
0x112: {  	v4 =	vld [tilespmem:$0x17A00]  }
0x113: {  	v5 =	vld [tilespmem:$0x17890]  }
0x114: {  	v6 =	vld [tilespmem:$0x17910]  }
0x115: {  	v7 =	vld [tilespmem:$0x17990]  }
0x116: {  	v8 =	vld [tilespmem:$0x17A10]  }
0x117: {  	v9 =	vld [tilespmem:$0x178A0]  }
0x118: {  	v10 =	vld [tilespmem:$0x17920]  }
0x119: {  	v11 =	vld [tilespmem:$0x179A0]  }
0x11a: {  	v12 =	vld [tilespmem:$0x17A20]  }
0x11b: {  	v13 =	vld [tilespmem:$0x178B0]  }
0x11c: {  	v14 =	vld [tilespmem:$0x17930]  }
0x11d: {  	v15 =	vld [tilespmem:$0x179B0]  }
0x11e: {  	v16 =	vld [tilespmem:$0x17A30]  }
0x11f: {  	v17 =	vld [tilespmem:$0x178C0]  }
0x120: {  	v18 =	vld [tilespmem:$0x17940]  }
0x121: {  	v19 =	vld [tilespmem:$0x179C0]  }
0x122: {  	v20 =	vld [tilespmem:$0x17A40]  }
0x123: {  	v21 =	vld [tilespmem:$0x178D0]  }
0x124: {  	v47 =	vld [tilespmem:$0x17950];
	v1 =	vadd.f32 v2, v1;
	v2 =	vadd.f32 v6, v5  }
0x125: {  	v50 =	vld [tilespmem:$0x179D0];
	v48 =	vadd.f32 v10, v9;
	v49 =	vadd.f32 v14, v13  }
0x126: {  	v52 =	vld [tilespmem:$0x178E0];
	v1 =	vadd.f32 v3, v1;
	v2 =	vadd.f32 v7, v2  }
0x127: {  	v53 =	vld [tilespmem:$0x17960];
	v55 =	vadd.f32 v18, v17;
	v6 =	vadd.f32 v11, v48  }
0x128: {  	v54 =	vld [tilespmem:$0x179E0];
	v1 =	vadd.f32 v4, v1;
	v2 =	vadd.f32 v8, v2  }
0x129: {  	v56 =	vld [tilespmem:$0x178F0];
	v51 =	vadd.f32 v15, v49;
	v11 =	vadd.f32 v19, v55  }
0x12a: {  	v3 =	vld [tilespmem:$0x17A50];
	v6 =	vadd.f32 v12, v6;
	vm7 =	vlt.f32 v1, $1.000000000e+00;
	vm6 =	vlt.f32 v2, $1.000000000e+00  }
0x12b: {  	v1 =	vadd.f32 v47, v21;
	v2 =	vld [tilespmem:$0x17970];
	v57 =	vsel vm7, $0x3F800000, v0;
	v58 =	vsel vm6, $0x3F800000, v0  }
0x12c: {  	v59 =	vld [tilespmem:$0x17A60];
	v7 =	vadd.f32 v16, v51;
	vm5 =	vlt.f32 v6, $1.000000000e+00;
	v5 =	vadd.f32 v58, v57  }
0x12d: {  	v60 =	vld [tilespmem:$0x179F0];
	v4 =	vadd.f32 v53, v52;
	v61 =	vsel vm5, $0x3F800000, v0;
	v1 =	vadd.f32 v50, v1  }
0x12e: {  	v11 =	vadd.f32 v20, v11;
	vm4 =	vlt.f32 v7, $1.000000000e+00;
	v5 =	vadd.f32 v61, v5  }
0x12f: {  	v62 =	vld [tilespmem:$0x17A70];
	v7 =	vsel vm4, $0x3F800000, v0;
	v1 =	vadd.f32 v3, v1;
	v3 =	vadd.f32 v54, v4  }
0x130: {  	vm3 =	vlt.f32 v11, $1.000000000e+00;
	v2 =	vadd.f32 v2, v56;
	v5 =	vadd.f32 v7, v5  }
0x131: {  	v63 =	vsel vm3, $0x3F800000, v0;
	v3 =	vadd.f32 v59, v3  }
0x132: {  	vm2 =	vlt.f32 v1, $1.000000000e+00;
	v2 =	vadd.f32 v60, v2;
	v5 =	vadd.f32 v63, v5  }
0x133: {  	v1 =	vsel vm2, $0x3F800000, v0  }
0x134: {  	vm1 =	vlt.f32 v3, $1.000000000e+00;
	v2 =	vadd.f32 v62, v2;
	v1 =	vadd.f32 v1, v5  }
0x135: {  	v3 =	vsel vm1, $0x3F800000, v0  }
0x136: {  	vm0 =	vlt.f32 v2, $1.000000000e+00;
	v1 =	vadd.f32 v3, v1  }
0x137: {  	v2 =	vsel vm0, $0x3F800000, v0  }
0x138: {  	v1 =	vadd.f32 v2, v1;
	_ =	sdelay $0x1  }
0x139: {  	(xrf0) =	vmax.scan.msk.f32 $0xffff, v1;
	_ =	sdelay $0x5  }
0x13a: {  	v1, _, _ =	vpop (xrf0)  }
0x13b: {  	(v2sf) =	vpush v1, $0xF;
	_ =	sdelay $0xe  }
0x13c: {  	s0 =	spop (v2sf)  }
0x13d: {  	p2 =	sgt.f32 @!p1 s0, $0.0e+00;
	_ =	sdelay $0x1  }
0x13e: {  	p2 =	por p1, !p2  }
.Ltmp13:
0x13f: {  	_ = 	snop;
	(pc) =	sbr.rel @p2 .LBB2_102-.Ltmp13, $2  }
0x140: {  	_ =	sdelay $0x2  }
0x141: {  	s28 =	simm.s32 $0x0;
	s29 =	simm.s32 $0x0  }
.LBB2_24:
0x142: {  	s0 =	sshll.u32 s29, $0xD  }
0x143: {  	s0 =	sor.u32 s5, s0  }
0x144: {  	s0 =	sshrl.u32 s0, $0x3  }
0x145: {  	s0 =	sadd.s32 s1, s0  }
0x146: {  	[tilespmem:s28], [sflag:$0x3] =	stream.strided.gather [hbm4b:s0+s16], $0xB800, s17, s16, $0x38;
	[tilespmem:$0x1AF00] =	vst v63  }
0x147: {  	_ =	swait.ge [sflag:s22], $0xB800  }
0x148: {  	[sflag:s22] =	ssyncset.done $0x0  }
0x149: {  	s0 =	sadd.s32 $0x95800, s0;
	[sflag:s22] =	ssyncadd.s32 $0xFFFF4800  }
0x14a: {  	[tilespmem:s19], [sflag:$0x3] =	stream.strided.gather [hbm4b:s0+s16], $0xB800, s17, s16, $0x38;
	[tilespmem:$0x1AF00] =	vst v63  }
0x14b: {  	s25 =	sshll.u32 s29, $0xA;
	_ =	swait.ge [sflag:s22], $0xB800  }
0x14c: {  	s30 =	simm.s32 $0x0;
	s0 =	sand.u32 $0x3FFFFC00, s25;
	[sflag:s22] =	ssyncset.done $0x0  }
0x14d: {  	s31 =	simm.s32 $0x0;
	s0 =	sadd.s32 $0x17A80, s0;
	[sflag:s22] =	ssyncadd.s32 $0xFFFF4800  }
.LBB2_25:
0x14e: {  	s7 =	sshrl.u32 s31, $0x3;
	s3 =	sand.u32 $0x7, s30  }
0x14f: {  	s12 =	sshll.u32 s7, $0x9;
	s3 =	sshll.u32 s3, $0x6  }
0x150: {  	s3 =	sor.u32 s3, s12  }
0x151: {  	s12 =	sshrl.u32 s3, $0x2  }
0x152: {  	v2 =	vmov s12  }
0x153: {  	s25 =	sshll.u32 s31, $0x4  }
0x154: {  	s24 =	sshll.u32 s7, $0x7;
	s3 =	sand.u32 $0x70, s25  }
0x155: {  	s7 =	sor.u32 s3, s24  }
0x156: {  	s23 =	simm.s32 $0x400;
	v1 =	vld [tilespmem:s7+$0x0]  }
0x157: {  	s25 =	sadd.s32 $0xB800, s12;
	s7 =	simm.s32 $0x2000;
	v3 =	vld.idx.msk [tilespmem:v2+s23+$0x0 ss:$0x1], $0xffff  }
.LBB2_26:
0x158: {  	p2 =	sne.s32 s7, $0x2D000  }
.Ltmp14:
0x159: {  	_ = 	snop;
	(pc) =	sbr.rel @p2 .LBB2_26-.Ltmp14, $3  }
0x15a: {  	_ =	sdelay $0x1  }
0x15b: {  	s12 =	sshra.s32 s7, $0x2;
	s7 =	sadd.s32 $0x1000, s7  }
0x15c: {  	v1 =	vmax.f32 v1, v3;
	v3 =	vld.idx.msk [tilespmem:v2+s12+$0x0 ss:$0x1], $0xffff  }
0x15d: {  	_ =	sdelay $0x2  }
0x15e: {  	s12 =	sadd.s32 $0x0, s25  }
0x15f: {  	s7 =	simm.s32 $0x0;
	s23 =	simm.s32 $0x1000;
	v1 =	vmax.f32 v1, v3;
	v3 =	vld [tilespmem:s12+$0x0]  }
.LBB2_28:
0x160: {  	p2 =	sne.s32 s23, $0x2C000  }
.Ltmp15:
0x161: {  	_ = 	snop;
	(pc) =	sbr.rel @p2 .LBB2_28-.Ltmp15, $4  }
0x162: {  	_ = 	snop  }
0x163: {  	s12 =	sshra.s32 s23, $0x2;
	s23 =	sadd.s32 $0x1000, s23  }
0x164: {  	s12 =	sadd.s32 s12, s25;
	v1 =	vmax.f32 v1, v3  }
0x165: {  	v3 =	vld [tilespmem:s12+$0x0]  }
0x166: {  	_ =	sdelay $0x3  }
0x167: {  	v4 =	vld.idx.msk [tilespmem:v2+s7+$0x0 ss:$0x1], $0xffff;
	_ =	sdelay $0x1  }
0x168: {  	s23 =	simm.s32 $0x400  }
0x169: {  	v5 =	vld.idx.msk [tilespmem:v2+s23+$0x0 ss:$0x1], $0xffff  }
0x16a: {  	v1 =	vmax.f32 v1, v3  }
0x16b: {  	v3 =	vsub.f32 v4, v1;
	_ =	sdelay $0x1  }
0x16c: {  	v3 =	vmul.f32 $1.442695020e+00, v3  }
0x16d: {  	v4 =	vsub.f32 v5, v1  }
0x16e: {  	(erf) = vpow2.f32 v3  }
0x16f: {  	v5 =	vmul.f32 $1.442695020e+00, v4  }
0x170: {  	s12 =	simm.s32 $0x800  }
0x171: {  	v4 =	vld.idx.msk [tilespmem:v2+s12+$0x0 ss:$0x1], $0xffff;
	(erf) = vpow2.f32 v5;
	_ =	sdelay $0x2  }
0x172: {  	s7 =	simm.s32 $0x3000;
	v3 =	vimm.f32 $0.0e+00  }
.LBB2_30:
0x173: {  	s12 =	sshra.s32 s7, $0x2;
	p2 =	sne.s32 s7, $0x2D000;
	s7 =	sadd.s32 $0x1000, s7  }
.Ltmp16:
0x174: {  	v5 =	vsub.f32 v4, v1;
	v4 =	vld.idx.msk [tilespmem:v2+s12+$0x0 ss:$0x1], $0xffff;
	(pc) =	sbr.rel @p2 .LBB2_30-.Ltmp16, $3  }
0x175: {  	v6 =	vpop (erf)  }
0x176: {  	v5 =	vmul.f32 $1.442695020e+00, v5;
	v3 =	vadd.f32 v6, v3;
	_ =	sdelay $0x1  }
0x177: {  	(erf) = vpow2.f32 v5  }
0x178: {  	v2 =	vmov s25  }
0x179: {  	v4 =	vsub.f32 v4, v1;
	_ =	sdelay $0x1  }
0x17a: {  	v4 =	vmul.f32 $1.442695020e+00, v4  }
0x17b: {  	s7 =	simm.s32 $0x0  }
0x17c: {  	(erf) = vpow2.f32 v4;
	v4 =	vld.idx.msk [tilespmem:v2+s7+$0x0 ss:$0x1], $0xffff;
	_ =	sdelay $0x1  }
0x17d: {  	s25 =	simm.s32 $0x400  }
0x17e: {  	v5 =	vld.idx.msk [tilespmem:v2+s25+$0x0 ss:$0x1], $0xffff;
	_ =	sdelay $0x1  }
0x17f: {  	v4 =	vsub.f32 v4, v1;
	_ =	sdelay $0x1  }
0x180: {  	v6 =	vpop (erf);
	v4 =	vmul.f32 $1.442695020e+00, v4  }
0x181: {  	v3 =	vadd.f32 v6, v3;
	v5 =	vsub.f32 v5, v1  }
0x182: {  	v6 =	vpop (erf);
	(erf) = vpow2.f32 v4  }
0x183: {  	v3 =	vadd.f32 v6, v3;
	v5 =	vmul.f32 $1.442695020e+00, v5  }
0x184: {  	s12 =	simm.s32 $0x800;
	v4 =	vpop (erf)  }
0x185: {  	(erf) = vpow2.f32 v5;
	v3 =	vadd.f32 v4, v3;
	v4 =	vld.idx.msk [tilespmem:v2+s12+$0x0 ss:$0x1], $0xffff;
	_ =	sdelay $0x2  }
0x186: {  	s7 =	simm.s32 $0x3000  }
.LBB2_32:
0x187: {  	s12 =	sshra.s32 s7, $0x2;
	p2 =	sne.s32 s7, $0x2C000;
	s7 =	sadd.s32 $0x1000, s7  }
.Ltmp17:
0x188: {  	v5 =	vsub.f32 v4, v1;
	v4 =	vld.idx.msk [tilespmem:v2+s12+$0x0 ss:$0x1], $0xffff;
	(pc) =	sbr.rel @p2 .LBB2_32-.Ltmp17, $3  }
0x189: {  	v6 =	vpop (erf)  }
0x18a: {  	v5 =	vmul.f32 $1.442695020e+00, v5;
	v3 =	vadd.f32 v6, v3;
	_ =	sdelay $0x1  }
0x18b: {  	(erf) = vpow2.f32 v5  }
0x18c: {  	v1 =	vsub.f32 v4, v1;
	_ =	sdelay $0x1  }
0x18d: {  	v1 =	vmul.f32 $1.442695020e+00, v1;
	_ =	sdelay $0x1  }
0x18e: {  	(erf) = vpow2.f32 v1;
	_ =	sdelay $0x4  }
0x18f: {  	v1 =	vpop (erf)  }
0x190: {  	v1 =	vadd.f32 v1, v3  }
0x191: {  	v2 =	vpop (erf)  }
0x192: {  	v1 =	vadd.f32 v2, v1  }
0x193: {  	v2 =	vpop (erf)  }
0x194: {  	v1 =	vadd.f32 v2, v1;
	_ =	sdelay $0x1  }
0x195: {  	(erf) = vrcp.f32 v1;
	_ =	sdelay $0x3  }
0x196: {  	s31 =	sadd.s32 $0x1, s31  }
0x197: {  	p2 =	sne.s32 s31, $0x40  }
.Ltmp18:
0x198: {  	_ = 	snop;
	(pc) =	sbr.rel @p2 .LBB2_25-.Ltmp18, $4  }
0x199: {  	s7 =	sand.u32 $0x3FFFFF80, s24  }
0x19a: {  	s7 =	sadd.s32 s7, s0  }
0x19b: {  	s3 =	sadd.s32 s3, s7;
	v1 =	vpop (erf)  }
0x19c: {  	s30 =	sadd.s32 $0x1, s30;
	[tilespmem:s3+$0x0] =	vst v1  }
0x19d: {  	s29 =	sadd.s32 $0x1, s29  }
0x19e: {  	p2 =	sne.s32 s29, $0xC  }
.Ltmp19:
0x19f: {  	_ = 	snop;
	(pc) =	sbr.rel @p2 .LBB2_24-.Ltmp19, $1  }
0x1a0: {  	_ =	sdelay $0x3  }
0x1a1: {  	s0 =	simm.s32 $0x1000  }
0x1a2: {  	s23 =	simm.s32 $0x0;
	s3 =	sadd.s32 $0x3400, s9;
	s7 =	smov.u32 s9  }
.LBB2_36:
0x1a3: {  	[tilespmem:s23], [sflag:$0x3] =	stream.linear.gather [hbm4b:s7+s4], $0x200, $0x38;
	[tilespmem:$0x1AF00] =	vst v63  }
0x1a4: {  	s12 =	smov.u32 s0;
	s7 =	smov.u32 s3;
	p2 =	sne.s32 s0, $0x2D000  }
.Ltmp20:
0x1a5: {  	s0 =	sadd.s32 $0x1000, s0;
	(pc) =	sbr.rel @p2 .LBB2_36-.Ltmp20, $2  }
0x1a6: {  	_ =	sdelay $0x2  }
0x1a7: {  	s3 =	sadd.s32 $0x3400, s3;
	s23 =	sshra.s32 s12, $0x2  }
0x1a8: {  	[tilespmem:s23], [sflag:$0x3] =	stream.linear.gather [hbm4b:s7+s4], $0x200, $0x38;
	[tilespmem:$0x1AF00] =	vst v63  }
0x1a9: {  	_ =	swait.ge [sflag:s22], $0x5C00  }
0x1aa: {  	[sflag:s22] =	ssyncset.done $0x0  }
0x1ab: {  	s0 =	simm.s32 $0xB800;
	[sflag:s22] =	ssyncadd.s32 $0xFFFFA400  }
0x1ac: {  	[tilespmem:s0], [sflag:$0x3] =	stream.linear.gather [hbm4b:s10+s4], $0x200, $0x38;
	[tilespmem:$0x1AF00] =	vst v63  }
0x1ad: {  	s3 =	smov.u32 s10;
	s0 =	simm.s32 $0x1000  }
.LBB2_38:
0x1ae: {  	p2 =	sne.s32 s0, $0x2D000  }
.Ltmp21:
0x1af: {  	_ = 	snop;
	(pc) =	sbr.rel @p2 .LBB2_38-.Ltmp21, $4  }
0x1b0: {  	_ = 	snop  }
0x1b1: {  	s7 =	sshra.s32 s0, $0x2;
	s0 =	sadd.s32 $0x1000, s0  }
0x1b2: {  	s3 =	sadd.s32 $0x3400, s3;
	s7 =	sadd.s32 $0xB800, s7  }
0x1b3: {  	[tilespmem:s7], [sflag:$0x3] =	stream.linear.gather [hbm4b:s3+s4], $0x200, $0x38;
	[tilespmem:$0x1AF00] =	vst v63  }
0x1b4: {  	_ =	swait.ge [sflag:s22], $0x5C00  }
0x1b5: {  	[sflag:s22] =	ssyncset.done $0x0  }
0x1b6: {  	s0 =	simm.s32 $0x0;
	s28 =	simm.s32 $0x0;
	[sflag:s22] =	ssyncadd.s32 $0xFFFFA400  }
.LBB2_40:
0x1b7: {  	s7 =	sshrl.u32 s28, $0x3;
	s3 =	sand.u32 $0x7, s0  }
0x1b8: {  	s12 =	sshll.u32 s7, $0x9;
	s3 =	sshll.u32 s3, $0x6  }
0x1b9: {  	s3 =	sor.u32 s3, s12  }
0x1ba: {  	s12 =	sshrl.u32 s3, $0x2  }
0x1bb: {  	v2 =	vmov s12  }
0x1bc: {  	s31 =	sshll.u32 s28, $0x4  }
0x1bd: {  	s24 =	sshll.u32 s7, $0x7;
	s3 =	sand.u32 $0x70, s31  }
0x1be: {  	s7 =	sor.u32 s3, s24  }
0x1bf: {  	s23 =	simm.s32 $0x400;
	v1 =	vld [tilespmem:s7+$0x0]  }
0x1c0: {  	s25 =	sadd.s32 $0xB800, s12;
	s7 =	simm.s32 $0x2000;
	v3 =	vld.idx.msk [tilespmem:v2+s23+$0x0 ss:$0x1], $0xffff  }
.LBB2_41:
0x1c1: {  	p2 =	sne.s32 s7, $0x2D000  }
.Ltmp22:
0x1c2: {  	_ = 	snop;
	(pc) =	sbr.rel @p2 .LBB2_41-.Ltmp22, $3  }
0x1c3: {  	_ =	sdelay $0x1  }
0x1c4: {  	s12 =	sshra.s32 s7, $0x2;
	s7 =	sadd.s32 $0x1000, s7  }
0x1c5: {  	v1 =	vmax.f32 v1, v3;
	v3 =	vld.idx.msk [tilespmem:v2+s12+$0x0 ss:$0x1], $0xffff  }
0x1c6: {  	_ =	sdelay $0x2  }
0x1c7: {  	s12 =	sadd.s32 $0x0, s25  }
0x1c8: {  	s7 =	simm.s32 $0x0;
	s23 =	simm.s32 $0x1000;
	v1 =	vmax.f32 v1, v3;
	v3 =	vld [tilespmem:s12+$0x0]  }
.LBB2_43:
0x1c9: {  	p2 =	sne.s32 s23, $0x2C000  }
.Ltmp23:
0x1ca: {  	_ = 	snop;
	(pc) =	sbr.rel @p2 .LBB2_43-.Ltmp23, $4  }
0x1cb: {  	_ = 	snop  }
0x1cc: {  	s12 =	sshra.s32 s23, $0x2;
	s23 =	sadd.s32 $0x1000, s23  }
0x1cd: {  	s12 =	sadd.s32 s12, s25;
	v1 =	vmax.f32 v1, v3  }
0x1ce: {  	v3 =	vld [tilespmem:s12+$0x0]  }
0x1cf: {  	_ =	sdelay $0x3  }
0x1d0: {  	v4 =	vld.idx.msk [tilespmem:v2+s7+$0x0 ss:$0x1], $0xffff;
	_ =	sdelay $0x1  }
0x1d1: {  	s31 =	simm.s32 $0x400  }
0x1d2: {  	v5 =	vld.idx.msk [tilespmem:v2+s31+$0x0 ss:$0x1], $0xffff  }
0x1d3: {  	v1 =	vmax.f32 v1, v3  }
0x1d4: {  	v3 =	vsub.f32 v4, v1;
	_ =	sdelay $0x1  }
0x1d5: {  	v3 =	vmul.f32 $1.442695020e+00, v3  }
0x1d6: {  	v4 =	vsub.f32 v5, v1  }
0x1d7: {  	(erf) = vpow2.f32 v3  }
0x1d8: {  	v5 =	vmul.f32 $1.442695020e+00, v4  }
0x1d9: {  	s12 =	simm.s32 $0x800  }
0x1da: {  	v4 =	vld.idx.msk [tilespmem:v2+s12+$0x0 ss:$0x1], $0xffff;
	(erf) = vpow2.f32 v5;
	_ =	sdelay $0x2  }
0x1db: {  	s7 =	simm.s32 $0x3000;
	v3 =	vimm.f32 $0.0e+00  }
.LBB2_45:
0x1dc: {  	s12 =	sshra.s32 s7, $0x2;
	p2 =	sne.s32 s7, $0x2D000;
	s7 =	sadd.s32 $0x1000, s7  }
.Ltmp24:
0x1dd: {  	v5 =	vsub.f32 v4, v1;
	v4 =	vld.idx.msk [tilespmem:v2+s12+$0x0 ss:$0x1], $0xffff;
	(pc) =	sbr.rel @p2 .LBB2_45-.Ltmp24, $3  }
0x1de: {  	v6 =	vpop (erf)  }
0x1df: {  	v5 =	vmul.f32 $1.442695020e+00, v5;
	v3 =	vadd.f32 v6, v3;
	_ =	sdelay $0x1  }
0x1e0: {  	(erf) = vpow2.f32 v5  }
0x1e1: {  	v2 =	vmov s25  }
0x1e2: {  	v4 =	vsub.f32 v4, v1;
	_ =	sdelay $0x1  }
0x1e3: {  	v4 =	vmul.f32 $1.442695020e+00, v4  }
0x1e4: {  	s7 =	simm.s32 $0x0  }
0x1e5: {  	(erf) = vpow2.f32 v4;
	v4 =	vld.idx.msk [tilespmem:v2+s7+$0x0 ss:$0x1], $0xffff;
	_ =	sdelay $0x1  }
0x1e6: {  	s31 =	simm.s32 $0x400  }
0x1e7: {  	v5 =	vld.idx.msk [tilespmem:v2+s31+$0x0 ss:$0x1], $0xffff;
	_ =	sdelay $0x1  }
0x1e8: {  	v4 =	vsub.f32 v4, v1;
	_ =	sdelay $0x1  }
0x1e9: {  	v6 =	vpop (erf);
	v4 =	vmul.f32 $1.442695020e+00, v4  }
0x1ea: {  	v3 =	vadd.f32 v6, v3;
	v5 =	vsub.f32 v5, v1  }
0x1eb: {  	v6 =	vpop (erf);
	(erf) = vpow2.f32 v4  }
0x1ec: {  	v3 =	vadd.f32 v6, v3;
	v5 =	vmul.f32 $1.442695020e+00, v5  }
0x1ed: {  	s12 =	simm.s32 $0x800;
	v4 =	vpop (erf)  }
0x1ee: {  	(erf) = vpow2.f32 v5;
	v3 =	vadd.f32 v4, v3;
	v4 =	vld.idx.msk [tilespmem:v2+s12+$0x0 ss:$0x1], $0xffff;
	_ =	sdelay $0x2  }
0x1ef: {  	s7 =	simm.s32 $0x3000  }
.LBB2_47:
0x1f0: {  	s12 =	sshra.s32 s7, $0x2;
	p2 =	sne.s32 s7, $0x2C000;
	s7 =	sadd.s32 $0x1000, s7  }
.Ltmp25:
0x1f1: {  	v5 =	vsub.f32 v4, v1;
	v4 =	vld.idx.msk [tilespmem:v2+s12+$0x0 ss:$0x1], $0xffff;
	(pc) =	sbr.rel @p2 .LBB2_47-.Ltmp25, $3  }
0x1f2: {  	v6 =	vpop (erf)  }
0x1f3: {  	v5 =	vmul.f32 $1.442695020e+00, v5;
	v3 =	vadd.f32 v6, v3;
	_ =	sdelay $0x1  }
0x1f4: {  	(erf) = vpow2.f32 v5  }
0x1f5: {  	v1 =	vsub.f32 v4, v1;
	_ =	sdelay $0x1  }
0x1f6: {  	v1 =	vmul.f32 $1.442695020e+00, v1;
	_ =	sdelay $0x1  }
0x1f7: {  	(erf) = vpow2.f32 v1;
	_ =	sdelay $0x4  }
0x1f8: {  	v1 =	vpop (erf)  }
0x1f9: {  	v1 =	vadd.f32 v1, v3  }
0x1fa: {  	v2 =	vpop (erf)  }
0x1fb: {  	v1 =	vadd.f32 v2, v1  }
0x1fc: {  	v2 =	vpop (erf)  }
0x1fd: {  	v1 =	vadd.f32 v2, v1;
	_ =	sdelay $0x1  }
0x1fe: {  	(erf) = vrcp.f32 v1;
	_ =	sdelay $0x3  }
0x1ff: {  	s28 =	sadd.s32 $0x1, s28  }
0x200: {  	p2 =	sne.s32 s28, $0x20  }
.Ltmp26:
0x201: {  	_ = 	snop;
	(pc) =	sbr.rel @p2 .LBB2_40-.Ltmp26, $4  }
0x202: {  	_ = 	snop  }
0x203: {  	s7 =	sand.u32 $0x3FFFFF80, s24  }
0x204: {  	s3 =	sor.u32 s3, s7;
	v1 =	vpop (erf)  }
0x205: {  	s0 =	sadd.s32 $0x1, s0;
	[tilespmem:s3+$0x1AA80] =	vst v1  }
0x206: {  	s28 =	simm.s32 $0x0  }
.LBB2_50:
0x207: {  	v1 =	vld [tilespmem:$0x17A80];
	s3 =	simm.s32 $0x80  }
0x208: {  	s0 =	simm.s32 $0x400;
	v2 =	vld [tilespmem:s3+$0x17A80]  }
.LBB2_51:
0x209: {  	p2 =	sne.s32 s0, $0xC600  }
.Ltmp27:
0x20a: {  	_ = 	snop;
	(pc) =	sbr.rel @p2 .LBB2_51-.Ltmp27, $3  }
0x20b: {  	_ =	sdelay $0x1  }
0x20c: {  	s3 =	sshra.s32 s0, $0x2;
	s0 =	sadd.s32 $0x200, s0;
	v1 =	vmax.f32 v1, v2  }
0x20d: {  	v2 =	vld [tilespmem:s3+$0x17A80]  }
0x20e: {  	s0 =	simm.s32 $0x17A80  }
0x20f: {  	v3 =	vld [tilespmem:s0+$0x0];
	_ =	sdelay $0x3  }
0x210: {  	s3 =	simm.s32 $0x0;
	v2 =	vmax.f32 v1, v2  }
0x211: {  	s7 =	simm.s32 $0x1;
	s23 =	simm.s32 $0x17B00;
	v1 =	vimm.s32 $0x3B9ACA00;
	vm8 =	veq.f32 v3, v2;
	v3 =	vmov s3  }
.LBB2_53:
0x212: {  	v4 =	vld [tilespmem:s23+$0x0];
	p2 =	sne.s32 s7, $0x63;
	v3 =	vnsel vm8, $0x3B9ACA00, v3;
	s12 =	smov.u32 s7;
	s7 =	sadd.s32 $0x1, s7  }
.Ltmp28:
0x213: {  	vm8 =	vlt.s32 v1, v3;
	(pc) =	sbr.rel @p2 .LBB2_53-.Ltmp28, $2  }
0x214: {  	v1 =	vsel vm8, v1, v3;
	_ =	sdelay $0x2  }
0x215: {  	s23 =	sadd.s32 $0x80, s23;
	v3 =	vmov s12;
	vm8 =	veq.f32 v4, v2  }
0x216: {  	v2 =	vnsel vm8, $0x3B9ACA00, v3  }
0x217: {  	vm8 =	vlt.s32 v1, v2  }
0x218: {  	s7 =	simm.s32 $0x1;
	v1 =	vsel vm8, v1, v2;
	v2 =	vld [tilespmem:s0+$0x0]  }
.LBB2_55:
0x219: {  	p2 =	sne.s32 s7, $0x63;
	_ =	sdelay $0x1  }
.Ltmp29:
0x21a: {  	(pc) =	sbr.rel @p2 .LBB2_55-.Ltmp29, $4  }
0x21b: {  	vm8 =	veq.s32 v1, s3;
	s3 =	smov.u32 s7  }
0x21c: {  	v2 =	vsel vm8, $0xC0000000, v2  }
0x21d: {  	[tilespmem:s0+$0x0] =	vst v2;
	s0 =	sadd.s32 $0x80, s0  }
0x21e: {  	s7 =	sadd.s32 $0x1, s7;
	v2 =	vld [tilespmem:s0+$0x0]  }
0x21f: {  	_ =	sdelay $0x2  }
0x220: {  	vm8 =	veq.s32 v1, s3  }
0x221: {  	v1 =	vsel vm8, $0xC0000000, v2  }
0x222: {  	[tilespmem:s0+$0x0] =	vst v1  }
0x223: {  	s31 =	simm.s32 $0x90;
	v1 =	vld [tilespmem:$0x17A90]  }
0x224: {  	s0 =	simm.s32 $0x440;
	v2 =	vld [tilespmem:s31+$0x17A80]  }
.LBB2_57:
0x225: {  	p2 =	sne.s32 s0, $0xC640  }
.Ltmp30:
0x226: {  	_ = 	snop;
	(pc) =	sbr.rel @p2 .LBB2_57-.Ltmp30, $3  }
0x227: {  	_ =	sdelay $0x1  }
0x228: {  	s3 =	sshra.s32 s0, $0x2;
	s0 =	sadd.s32 $0x200, s0;
	v1 =	vmax.f32 v1, v2  }
0x229: {  	v2 =	vld [tilespmem:s3+$0x17A80]  }
0x22a: {  	s0 =	simm.s32 $0x17A90  }
0x22b: {  	v3 =	vld [tilespmem:s0+$0x0];
	_ =	sdelay $0x3  }
0x22c: {  	s3 =	simm.s32 $0x0;
	v2 =	vmax.f32 v1, v2  }
0x22d: {  	s7 =	simm.s32 $0x1;
	s23 =	simm.s32 $0x17B10;
	v1 =	vimm.s32 $0x3B9ACA00;
	vm8 =	veq.f32 v3, v2;
	v3 =	vmov s3  }
.LBB2_59:
0x22e: {  	v4 =	vld [tilespmem:s23+$0x0];
	p2 =	sne.s32 s7, $0x63;
	v3 =	vnsel vm8, $0x3B9ACA00, v3;
	s12 =	smov.u32 s7;
	s7 =	sadd.s32 $0x1, s7  }
.Ltmp31:
0x22f: {  	vm8 =	vlt.s32 v1, v3;
	(pc) =	sbr.rel @p2 .LBB2_59-.Ltmp31, $2  }
0x230: {  	v1 =	vsel vm8, v1, v3;
	_ =	sdelay $0x2  }
0x231: {  	s23 =	sadd.s32 $0x80, s23;
	v3 =	vmov s12;
	vm8 =	veq.f32 v4, v2  }
0x232: {  	v2 =	vnsel vm8, $0x3B9ACA00, v3  }
0x233: {  	vm8 =	vlt.s32 v1, v2  }
0x234: {  	s7 =	simm.s32 $0x1;
	v1 =	vsel vm8, v1, v2;
	v2 =	vld [tilespmem:s0+$0x0]  }
.LBB2_61:
0x235: {  	p2 =	sne.s32 s7, $0x63;
	_ =	sdelay $0x1  }
.Ltmp32:
0x236: {  	(pc) =	sbr.rel @p2 .LBB2_61-.Ltmp32, $4  }
0x237: {  	vm8 =	veq.s32 v1, s3;
	s3 =	smov.u32 s7  }
0x238: {  	v2 =	vsel vm8, $0xC0000000, v2  }
0x239: {  	[tilespmem:s0+$0x0] =	vst v2;
	s0 =	sadd.s32 $0x80, s0  }
0x23a: {  	s7 =	sadd.s32 $0x1, s7;
	v2 =	vld [tilespmem:s0+$0x0]  }
0x23b: {  	_ =	sdelay $0x2  }
0x23c: {  	vm8 =	veq.s32 v1, s3  }
0x23d: {  	v1 =	vsel vm8, $0xC0000000, v2  }
0x23e: {  	[tilespmem:s0+$0x0] =	vst v1  }
0x23f: {  	s31 =	simm.s32 $0xA0;
	v1 =	vld [tilespmem:$0x17AA0]  }
0x240: {  	s0 =	simm.s32 $0x480;
	v2 =	vld [tilespmem:s31+$0x17A80]  }
.LBB2_63:
0x241: {  	p2 =	sne.s32 s0, $0xC680  }
.Ltmp33:
0x242: {  	_ = 	snop;
	(pc) =	sbr.rel @p2 .LBB2_63-.Ltmp33, $3  }
0x243: {  	_ =	sdelay $0x1  }
0x244: {  	s3 =	sshra.s32 s0, $0x2;
	s0 =	sadd.s32 $0x200, s0;
	v1 =	vmax.f32 v1, v2  }
0x245: {  	v2 =	vld [tilespmem:s3+$0x17A80]  }
0x246: {  	s0 =	simm.s32 $0x17AA0  }
0x247: {  	v3 =	vld [tilespmem:s0+$0x0];
	_ =	sdelay $0x3  }
0x248: {  	s3 =	simm.s32 $0x0;
	v2 =	vmax.f32 v1, v2  }
0x249: {  	s7 =	simm.s32 $0x1;
	s23 =	simm.s32 $0x17B20;
	v1 =	vimm.s32 $0x3B9ACA00;
	vm8 =	veq.f32 v3, v2;
	v3 =	vmov s3  }
.LBB2_65:
0x24a: {  	v4 =	vld [tilespmem:s23+$0x0];
	p2 =	sne.s32 s7, $0x63;
	v3 =	vnsel vm8, $0x3B9ACA00, v3;
	s12 =	smov.u32 s7;
	s7 =	sadd.s32 $0x1, s7  }
.Ltmp34:
0x24b: {  	vm8 =	vlt.s32 v1, v3;
	(pc) =	sbr.rel @p2 .LBB2_65-.Ltmp34, $2  }
0x24c: {  	v1 =	vsel vm8, v1, v3;
	_ =	sdelay $0x2  }
0x24d: {  	s23 =	sadd.s32 $0x80, s23;
	v3 =	vmov s12;
	vm8 =	veq.f32 v4, v2  }
0x24e: {  	v2 =	vnsel vm8, $0x3B9ACA00, v3  }
0x24f: {  	vm8 =	vlt.s32 v1, v2  }
0x250: {  	s7 =	simm.s32 $0x1;
	v1 =	vsel vm8, v1, v2;
	v2 =	vld [tilespmem:s0+$0x0]  }
.LBB2_67:
0x251: {  	p2 =	sne.s32 s7, $0x63;
	_ =	sdelay $0x1  }
.Ltmp35:
0x252: {  	(pc) =	sbr.rel @p2 .LBB2_67-.Ltmp35, $4  }
0x253: {  	vm8 =	veq.s32 v1, s3;
	s3 =	smov.u32 s7  }
0x254: {  	v2 =	vsel vm8, $0xC0000000, v2  }
0x255: {  	[tilespmem:s0+$0x0] =	vst v2;
	s0 =	sadd.s32 $0x80, s0  }
0x256: {  	s7 =	sadd.s32 $0x1, s7;
	v2 =	vld [tilespmem:s0+$0x0]  }
0x257: {  	_ =	sdelay $0x2  }
0x258: {  	vm8 =	veq.s32 v1, s3  }
0x259: {  	v1 =	vsel vm8, $0xC0000000, v2  }
0x25a: {  	[tilespmem:s0+$0x0] =	vst v1  }
0x25b: {  	s31 =	simm.s32 $0xB0;
	v1 =	vld [tilespmem:$0x17AB0]  }
0x25c: {  	s0 =	simm.s32 $0x4C0;
	v2 =	vld [tilespmem:s31+$0x17A80]  }
.LBB2_69:
0x25d: {  	p2 =	sne.s32 s0, $0xC6C0  }
.Ltmp36:
0x25e: {  	_ = 	snop;
	(pc) =	sbr.rel @p2 .LBB2_69-.Ltmp36, $3  }
0x25f: {  	_ =	sdelay $0x1  }
0x260: {  	s3 =	sshra.s32 s0, $0x2;
	s0 =	sadd.s32 $0x200, s0;
	v1 =	vmax.f32 v1, v2  }
0x261: {  	v2 =	vld [tilespmem:s3+$0x17A80]  }
0x262: {  	s0 =	simm.s32 $0x17AB0  }
0x263: {  	v3 =	vld [tilespmem:s0+$0x0];
	_ =	sdelay $0x3  }
0x264: {  	s3 =	simm.s32 $0x0;
	v2 =	vmax.f32 v1, v2  }
0x265: {  	s7 =	simm.s32 $0x1;
	s23 =	simm.s32 $0x17B30;
	v1 =	vimm.s32 $0x3B9ACA00;
	vm8 =	veq.f32 v3, v2;
	v3 =	vmov s3  }
.LBB2_71:
0x266: {  	v4 =	vld [tilespmem:s23+$0x0];
	p2 =	sne.s32 s7, $0x63;
	v3 =	vnsel vm8, $0x3B9ACA00, v3;
	s12 =	smov.u32 s7;
	s7 =	sadd.s32 $0x1, s7  }
.Ltmp37:
0x267: {  	vm8 =	vlt.s32 v1, v3;
	(pc) =	sbr.rel @p2 .LBB2_71-.Ltmp37, $2  }
0x268: {  	v1 =	vsel vm8, v1, v3;
	_ =	sdelay $0x2  }
0x269: {  	s23 =	sadd.s32 $0x80, s23;
	v3 =	vmov s12;
	vm8 =	veq.f32 v4, v2  }
0x26a: {  	v2 =	vnsel vm8, $0x3B9ACA00, v3  }
0x26b: {  	vm8 =	vlt.s32 v1, v2  }
0x26c: {  	s7 =	simm.s32 $0x1;
	v1 =	vsel vm8, v1, v2;
	v2 =	vld [tilespmem:s0+$0x0]  }
.LBB2_73:
0x26d: {  	p2 =	sne.s32 s7, $0x63;
	_ =	sdelay $0x1  }
.Ltmp38:
0x26e: {  	(pc) =	sbr.rel @p2 .LBB2_73-.Ltmp38, $4  }
0x26f: {  	vm8 =	veq.s32 v1, s3;
	s3 =	smov.u32 s7  }
0x270: {  	v2 =	vsel vm8, $0xC0000000, v2  }
0x271: {  	[tilespmem:s0+$0x0] =	vst v2;
	s0 =	sadd.s32 $0x80, s0  }
0x272: {  	s7 =	sadd.s32 $0x1, s7;
	v2 =	vld [tilespmem:s0+$0x0]  }
0x273: {  	_ =	sdelay $0x2  }
0x274: {  	vm8 =	veq.s32 v1, s3  }
0x275: {  	v1 =	vsel vm8, $0xC0000000, v2  }
0x276: {  	[tilespmem:s0+$0x0] =	vst v1  }
0x277: {  	s31 =	simm.s32 $0xC0;
	v1 =	vld [tilespmem:$0x17AC0]  }
0x278: {  	s0 =	simm.s32 $0x500;
	v2 =	vld [tilespmem:s31+$0x17A80]  }
.LBB2_75:
0x279: {  	p2 =	sne.s32 s0, $0xC700  }
.Ltmp39:
0x27a: {  	_ = 	snop;
	(pc) =	sbr.rel @p2 .LBB2_75-.Ltmp39, $3  }
0x27b: {  	_ =	sdelay $0x1  }
0x27c: {  	s3 =	sshra.s32 s0, $0x2;
	s0 =	sadd.s32 $0x200, s0;
	v1 =	vmax.f32 v1, v2  }
0x27d: {  	v2 =	vld [tilespmem:s3+$0x17A80]  }
0x27e: {  	s0 =	simm.s32 $0x17AC0  }
0x27f: {  	v3 =	vld [tilespmem:s0+$0x0];
	_ =	sdelay $0x3  }
0x280: {  	s3 =	simm.s32 $0x0;
	v2 =	vmax.f32 v1, v2  }
0x281: {  	s7 =	simm.s32 $0x1;
	s23 =	simm.s32 $0x17B40;
	v1 =	vimm.s32 $0x3B9ACA00;
	vm8 =	veq.f32 v3, v2;
	v3 =	vmov s3  }
.LBB2_77:
0x282: {  	v4 =	vld [tilespmem:s23+$0x0];
	p2 =	sne.s32 s7, $0x63;
	v3 =	vnsel vm8, $0x3B9ACA00, v3;
	s12 =	smov.u32 s7;
	s7 =	sadd.s32 $0x1, s7  }
.Ltmp40:
0x283: {  	vm8 =	vlt.s32 v1, v3;
	(pc) =	sbr.rel @p2 .LBB2_77-.Ltmp40, $2  }
0x284: {  	v1 =	vsel vm8, v1, v3;
	_ =	sdelay $0x2  }
0x285: {  	s23 =	sadd.s32 $0x80, s23;
	v3 =	vmov s12;
	vm8 =	veq.f32 v4, v2  }
0x286: {  	v2 =	vnsel vm8, $0x3B9ACA00, v3  }
0x287: {  	vm8 =	vlt.s32 v1, v2  }
0x288: {  	s7 =	simm.s32 $0x1;
	v1 =	vsel vm8, v1, v2;
	v2 =	vld [tilespmem:s0+$0x0]  }
.LBB2_79:
0x289: {  	p2 =	sne.s32 s7, $0x63;
	_ =	sdelay $0x1  }
.Ltmp41:
0x28a: {  	(pc) =	sbr.rel @p2 .LBB2_79-.Ltmp41, $4  }
0x28b: {  	vm8 =	veq.s32 v1, s3;
	s3 =	smov.u32 s7  }
0x28c: {  	v2 =	vsel vm8, $0xC0000000, v2  }
0x28d: {  	[tilespmem:s0+$0x0] =	vst v2;
	s0 =	sadd.s32 $0x80, s0  }
0x28e: {  	s7 =	sadd.s32 $0x1, s7;
	v2 =	vld [tilespmem:s0+$0x0]  }
0x28f: {  	_ =	sdelay $0x2  }
0x290: {  	vm8 =	veq.s32 v1, s3  }
0x291: {  	v1 =	vsel vm8, $0xC0000000, v2  }
0x292: {  	[tilespmem:s0+$0x0] =	vst v1  }
0x293: {  	s31 =	simm.s32 $0xD0;
	v1 =	vld [tilespmem:$0x17AD0]  }
0x294: {  	s0 =	simm.s32 $0x540;
	v2 =	vld [tilespmem:s31+$0x17A80]  }
.LBB2_81:
0x295: {  	p2 =	sne.s32 s0, $0xC740  }
.Ltmp42:
0x296: {  	_ = 	snop;
	(pc) =	sbr.rel @p2 .LBB2_81-.Ltmp42, $3  }
0x297: {  	_ =	sdelay $0x1  }
0x298: {  	s3 =	sshra.s32 s0, $0x2;
	s0 =	sadd.s32 $0x200, s0;
	v1 =	vmax.f32 v1, v2  }
0x299: {  	v2 =	vld [tilespmem:s3+$0x17A80]  }
0x29a: {  	s0 =	simm.s32 $0x17AD0  }
0x29b: {  	v3 =	vld [tilespmem:s0+$0x0];
	_ =	sdelay $0x3  }
0x29c: {  	s3 =	simm.s32 $0x0;
	v2 =	vmax.f32 v1, v2  }
0x29d: {  	s7 =	simm.s32 $0x1;
	s23 =	simm.s32 $0x17B50;
	v1 =	vimm.s32 $0x3B9ACA00;
	vm8 =	veq.f32 v3, v2;
	v3 =	vmov s3  }
.LBB2_83:
0x29e: {  	v4 =	vld [tilespmem:s23+$0x0];
	p2 =	sne.s32 s7, $0x63;
	v3 =	vnsel vm8, $0x3B9ACA00, v3;
	s12 =	smov.u32 s7;
	s7 =	sadd.s32 $0x1, s7  }
.Ltmp43:
0x29f: {  	vm8 =	vlt.s32 v1, v3;
	(pc) =	sbr.rel @p2 .LBB2_83-.Ltmp43, $2  }
0x2a0: {  	v1 =	vsel vm8, v1, v3;
	_ =	sdelay $0x2  }
0x2a1: {  	s23 =	sadd.s32 $0x80, s23;
	v3 =	vmov s12;
	vm8 =	veq.f32 v4, v2  }
0x2a2: {  	v2 =	vnsel vm8, $0x3B9ACA00, v3  }
0x2a3: {  	vm8 =	vlt.s32 v1, v2  }
0x2a4: {  	s7 =	simm.s32 $0x1;
	v1 =	vsel vm8, v1, v2;
	v2 =	vld [tilespmem:s0+$0x0]  }
.LBB2_85:
0x2a5: {  	p2 =	sne.s32 s7, $0x63;
	_ =	sdelay $0x1  }
.Ltmp44:
0x2a6: {  	(pc) =	sbr.rel @p2 .LBB2_85-.Ltmp44, $4  }
0x2a7: {  	vm8 =	veq.s32 v1, s3;
	s3 =	smov.u32 s7  }
0x2a8: {  	v2 =	vsel vm8, $0xC0000000, v2  }
0x2a9: {  	[tilespmem:s0+$0x0] =	vst v2;
	s0 =	sadd.s32 $0x80, s0  }
0x2aa: {  	s7 =	sadd.s32 $0x1, s7;
	v2 =	vld [tilespmem:s0+$0x0]  }
0x2ab: {  	_ =	sdelay $0x2  }
0x2ac: {  	vm8 =	veq.s32 v1, s3  }
0x2ad: {  	v1 =	vsel vm8, $0xC0000000, v2  }
0x2ae: {  	[tilespmem:s0+$0x0] =	vst v1  }
0x2af: {  	s31 =	simm.s32 $0xE0;
	v1 =	vld [tilespmem:$0x17AE0]  }
0x2b0: {  	s0 =	simm.s32 $0x580;
	v2 =	vld [tilespmem:s31+$0x17A80]  }
.LBB2_87:
0x2b1: {  	p2 =	sne.s32 s0, $0xC780  }
.Ltmp45:
0x2b2: {  	_ = 	snop;
	(pc) =	sbr.rel @p2 .LBB2_87-.Ltmp45, $3  }
0x2b3: {  	_ =	sdelay $0x1  }
0x2b4: {  	s3 =	sshra.s32 s0, $0x2;
	s0 =	sadd.s32 $0x200, s0;
	v1 =	vmax.f32 v1, v2  }
0x2b5: {  	v2 =	vld [tilespmem:s3+$0x17A80]  }
0x2b6: {  	s0 =	simm.s32 $0x17AE0  }
0x2b7: {  	v3 =	vld [tilespmem:s0+$0x0];
	_ =	sdelay $0x3  }
0x2b8: {  	s3 =	simm.s32 $0x0;
	v2 =	vmax.f32 v1, v2  }
0x2b9: {  	s7 =	simm.s32 $0x1;
	s23 =	simm.s32 $0x17B60;
	v1 =	vimm.s32 $0x3B9ACA00;
	vm8 =	veq.f32 v3, v2;
	v3 =	vmov s3  }
.LBB2_89:
0x2ba: {  	v4 =	vld [tilespmem:s23+$0x0];
	p2 =	sne.s32 s7, $0x63;
	v3 =	vnsel vm8, $0x3B9ACA00, v3;
	s12 =	smov.u32 s7;
	s7 =	sadd.s32 $0x1, s7  }
.Ltmp46:
0x2bb: {  	vm8 =	vlt.s32 v1, v3;
	(pc) =	sbr.rel @p2 .LBB2_89-.Ltmp46, $2  }
0x2bc: {  	v1 =	vsel vm8, v1, v3;
	_ =	sdelay $0x2  }
0x2bd: {  	s23 =	sadd.s32 $0x80, s23;
	v3 =	vmov s12;
	vm8 =	veq.f32 v4, v2  }
0x2be: {  	v2 =	vnsel vm8, $0x3B9ACA00, v3  }
0x2bf: {  	vm8 =	vlt.s32 v1, v2  }
0x2c0: {  	s7 =	simm.s32 $0x1;
	v1 =	vsel vm8, v1, v2;
	v2 =	vld [tilespmem:s0+$0x0]  }
.LBB2_91:
0x2c1: {  	p2 =	sne.s32 s7, $0x63;
	_ =	sdelay $0x1  }
.Ltmp47:
0x2c2: {  	(pc) =	sbr.rel @p2 .LBB2_91-.Ltmp47, $4  }
0x2c3: {  	vm8 =	veq.s32 v1, s3;
	s3 =	smov.u32 s7  }
0x2c4: {  	v2 =	vsel vm8, $0xC0000000, v2  }
0x2c5: {  	[tilespmem:s0+$0x0] =	vst v2;
	s0 =	sadd.s32 $0x80, s0  }
0x2c6: {  	s7 =	sadd.s32 $0x1, s7;
	v2 =	vld [tilespmem:s0+$0x0]  }
0x2c7: {  	_ =	sdelay $0x2  }
0x2c8: {  	vm8 =	veq.s32 v1, s3  }
0x2c9: {  	v1 =	vsel vm8, $0xC0000000, v2  }
0x2ca: {  	[tilespmem:s0+$0x0] =	vst v1  }
0x2cb: {  	s31 =	simm.s32 $0xF0;
	v1 =	vld [tilespmem:$0x17AF0]  }
0x2cc: {  	s0 =	simm.s32 $0x5C0;
	v2 =	vld [tilespmem:s31+$0x17A80]  }
.LBB2_93:
0x2cd: {  	p2 =	sne.s32 s0, $0xC7C0  }
.Ltmp48:
0x2ce: {  	_ = 	snop;
	(pc) =	sbr.rel @p2 .LBB2_93-.Ltmp48, $3  }
0x2cf: {  	_ =	sdelay $0x1  }
0x2d0: {  	s3 =	sshra.s32 s0, $0x2;
	s0 =	sadd.s32 $0x200, s0;
	v1 =	vmax.f32 v1, v2  }
0x2d1: {  	v2 =	vld [tilespmem:s3+$0x17A80]  }
0x2d2: {  	s0 =	simm.s32 $0x17AF0  }
0x2d3: {  	v3 =	vld [tilespmem:s0+$0x0];
	_ =	sdelay $0x3  }
0x2d4: {  	s3 =	simm.s32 $0x0;
	v2 =	vmax.f32 v1, v2  }
0x2d5: {  	s7 =	simm.s32 $0x1;
	s23 =	simm.s32 $0x17B70;
	v1 =	vimm.s32 $0x3B9ACA00;
	vm8 =	veq.f32 v3, v2;
	v3 =	vmov s3  }
.LBB2_95:
0x2d6: {  	v4 =	vld [tilespmem:s23+$0x0];
	p2 =	sne.s32 s7, $0x63;
	v3 =	vnsel vm8, $0x3B9ACA00, v3;
	s12 =	smov.u32 s7;
	s7 =	sadd.s32 $0x1, s7  }
.Ltmp49:
0x2d7: {  	vm8 =	vlt.s32 v1, v3;
	(pc) =	sbr.rel @p2 .LBB2_95-.Ltmp49, $2  }
0x2d8: {  	v1 =	vsel vm8, v1, v3;
	_ =	sdelay $0x2  }
0x2d9: {  	s23 =	sadd.s32 $0x80, s23;
	v3 =	vmov s12;
	vm8 =	veq.f32 v4, v2  }
0x2da: {  	v2 =	vnsel vm8, $0x3B9ACA00, v3  }
0x2db: {  	vm8 =	vlt.s32 v1, v2  }
0x2dc: {  	s7 =	simm.s32 $0x1;
	v1 =	vsel vm8, v1, v2;
	v2 =	vld [tilespmem:s0+$0x0]  }
.LBB2_97:
0x2dd: {  	p2 =	sne.s32 s7, $0x63;
	_ =	sdelay $0x1  }
.Ltmp50:
0x2de: {  	(pc) =	sbr.rel @p2 .LBB2_97-.Ltmp50, $4  }
0x2df: {  	vm8 =	veq.s32 v1, s3;
	s3 =	smov.u32 s7  }
0x2e0: {  	v2 =	vsel vm8, $0xC0000000, v2  }
0x2e1: {  	[tilespmem:s0+$0x0] =	vst v2;
	s0 =	sadd.s32 $0x80, s0  }
0x2e2: {  	s7 =	sadd.s32 $0x1, s7;
	v2 =	vld [tilespmem:s0+$0x0]  }
0x2e3: {  	s28 =	sadd.s32 $0x1, s28  }
0x2e4: {  	p2 =	sne.s32 s28, $0x4  }
.Ltmp51:
0x2e5: {  	_ = 	snop;
	(pc) =	sbr.rel @p2 .LBB2_50-.Ltmp51, $4  }
0x2e6: {  	_ = 	snop  }
0x2e7: {  	vm8 =	veq.s32 v1, s3  }
0x2e8: {  	v1 =	vsel vm8, $0xC0000000, v2  }
0x2e9: {  	[tilespmem:s0+$0x0] =	vst v1  }
0x2ea: {  	s28 =	simm.s32 $0x0;
	s29 =	simm.s32 $0x17C80  }
.LBB2_100:
0x2eb: {  	s30 =	sadd.s32 s28, s15  }
0x2ec: {  	[tilespmem:s21], [sflag:$0x3] =	stream.linear.gather [hbm4b:s30+s4], $0x400, $0x38;
	[tilespmem:$0x1AF00] =	vst v63  }
0x2ed: {  	_ =	swait.ge [sflag:s22], $0x400  }
0x2ee: {  	[sflag:s22] =	ssyncset.done $0x0  }
0x2ef: {  	[sflag:s22] =	ssyncadd.s32 $0xFFFFFC00  }
0x2f0: {  	v1 =	vld [tilespmem:s29+$0xFFFFFE00];
	_ =	sdelay $0x1  }
0x2f1: {  	v2 =	vld [tilespmem:$0x17400];
	_ =	sdelay $0x2  }
0x2f2: {  	vm8 =	veq.f32 v1, $-2.000000000e+00  }
0x2f3: {  	v1 =	vsel vm8, $0x3F800000, v0  }
0x2f4: {  	v1 =	vsel vm7, v1, v2  }
0x2f5: {  	[tilespmem:$0x17400] =	vst v1  }
0x2f6: {  	v1 =	vld [tilespmem:s29+$0xFFFFFE80];
	_ =	sdelay $0x1  }
0x2f7: {  	v2 =	vld [tilespmem:$0x17480];
	_ =	sdelay $0x2  }
0x2f8: {  	vm8 =	veq.f32 v1, $-2.000000000e+00  }
0x2f9: {  	v1 =	vsel vm8, $0x3F800000, v0  }
0x2fa: {  	v1 =	vsel vm7, v1, v2  }
0x2fb: {  	[tilespmem:$0x17480] =	vst v1  }
0x2fc: {  	v1 =	vld [tilespmem:s29+$0xFFFFFF00];
	_ =	sdelay $0x1  }
0x2fd: {  	v2 =	vld [tilespmem:$0x17500];
	_ =	sdelay $0x2  }
0x2fe: {  	vm8 =	veq.f32 v1, $-2.000000000e+00  }
0x2ff: {  	v1 =	vsel vm8, $0x3F800000, v0  }
0x300: {  	v1 =	vsel vm7, v1, v2  }
0x301: {  	[tilespmem:$0x17500] =	vst v1  }
0x302: {  	v1 =	vld [tilespmem:s29+$0xFFFFFF80];
	_ =	sdelay $0x1  }
0x303: {  	v2 =	vld [tilespmem:$0x17580];
	_ =	sdelay $0x2  }
0x304: {  	vm8 =	veq.f32 v1, $-2.000000000e+00  }
0x305: {  	v1 =	vsel vm8, $0x3F800000, v0  }
0x306: {  	v1 =	vsel vm7, v1, v2  }
0x307: {  	[tilespmem:$0x17580] =	vst v1  }
0x308: {  	v1 =	vld [tilespmem:s29+$0x0];
	_ =	sdelay $0x1  }
0x309: {  	v2 =	vld [tilespmem:$0x17600];
	_ =	sdelay $0x2  }
0x30a: {  	vm8 =	veq.f32 v1, $-2.000000000e+00  }
0x30b: {  	v1 =	vsel vm8, $0x3F800000, v0  }
0x30c: {  	v1 =	vsel vm7, v1, v2  }
0x30d: {  	[tilespmem:$0x17600] =	vst v1  }
0x30e: {  	v1 =	vld [tilespmem:s29+$0x80];
	_ =	sdelay $0x1  }
0x30f: {  	v2 =	vld [tilespmem:$0x17680];
	_ =	sdelay $0x2  }
0x310: {  	vm8 =	veq.f32 v1, $-2.000000000e+00  }
0x311: {  	v1 =	vsel vm8, $0x3F800000, v0  }
0x312: {  	v1 =	vsel vm7, v1, v2  }
0x313: {  	[tilespmem:$0x17680] =	vst v1  }
0x314: {  	v1 =	vld [tilespmem:s29+$0x100];
	_ =	sdelay $0x1  }
0x315: {  	v2 =	vld [tilespmem:$0x17700];
	_ =	sdelay $0x2  }
0x316: {  	vm8 =	veq.f32 v1, $-2.000000000e+00  }
0x317: {  	v1 =	vsel vm8, $0x3F800000, v0  }
0x318: {  	v1 =	vsel vm7, v1, v2  }
0x319: {  	[tilespmem:$0x17700] =	vst v1  }
0x31a: {  	v1 =	vld [tilespmem:s29+$0x180];
	_ =	sdelay $0x1  }
0x31b: {  	v2 =	vld [tilespmem:$0x17780];
	_ =	sdelay $0x2  }
0x31c: {  	vm8 =	veq.f32 v1, $-2.000000000e+00  }
0x31d: {  	v1 =	vsel vm8, $0x3F800000, v0  }
0x31e: {  	v1 =	vsel vm7, v1, v2  }
0x31f: {  	[tilespmem:$0x17780] =	vst v1  }
0x320: {  	v1 =	vld [tilespmem:s29+$0xFFFFFE10];
	_ =	sdelay $0x1  }
0x321: {  	v2 =	vld [tilespmem:$0x17410];
	_ =	sdelay $0x2  }
0x322: {  	vm8 =	veq.f32 v1, $-2.000000000e+00  }
0x323: {  	v1 =	vsel vm8, $0x3F800000, v0  }
0x324: {  	v1 =	vsel vm6, v1, v2  }
0x325: {  	[tilespmem:$0x17410] =	vst v1  }
0x326: {  	v1 =	vld [tilespmem:s29+$0xFFFFFE90];
	_ =	sdelay $0x1  }
0x327: {  	v2 =	vld [tilespmem:$0x17490];
	_ =	sdelay $0x2  }
0x328: {  	vm8 =	veq.f32 v1, $-2.000000000e+00  }
0x329: {  	v1 =	vsel vm8, $0x3F800000, v0  }
0x32a: {  	v1 =	vsel vm6, v1, v2  }
0x32b: {  	[tilespmem:$0x17490] =	vst v1  }
0x32c: {  	v1 =	vld [tilespmem:s29+$0xFFFFFF10];
	_ =	sdelay $0x1  }
0x32d: {  	v2 =	vld [tilespmem:$0x17510];
	_ =	sdelay $0x2  }
0x32e: {  	vm8 =	veq.f32 v1, $-2.000000000e+00  }
0x32f: {  	v1 =	vsel vm8, $0x3F800000, v0  }
0x330: {  	v1 =	vsel vm6, v1, v2  }
0x331: {  	[tilespmem:$0x17510] =	vst v1  }
0x332: {  	v1 =	vld [tilespmem:s29+$0xFFFFFF90];
	_ =	sdelay $0x1  }
0x333: {  	v2 =	vld [tilespmem:$0x17590];
	_ =	sdelay $0x2  }
0x334: {  	vm8 =	veq.f32 v1, $-2.000000000e+00  }
0x335: {  	v1 =	vsel vm8, $0x3F800000, v0  }
0x336: {  	v1 =	vsel vm6, v1, v2  }
0x337: {  	[tilespmem:$0x17590] =	vst v1  }
0x338: {  	v1 =	vld [tilespmem:s29+$0x10];
	_ =	sdelay $0x1  }
0x339: {  	v2 =	vld [tilespmem:$0x17610];
	_ =	sdelay $0x2  }
0x33a: {  	vm8 =	veq.f32 v1, $-2.000000000e+00  }
0x33b: {  	v1 =	vsel vm8, $0x3F800000, v0  }
0x33c: {  	v1 =	vsel vm6, v1, v2  }
0x33d: {  	[tilespmem:$0x17610] =	vst v1  }
0x33e: {  	v1 =	vld [tilespmem:s29+$0x90];
	_ =	sdelay $0x1  }
0x33f: {  	v2 =	vld [tilespmem:$0x17690];
	_ =	sdelay $0x2  }
0x340: {  	vm8 =	veq.f32 v1, $-2.000000000e+00  }
0x341: {  	v1 =	vsel vm8, $0x3F800000, v0  }
0x342: {  	v1 =	vsel vm6, v1, v2  }
0x343: {  	[tilespmem:$0x17690] =	vst v1  }
0x344: {  	v1 =	vld [tilespmem:s29+$0x110];
	_ =	sdelay $0x1  }
0x345: {  	v2 =	vld [tilespmem:$0x17710];
	_ =	sdelay $0x2  }
0x346: {  	vm8 =	veq.f32 v1, $-2.000000000e+00  }
0x347: {  	v1 =	vsel vm8, $0x3F800000, v0  }
0x348: {  	v1 =	vsel vm6, v1, v2  }
0x349: {  	[tilespmem:$0x17710] =	vst v1  }
0x34a: {  	v1 =	vld [tilespmem:s29+$0x190];
	_ =	sdelay $0x1  }
0x34b: {  	v2 =	vld [tilespmem:$0x17790];
	_ =	sdelay $0x2  }
0x34c: {  	vm8 =	veq.f32 v1, $-2.000000000e+00  }
0x34d: {  	v1 =	vsel vm8, $0x3F800000, v0  }
0x34e: {  	v1 =	vsel vm6, v1, v2  }
0x34f: {  	[tilespmem:$0x17790] =	vst v1  }
0x350: {  	v1 =	vld [tilespmem:s29+$0xFFFFFE20];
	_ =	sdelay $0x1  }
0x351: {  	v2 =	vld [tilespmem:$0x17420];
	_ =	sdelay $0x2  }
0x352: {  	vm8 =	veq.f32 v1, $-2.000000000e+00  }
0x353: {  	v1 =	vsel vm8, $0x3F800000, v0  }
0x354: {  	v1 =	vsel vm5, v1, v2  }
0x355: {  	[tilespmem:$0x17420] =	vst v1  }
0x356: {  	v1 =	vld [tilespmem:s29+$0xFFFFFEA0];
	_ =	sdelay $0x1  }
0x357: {  	v2 =	vld [tilespmem:$0x174A0];
	_ =	sdelay $0x2  }
0x358: {  	vm8 =	veq.f32 v1, $-2.000000000e+00  }
0x359: {  	v1 =	vsel vm8, $0x3F800000, v0  }
0x35a: {  	v1 =	vsel vm5, v1, v2  }
0x35b: {  	[tilespmem:$0x174A0] =	vst v1  }
0x35c: {  	v1 =	vld [tilespmem:s29+$0xFFFFFF20];
	_ =	sdelay $0x1  }
0x35d: {  	v2 =	vld [tilespmem:$0x17520];
	_ =	sdelay $0x2  }
0x35e: {  	vm8 =	veq.f32 v1, $-2.000000000e+00  }
0x35f: {  	v1 =	vsel vm8, $0x3F800000, v0  }
0x360: {  	v1 =	vsel vm5, v1, v2  }
0x361: {  	[tilespmem:$0x17520] =	vst v1  }
0x362: {  	v1 =	vld [tilespmem:s29+$0xFFFFFFA0];
	_ =	sdelay $0x1  }
0x363: {  	v2 =	vld [tilespmem:$0x175A0];
	_ =	sdelay $0x2  }
0x364: {  	vm8 =	veq.f32 v1, $-2.000000000e+00  }
0x365: {  	v1 =	vsel vm8, $0x3F800000, v0  }
0x366: {  	v1 =	vsel vm5, v1, v2  }
0x367: {  	[tilespmem:$0x175A0] =	vst v1  }
0x368: {  	v1 =	vld [tilespmem:s29+$0x20];
	_ =	sdelay $0x1  }
0x369: {  	v2 =	vld [tilespmem:$0x17620];
	_ =	sdelay $0x2  }
0x36a: {  	vm8 =	veq.f32 v1, $-2.000000000e+00  }
0x36b: {  	v1 =	vsel vm8, $0x3F800000, v0  }
0x36c: {  	v1 =	vsel vm5, v1, v2  }
0x36d: {  	[tilespmem:$0x17620] =	vst v1  }
0x36e: {  	v1 =	vld [tilespmem:s29+$0xA0];
	_ =	sdelay $0x1  }
0x36f: {  	v2 =	vld [tilespmem:$0x176A0];
	_ =	sdelay $0x2  }
0x370: {  	vm8 =	veq.f32 v1, $-2.000000000e+00  }
0x371: {  	v1 =	vsel vm8, $0x3F800000, v0  }
0x372: {  	v1 =	vsel vm5, v1, v2  }
0x373: {  	[tilespmem:$0x176A0] =	vst v1  }
0x374: {  	v1 =	vld [tilespmem:s29+$0x120];
	_ =	sdelay $0x1  }
0x375: {  	v2 =	vld [tilespmem:$0x17720];
	_ =	sdelay $0x2  }
0x376: {  	vm8 =	veq.f32 v1, $-2.000000000e+00  }
0x377: {  	v1 =	vsel vm8, $0x3F800000, v0  }
0x378: {  	v1 =	vsel vm5, v1, v2  }
0x379: {  	[tilespmem:$0x17720] =	vst v1  }
0x37a: {  	v1 =	vld [tilespmem:s29+$0x1A0];
	_ =	sdelay $0x1  }
0x37b: {  	v2 =	vld [tilespmem:$0x177A0];
	_ =	sdelay $0x2  }
0x37c: {  	vm8 =	veq.f32 v1, $-2.000000000e+00  }
0x37d: {  	v1 =	vsel vm8, $0x3F800000, v0  }
0x37e: {  	v1 =	vsel vm5, v1, v2  }
0x37f: {  	[tilespmem:$0x177A0] =	vst v1  }
0x380: {  	v1 =	vld [tilespmem:s29+$0xFFFFFE30];
	_ =	sdelay $0x1  }
0x381: {  	v2 =	vld [tilespmem:$0x17430];
	_ =	sdelay $0x2  }
0x382: {  	vm8 =	veq.f32 v1, $-2.000000000e+00  }
0x383: {  	v1 =	vsel vm8, $0x3F800000, v0  }
0x384: {  	v1 =	vsel vm4, v1, v2  }
0x385: {  	[tilespmem:$0x17430] =	vst v1  }
0x386: {  	v1 =	vld [tilespmem:s29+$0xFFFFFEB0];
	_ =	sdelay $0x1  }
0x387: {  	v2 =	vld [tilespmem:$0x174B0];
	_ =	sdelay $0x2  }
0x388: {  	vm8 =	veq.f32 v1, $-2.000000000e+00  }
0x389: {  	v1 =	vsel vm8, $0x3F800000, v0  }
0x38a: {  	v1 =	vsel vm4, v1, v2  }
0x38b: {  	[tilespmem:$0x174B0] =	vst v1  }
0x38c: {  	v1 =	vld [tilespmem:s29+$0xFFFFFF30];
	_ =	sdelay $0x1  }
0x38d: {  	v2 =	vld [tilespmem:$0x17530];
	_ =	sdelay $0x2  }
0x38e: {  	vm8 =	veq.f32 v1, $-2.000000000e+00  }
0x38f: {  	v1 =	vsel vm8, $0x3F800000, v0  }
0x390: {  	v1 =	vsel vm4, v1, v2  }
0x391: {  	[tilespmem:$0x17530] =	vst v1  }
0x392: {  	v1 =	vld [tilespmem:s29+$0xFFFFFFB0];
	_ =	sdelay $0x1  }
0x393: {  	v2 =	vld [tilespmem:$0x175B0];
	_ =	sdelay $0x2  }
0x394: {  	vm8 =	veq.f32 v1, $-2.000000000e+00  }
0x395: {  	v1 =	vsel vm8, $0x3F800000, v0  }
0x396: {  	v1 =	vsel vm4, v1, v2  }
0x397: {  	[tilespmem:$0x175B0] =	vst v1  }
0x398: {  	v1 =	vld [tilespmem:s29+$0x30];
	_ =	sdelay $0x1  }
0x399: {  	v2 =	vld [tilespmem:$0x17630];
	_ =	sdelay $0x2  }
0x39a: {  	vm8 =	veq.f32 v1, $-2.000000000e+00  }
0x39b: {  	v1 =	vsel vm8, $0x3F800000, v0  }
0x39c: {  	v1 =	vsel vm4, v1, v2  }
0x39d: {  	[tilespmem:$0x17630] =	vst v1  }
0x39e: {  	v1 =	vld [tilespmem:s29+$0xB0];
	_ =	sdelay $0x1  }
0x39f: {  	v2 =	vld [tilespmem:$0x176B0];
	_ =	sdelay $0x2  }
0x3a0: {  	vm8 =	veq.f32 v1, $-2.000000000e+00  }
0x3a1: {  	v1 =	vsel vm8, $0x3F800000, v0  }
0x3a2: {  	v1 =	vsel vm4, v1, v2  }
0x3a3: {  	[tilespmem:$0x176B0] =	vst v1  }
0x3a4: {  	v1 =	vld [tilespmem:s29+$0x130];
	_ =	sdelay $0x1  }
0x3a5: {  	v2 =	vld [tilespmem:$0x17730];
	_ =	sdelay $0x2  }
0x3a6: {  	vm8 =	veq.f32 v1, $-2.000000000e+00  }
0x3a7: {  	v1 =	vsel vm8, $0x3F800000, v0  }
0x3a8: {  	v1 =	vsel vm4, v1, v2  }
0x3a9: {  	[tilespmem:$0x17730] =	vst v1  }
0x3aa: {  	v1 =	vld [tilespmem:s29+$0x1B0];
	_ =	sdelay $0x1  }
0x3ab: {  	v2 =	vld [tilespmem:$0x177B0];
	_ =	sdelay $0x2  }
0x3ac: {  	vm8 =	veq.f32 v1, $-2.000000000e+00  }
0x3ad: {  	v1 =	vsel vm8, $0x3F800000, v0  }
0x3ae: {  	v1 =	vsel vm4, v1, v2  }
0x3af: {  	[tilespmem:$0x177B0] =	vst v1  }
0x3b0: {  	v1 =	vld [tilespmem:s29+$0xFFFFFE40];
	_ =	sdelay $0x1  }
0x3b1: {  	v2 =	vld [tilespmem:$0x17440];
	_ =	sdelay $0x2  }
0x3b2: {  	vm8 =	veq.f32 v1, $-2.000000000e+00  }
0x3b3: {  	v1 =	vsel vm8, $0x3F800000, v0  }
0x3b4: {  	v1 =	vsel vm3, v1, v2  }
0x3b5: {  	[tilespmem:$0x17440] =	vst v1  }
0x3b6: {  	v1 =	vld [tilespmem:s29+$0xFFFFFEC0];
	_ =	sdelay $0x1  }
0x3b7: {  	v2 =	vld [tilespmem:$0x174C0];
	_ =	sdelay $0x2  }
0x3b8: {  	vm8 =	veq.f32 v1, $-2.000000000e+00  }
0x3b9: {  	v1 =	vsel vm8, $0x3F800000, v0  }
0x3ba: {  	v1 =	vsel vm3, v1, v2  }
0x3bb: {  	[tilespmem:$0x174C0] =	vst v1  }
0x3bc: {  	v1 =	vld [tilespmem:s29+$0xFFFFFF40];
	_ =	sdelay $0x1  }
0x3bd: {  	v2 =	vld [tilespmem:$0x17540];
	_ =	sdelay $0x2  }
0x3be: {  	vm8 =	veq.f32 v1, $-2.000000000e+00  }
0x3bf: {  	v1 =	vsel vm8, $0x3F800000, v0  }
0x3c0: {  	v1 =	vsel vm3, v1, v2  }
0x3c1: {  	[tilespmem:$0x17540] =	vst v1  }
0x3c2: {  	v1 =	vld [tilespmem:s29+$0xFFFFFFC0];
	_ =	sdelay $0x1  }
0x3c3: {  	v2 =	vld [tilespmem:$0x175C0];
	_ =	sdelay $0x2  }
0x3c4: {  	vm8 =	veq.f32 v1, $-2.000000000e+00  }
0x3c5: {  	v1 =	vsel vm8, $0x3F800000, v0  }
0x3c6: {  	v1 =	vsel vm3, v1, v2  }
0x3c7: {  	[tilespmem:$0x175C0] =	vst v1  }
0x3c8: {  	v1 =	vld [tilespmem:s29+$0x40];
	_ =	sdelay $0x1  }
0x3c9: {  	v2 =	vld [tilespmem:$0x17640];
	_ =	sdelay $0x2  }
0x3ca: {  	vm8 =	veq.f32 v1, $-2.000000000e+00  }
0x3cb: {  	v1 =	vsel vm8, $0x3F800000, v0  }
0x3cc: {  	v1 =	vsel vm3, v1, v2  }
0x3cd: {  	[tilespmem:$0x17640] =	vst v1  }
0x3ce: {  	v1 =	vld [tilespmem:s29+$0xC0];
	_ =	sdelay $0x1  }
0x3cf: {  	v2 =	vld [tilespmem:$0x176C0];
	_ =	sdelay $0x2  }
0x3d0: {  	vm8 =	veq.f32 v1, $-2.000000000e+00  }
0x3d1: {  	v1 =	vsel vm8, $0x3F800000, v0  }
0x3d2: {  	v1 =	vsel vm3, v1, v2  }
0x3d3: {  	[tilespmem:$0x176C0] =	vst v1  }
0x3d4: {  	v1 =	vld [tilespmem:s29+$0x140];
	_ =	sdelay $0x1  }
0x3d5: {  	v2 =	vld [tilespmem:$0x17740];
	_ =	sdelay $0x2  }
0x3d6: {  	vm8 =	veq.f32 v1, $-2.000000000e+00  }
0x3d7: {  	v1 =	vsel vm8, $0x3F800000, v0  }
0x3d8: {  	v1 =	vsel vm3, v1, v2  }
0x3d9: {  	[tilespmem:$0x17740] =	vst v1  }
0x3da: {  	v1 =	vld [tilespmem:s29+$0x1C0];
	_ =	sdelay $0x1  }
0x3db: {  	v2 =	vld [tilespmem:$0x177C0];
	_ =	sdelay $0x2  }
0x3dc: {  	vm8 =	veq.f32 v1, $-2.000000000e+00  }
0x3dd: {  	v1 =	vsel vm8, $0x3F800000, v0  }
0x3de: {  	v1 =	vsel vm3, v1, v2  }
0x3df: {  	[tilespmem:$0x177C0] =	vst v1  }
0x3e0: {  	v1 =	vld [tilespmem:s29+$0xFFFFFE50];
	_ =	sdelay $0x1  }
0x3e1: {  	v2 =	vld [tilespmem:$0x17450];
	_ =	sdelay $0x2  }
0x3e2: {  	vm8 =	veq.f32 v1, $-2.000000000e+00  }
0x3e3: {  	v1 =	vsel vm8, $0x3F800000, v0  }
0x3e4: {  	v1 =	vsel vm2, v1, v2  }
0x3e5: {  	[tilespmem:$0x17450] =	vst v1  }
0x3e6: {  	v1 =	vld [tilespmem:s29+$0xFFFFFED0];
	_ =	sdelay $0x1  }
0x3e7: {  	v2 =	vld [tilespmem:$0x174D0];
	_ =	sdelay $0x2  }
0x3e8: {  	vm8 =	veq.f32 v1, $-2.000000000e+00  }
0x3e9: {  	v1 =	vsel vm8, $0x3F800000, v0  }
0x3ea: {  	v1 =	vsel vm2, v1, v2  }
0x3eb: {  	[tilespmem:$0x174D0] =	vst v1  }
0x3ec: {  	v1 =	vld [tilespmem:s29+$0xFFFFFF50];
	_ =	sdelay $0x1  }
0x3ed: {  	v2 =	vld [tilespmem:$0x17550];
	_ =	sdelay $0x2  }
0x3ee: {  	vm8 =	veq.f32 v1, $-2.000000000e+00  }
0x3ef: {  	v1 =	vsel vm8, $0x3F800000, v0  }
0x3f0: {  	v1 =	vsel vm2, v1, v2  }
0x3f1: {  	[tilespmem:$0x17550] =	vst v1  }
0x3f2: {  	v1 =	vld [tilespmem:s29+$0xFFFFFFD0];
	_ =	sdelay $0x1  }
0x3f3: {  	v2 =	vld [tilespmem:$0x175D0];
	_ =	sdelay $0x2  }
0x3f4: {  	vm8 =	veq.f32 v1, $-2.000000000e+00  }
0x3f5: {  	v1 =	vsel vm8, $0x3F800000, v0  }
0x3f6: {  	v1 =	vsel vm2, v1, v2  }
0x3f7: {  	[tilespmem:$0x175D0] =	vst v1  }
0x3f8: {  	v1 =	vld [tilespmem:s29+$0x50];
	_ =	sdelay $0x1  }
0x3f9: {  	v2 =	vld [tilespmem:$0x17650];
	_ =	sdelay $0x2  }
0x3fa: {  	vm8 =	veq.f32 v1, $-2.000000000e+00  }
0x3fb: {  	v1 =	vsel vm8, $0x3F800000, v0  }
0x3fc: {  	v1 =	vsel vm2, v1, v2  }
0x3fd: {  	[tilespmem:$0x17650] =	vst v1  }
0x3fe: {  	v1 =	vld [tilespmem:s29+$0xD0];
	_ =	sdelay $0x1  }
0x3ff: {  	v2 =	vld [tilespmem:$0x176D0];
	_ =	sdelay $0x2  }
0x400: {  	vm8 =	veq.f32 v1, $-2.000000000e+00  }
0x401: {  	v1 =	vsel vm8, $0x3F800000, v0  }
0x402: {  	v1 =	vsel vm2, v1, v2  }
0x403: {  	[tilespmem:$0x176D0] =	vst v1  }
0x404: {  	v1 =	vld [tilespmem:s29+$0x150];
	_ =	sdelay $0x1  }
0x405: {  	v2 =	vld [tilespmem:$0x17750];
	_ =	sdelay $0x2  }
0x406: {  	vm8 =	veq.f32 v1, $-2.000000000e+00  }
0x407: {  	v1 =	vsel vm8, $0x3F800000, v0  }
0x408: {  	v1 =	vsel vm2, v1, v2  }
0x409: {  	[tilespmem:$0x17750] =	vst v1  }
0x40a: {  	v1 =	vld [tilespmem:s29+$0x1D0];
	_ =	sdelay $0x1  }
0x40b: {  	v2 =	vld [tilespmem:$0x177D0];
	_ =	sdelay $0x2  }
0x40c: {  	vm8 =	veq.f32 v1, $-2.000000000e+00  }
0x40d: {  	v1 =	vsel vm8, $0x3F800000, v0  }
0x40e: {  	v1 =	vsel vm2, v1, v2  }
0x40f: {  	[tilespmem:$0x177D0] =	vst v1  }
0x410: {  	v1 =	vld [tilespmem:s29+$0xFFFFFE60];
	_ =	sdelay $0x1  }
0x411: {  	v2 =	vld [tilespmem:$0x17460];
	_ =	sdelay $0x2  }
0x412: {  	vm8 =	veq.f32 v1, $-2.000000000e+00  }
0x413: {  	v1 =	vsel vm8, $0x3F800000, v0  }
0x414: {  	v1 =	vsel vm1, v1, v2  }
0x415: {  	[tilespmem:$0x17460] =	vst v1  }
0x416: {  	v1 =	vld [tilespmem:s29+$0xFFFFFEE0];
	_ =	sdelay $0x1  }
0x417: {  	v2 =	vld [tilespmem:$0x174E0];
	_ =	sdelay $0x2  }
0x418: {  	vm8 =	veq.f32 v1, $-2.000000000e+00  }
0x419: {  	v1 =	vsel vm8, $0x3F800000, v0  }
0x41a: {  	v1 =	vsel vm1, v1, v2  }
0x41b: {  	[tilespmem:$0x174E0] =	vst v1  }
0x41c: {  	v1 =	vld [tilespmem:s29+$0xFFFFFF60];
	_ =	sdelay $0x1  }
0x41d: {  	v2 =	vld [tilespmem:$0x17560];
	_ =	sdelay $0x2  }
0x41e: {  	vm8 =	veq.f32 v1, $-2.000000000e+00  }
0x41f: {  	v1 =	vsel vm8, $0x3F800000, v0  }
0x420: {  	v1 =	vsel vm1, v1, v2  }
0x421: {  	[tilespmem:$0x17560] =	vst v1  }
0x422: {  	v1 =	vld [tilespmem:s29+$0xFFFFFFE0];
	_ =	sdelay $0x1  }
0x423: {  	v2 =	vld [tilespmem:$0x175E0];
	_ =	sdelay $0x2  }
0x424: {  	vm8 =	veq.f32 v1, $-2.000000000e+00  }
0x425: {  	v1 =	vsel vm8, $0x3F800000, v0  }
0x426: {  	v1 =	vsel vm1, v1, v2  }
0x427: {  	[tilespmem:$0x175E0] =	vst v1  }
0x428: {  	v1 =	vld [tilespmem:s29+$0x60];
	_ =	sdelay $0x1  }
0x429: {  	v2 =	vld [tilespmem:$0x17660];
	_ =	sdelay $0x2  }
0x42a: {  	vm8 =	veq.f32 v1, $-2.000000000e+00  }
0x42b: {  	v1 =	vsel vm8, $0x3F800000, v0  }
0x42c: {  	v1 =	vsel vm1, v1, v2  }
0x42d: {  	[tilespmem:$0x17660] =	vst v1  }
0x42e: {  	v1 =	vld [tilespmem:s29+$0xE0];
	_ =	sdelay $0x1  }
0x42f: {  	v2 =	vld [tilespmem:$0x176E0];
	_ =	sdelay $0x2  }
0x430: {  	vm8 =	veq.f32 v1, $-2.000000000e+00  }
0x431: {  	v1 =	vsel vm8, $0x3F800000, v0  }
0x432: {  	v1 =	vsel vm1, v1, v2  }
0x433: {  	[tilespmem:$0x176E0] =	vst v1  }
0x434: {  	v1 =	vld [tilespmem:s29+$0x160];
	_ =	sdelay $0x1  }
0x435: {  	v2 =	vld [tilespmem:$0x17760];
	_ =	sdelay $0x2  }
0x436: {  	vm8 =	veq.f32 v1, $-2.000000000e+00  }
0x437: {  	v1 =	vsel vm8, $0x3F800000, v0  }
0x438: {  	v1 =	vsel vm1, v1, v2  }
0x439: {  	[tilespmem:$0x17760] =	vst v1  }
0x43a: {  	v1 =	vld [tilespmem:s29+$0x1E0];
	_ =	sdelay $0x1  }
0x43b: {  	v2 =	vld [tilespmem:$0x177E0];
	_ =	sdelay $0x2  }
0x43c: {  	vm8 =	veq.f32 v1, $-2.000000000e+00  }
0x43d: {  	v1 =	vsel vm8, $0x3F800000, v0  }
0x43e: {  	v1 =	vsel vm1, v1, v2  }
0x43f: {  	[tilespmem:$0x177E0] =	vst v1  }
0x440: {  	v1 =	vld [tilespmem:s29+$0xFFFFFE70];
	_ =	sdelay $0x1  }
0x441: {  	v2 =	vld [tilespmem:$0x17470];
	_ =	sdelay $0x2  }
0x442: {  	vm8 =	veq.f32 v1, $-2.000000000e+00  }
0x443: {  	v1 =	vsel vm8, $0x3F800000, v0  }
0x444: {  	v1 =	vsel vm0, v1, v2  }
0x445: {  	[tilespmem:$0x17470] =	vst v1  }
0x446: {  	v1 =	vld [tilespmem:s29+$0xFFFFFEF0];
	_ =	sdelay $0x1  }
0x447: {  	v2 =	vld [tilespmem:$0x174F0];
	_ =	sdelay $0x2  }
0x448: {  	vm8 =	veq.f32 v1, $-2.000000000e+00  }
0x449: {  	v1 =	vsel vm8, $0x3F800000, v0  }
0x44a: {  	v1 =	vsel vm0, v1, v2  }
0x44b: {  	[tilespmem:$0x174F0] =	vst v1  }
0x44c: {  	v1 =	vld [tilespmem:s29+$0xFFFFFF70];
	_ =	sdelay $0x1  }
0x44d: {  	v2 =	vld [tilespmem:$0x17570];
	_ =	sdelay $0x2  }
0x44e: {  	vm8 =	veq.f32 v1, $-2.000000000e+00  }
0x44f: {  	v1 =	vsel vm8, $0x3F800000, v0  }
0x450: {  	v1 =	vsel vm0, v1, v2  }
0x451: {  	[tilespmem:$0x17570] =	vst v1  }
0x452: {  	v1 =	vld [tilespmem:s29+$0xFFFFFFF0];
	_ =	sdelay $0x1  }
0x453: {  	v2 =	vld [tilespmem:$0x175F0];
	_ =	sdelay $0x2  }
0x454: {  	vm8 =	veq.f32 v1, $-2.000000000e+00  }
0x455: {  	v1 =	vsel vm8, $0x3F800000, v0  }
0x456: {  	v1 =	vsel vm0, v1, v2  }
0x457: {  	[tilespmem:$0x175F0] =	vst v1  }
0x458: {  	v1 =	vld [tilespmem:s29+$0x70];
	_ =	sdelay $0x1  }
0x459: {  	v2 =	vld [tilespmem:$0x17670];
	_ =	sdelay $0x2  }
0x45a: {  	vm8 =	veq.f32 v1, $-2.000000000e+00  }
0x45b: {  	v1 =	vsel vm8, $0x3F800000, v0  }
0x45c: {  	v1 =	vsel vm0, v1, v2  }
0x45d: {  	[tilespmem:$0x17670] =	vst v1  }
0x45e: {  	v1 =	vld [tilespmem:s29+$0xF0];
	_ =	sdelay $0x1  }
0x45f: {  	v2 =	vld [tilespmem:$0x176F0];
	_ =	sdelay $0x2  }
0x460: {  	vm8 =	veq.f32 v1, $-2.000000000e+00  }
0x461: {  	v1 =	vsel vm8, $0x3F800000, v0  }
0x462: {  	v1 =	vsel vm0, v1, v2  }
0x463: {  	[tilespmem:$0x176F0] =	vst v1  }
0x464: {  	v1 =	vld [tilespmem:s29+$0x170];
	_ =	sdelay $0x1  }
0x465: {  	v2 =	vld [tilespmem:$0x17770];
	_ =	sdelay $0x2  }
0x466: {  	vm8 =	veq.f32 v1, $-2.000000000e+00  }
0x467: {  	v1 =	vsel vm8, $0x3F800000, v0  }
0x468: {  	v1 =	vsel vm0, v1, v2  }
0x469: {  	[tilespmem:$0x17770] =	vst v1  }
0x46a: {  	v1 =	vld [tilespmem:s29+$0x1F0];
	_ =	sdelay $0x1  }
0x46b: {  	v2 =	vld [tilespmem:$0x177F0];
	_ =	sdelay $0x2  }
0x46c: {  	vm8 =	veq.f32 v1, $-2.000000000e+00  }
0x46d: {  	v1 =	vsel vm8, $0x3F800000, v0  }
0x46e: {  	p2 =	sne.s32 s28, $0x2C00;
	v1 =	vsel vm0, v1, v2  }
.Ltmp52:
0x46f: {  	[tilespmem:$0x177F0] =	vst v1;
	(pc) =	sbr.rel @p2 .LBB2_100-.Ltmp52, $4  }
0x470: {  	[hbm4b:s30+s4] =	stream.linear.scatter [tilespmem:s21], [sflag:$0x3], $0x400, $0x38;
	[tilespmem:$0x1AF00] =	vst v63  }
0x471: {  	_ =	swait.ge [sflag:s22], $0x400  }
0x472: {  	[sflag:s22] =	ssyncset.done $0x0  }
0x473: {  	s28 =	sadd.s32 $0x400, s28;
	s29 =	sadd.s32 $0x400, s29;
	[sflag:s22] =	ssyncadd.s32 $0xFFFFFC00  }
0x474: {  	s0 =	simm.s32 $0x2000  }
0x475: {  	[tilespmem:s21], [sflag:$0x3] =	stream.strided.gather [hbm4b:s11+s16], $0x0, s0, s16, $0x38;
	[tilespmem:$0x1AF00] =	vst v63  }
0x476: {  	_ = 	snop  }
0x477: {  	[tilespmem:s21], [sflag:$0x3] =	stream.linear.gather [hbm4b:s11+s4], $0x200, $0x38;
	[tilespmem:$0x1AF00] =	vst v63  }
0x478: {  	_ =	swait.ge [sflag:s22], $0x200  }
0x479: {  	[sflag:s22] =	ssyncset.done $0x0  }
0x47a: {  	[sflag:s22] =	ssyncadd.s32 $0xFFFFFE00  }
0x47b: {  	v1 =	vld [tilespmem:$0x1AA80]  }
0x47c: {  	v2 =	vld [tilespmem:$0x17400]  }
0x47d: {  	v3 =	vld [tilespmem:$0x1AB00]  }
0x47e: {  	v4 =	vld [tilespmem:$0x17480]  }
0x47f: {  	v5 =	vld [tilespmem:$0x1AB80]  }
0x480: {  	v6 =	vld [tilespmem:$0x17500]  }
0x481: {  	v7 =	vld [tilespmem:$0x1AC00]  }
0x482: {  	v8 =	vld [tilespmem:$0x17580]  }
0x483: {  	v9 =	vld [tilespmem:$0x1AA90]  }
0x484: {  	v10 =	vld [tilespmem:$0x17410]  }
0x485: {  	v11 =	vld [tilespmem:$0x1AB10]  }
0x486: {  	v12 =	vld [tilespmem:$0x17490]  }
0x487: {  	v13 =	vld [tilespmem:$0x1AB90]  }
0x488: {  	v14 =	vld [tilespmem:$0x17510]  }
0x489: {  	v15 =	vld [tilespmem:$0x1AC10]  }
0x48a: {  	v16 =	vld [tilespmem:$0x17590]  }
0x48b: {  	v17 =	vld [tilespmem:$0x1AAA0]  }
0x48c: {  	v18 =	vld [tilespmem:$0x17420]  }
0x48d: {  	v19 =	vld [tilespmem:$0x1AB20]  }
0x48e: {  	v20 =	vld [tilespmem:$0x174A0]  }
0x48f: {  	v21 =	vld [tilespmem:$0x1ABA0]  }
0x490: {  	v22 =	vld [tilespmem:$0x17520]  }
0x491: {  	v23 =	vld [tilespmem:$0x1AC20]  }
0x492: {  	v24 =	vld [tilespmem:$0x175A0]  }
0x493: {  	v25 =	vld [tilespmem:$0x1AAB0]  }
0x494: {  	v26 =	vld [tilespmem:$0x17430]  }
0x495: {  	v27 =	vld [tilespmem:$0x1AB30]  }
0x496: {  	v28 =	vld [tilespmem:$0x174B0]  }
0x497: {  	v29 =	vld [tilespmem:$0x1ABB0]  }
0x498: {  	v30 =	vld [tilespmem:$0x17530]  }
0x499: {  	v31 =	vld [tilespmem:$0x1AC30]  }
0x49a: {  	v32 =	vld [tilespmem:$0x175B0]  }
0x49b: {  	v33 =	vld [tilespmem:$0x1AAC0]  }
0x49c: {  	v34 =	vld [tilespmem:$0x17440]  }
0x49d: {  	v35 =	vld [tilespmem:$0x1AB40]  }
0x49e: {  	v56 =	vld [tilespmem:$0x17540];
	vm8 =	veq.f32 v1, $-2.000000000e+00  }
0x49f: {  	v58 =	vld [tilespmem:$0x1AC40];
	vm14 =	veq.f32 v3, $-2.000000000e+00;
	v36 =	vsel vm8, $0x3F800000, v0  }
0x4a0: {  	v60 =	vld [tilespmem:$0x175C0];
	vm15 =	veq.f32 v5, $-2.000000000e+00;
	v55 =	vsel vm14, $0x3F800000, v0;
	v2 =	vsel vm7, v36, v2  }
0x4a1: {  	v61 =	vld [tilespmem:$0x1AAD0];
	vm12 =	veq.f32 v7, $-2.000000000e+00;
	v57 =	vsel vm15, $0x3F800000, v0;
	[tilespmem:$0x17400] =	vst v2;
	v2 =	vsel vm7, v55, v4  }
0x4a2: {  	v63 =	vld [tilespmem:$0x17450];
	vm13 =	veq.f32 v9, $-2.000000000e+00;
	v59 =	vsel vm12, $0x3F800000, v0;
	[tilespmem:$0x17480] =	vst v2;
	v2 =	vsel vm7, v57, v6  }
0x4a3: {  	v38 =	vld [tilespmem:$0x174D0];
	vm14 =	veq.f32 v11, $-2.000000000e+00;
	v4 =	vsel vm7, v59, v8;
	[tilespmem:$0x17500] =	vst v2;
	v2 =	vsel vm13, $0x3F800000, v0  }
0x4a4: {  	v39 =	vld [tilespmem:$0x1ABD0];
	vm15 =	veq.f32 v13, $-2.000000000e+00;
	v62 =	vsel vm14, $0x3F800000, v0;
	[tilespmem:$0x17580] =	vst v4;
	v2 =	vsel vm6, v2, v10  }
0x4a5: {  	v41 =	vld [tilespmem:$0x17550];
	vm9 =	veq.f32 v15, $-2.000000000e+00;
	v13 =	vsel vm15, $0x3F800000, v0;
	[tilespmem:$0x17410] =	vst v2;
	v2 =	vsel vm6, v62, v12  }
0x4a6: {  	v1 =	vld [tilespmem:$0x174C0];
	vm10 =	veq.f32 v17, $-2.000000000e+00;
	v37 =	vsel vm9, $0x3F800000, v0;
	[tilespmem:$0x17490] =	vst v2;
	v2 =	vsel vm6, v13, v14  }
0x4a7: {  	v43 =	vld [tilespmem:$0x1AC50];
	vm11 =	veq.f32 v19, $-2.000000000e+00;
	v4 =	vsel vm6, v37, v16;
	[tilespmem:$0x17510] =	vst v2;
	v2 =	vsel vm10, $0x3F800000, v0  }
0x4a8: {  	v45 =	vld [tilespmem:$0x175D0];
	v40 =	vsel vm11, $0x3F800000, v0;
	vm12 =	veq.f32 v21, $-2.000000000e+00;
	[tilespmem:$0x17590] =	vst v4;
	v2 =	vsel vm5, v2, v18  }
0x4a9: {  	v46 =	vld [tilespmem:$0x1AAE0];
	vm11 =	veq.f32 v35, $-2.000000000e+00;
	v42 =	vsel vm12, $0x3F800000, v0;
	[tilespmem:$0x17420] =	vst v2;
	v2 =	vsel vm5, v40, v20  }
0x4aa: {  	v48 =	vld [tilespmem:$0x17460];
	vm14 =	veq.f32 v25, $-2.000000000e+00;
	v54 =	vsel vm11, $0x3F800000, v0;
	[tilespmem:$0x174A0] =	vst v2;
	v2 =	vsel vm5, v42, v22  }
0x4ab: {  	v3 =	vld [tilespmem:$0x1ABC0];
	vm15 =	veq.f32 v27, $-2.000000000e+00;
	v1 =	vsel vm3, v54, v1;
	[tilespmem:$0x17520] =	vst v2;
	v2 =	vsel vm14, $0x3F800000, v0  }
0x4ac: {  	v50 =	vld [tilespmem:$0x1AB60];
	vm8 =	veq.f32 v29, $-2.000000000e+00;
	v47 =	vsel vm15, $0x3F800000, v0;
	[tilespmem:$0x174C0] =	vst v1;
	v2 =	vsel vm4, v2, v26  }
0x4ad: {  	v52 =	vld [tilespmem:$0x174E0];
	v49 =	vsel vm8, $0x3F800000, v0;
	vm13 =	veq.f32 v23, $-2.000000000e+00;
	[tilespmem:$0x17430] =	vst v2;
	v2 =	vsel vm4, v47, v28  }
0x4ae: {  	v36 =	vld [tilespmem:$0x1AB50];
	v44 =	vsel vm13, $0x3F800000, v0;
	vm10 =	veq.f32 v33, $-2.000000000e+00;
	[tilespmem:$0x174B0] =	vst v2;
	v2 =	vsel vm4, v49, v30  }
0x4af: {  	v53 =	vld [tilespmem:$0x1ABE0];
	vm9 =	veq.f32 v31, $-2.000000000e+00;
	v4 =	vsel vm5, v44, v24;
	[tilespmem:$0x17530] =	vst v2;
	v2 =	vsel vm10, $0x3F800000, v0  }
0x4b0: {  	v51 =	vsel vm9, $0x3F800000, v0;
	v55 =	vld [tilespmem:$0x1AC60];
	vm12 =	veq.f32 v3, $-2.000000000e+00;
	[tilespmem:$0x175A0] =	vst v4;
	v2 =	vsel vm3, v2, v34  }
0x4b1: {  	v59 =	vld [tilespmem:$0x1AB70];
	vm13 =	veq.f32 v58, $-2.000000000e+00;
	v4 =	vsel vm4, v51, v32;
	[tilespmem:$0x17440] =	vst v2;
	v2 =	vsel vm12, $0x3F800000, v0  }
0x4b2: {  	v57 =	vld [tilespmem:$0x1AAF0];
	[tilespmem:$0x175B0] =	vst v4;
	vm14 =	veq.f32 v61, $-2.000000000e+00;
	v1 =	vsel vm3, v2, v56;
	v2 =	vsel vm13, $0x3F800000, v0  }
0x4b3: {  	v3 =	vld [tilespmem:$0x17560];
	vm15 =	veq.f32 v36, $-2.000000000e+00;
	v2 =	vsel vm3, v2, v60;
	[tilespmem:$0x17540] =	vst v1;
	v1 =	vsel vm14, $0x3F800000, v0  }
0x4b4: {  	v58 =	vld [tilespmem:$0x17470];
	vm6 =	veq.f32 v39, $-2.000000000e+00;
	[tilespmem:$0x175C0] =	vst v2;
	v1 =	vsel vm2, v1, v63;
	v2 =	vsel vm15, $0x3F800000, v0  }
0x4b5: {  	vm7 =	veq.f32 v43, $-2.000000000e+00;
	v62 =	vld [tilespmem:$0x1AC70];
	[tilespmem:$0x17450] =	vst v1;
	v1 =	vsel vm2, v2, v38;
	v2 =	vsel vm6, $0x3F800000, v0  }
0x4b6: {  	vm8 =	veq.f32 v46, $-2.000000000e+00;
	v56 =	vld [tilespmem:$0x175E0];
	[tilespmem:$0x174D0] =	vst v1;
	v1 =	vsel vm2, v2, v41;
	v2 =	vsel vm7, $0x3F800000, v0  }
0x4b7: {  	vm9 =	veq.f32 v50, $-2.000000000e+00;
	v61 =	vld [tilespmem:$0x1ABF0];
	v2 =	vsel vm2, v2, v45;
	[tilespmem:$0x17550] =	vst v1;
	v1 =	vsel vm8, $0x3F800000, v0  }
0x4b8: {  	vm10 =	veq.f32 v53, $-2.000000000e+00;
	v60 =	vld [tilespmem:$0x174F0];
	[tilespmem:$0x175D0] =	vst v2;
	v1 =	vsel vm1, v1, v48;
	v2 =	vsel vm9, $0x3F800000, v0  }
0x4b9: {  	vm11 =	veq.f32 v55, $-2.000000000e+00;
	v63 =	vld [tilespmem:$0x17570];
	[tilespmem:$0x17460] =	vst v1;
	v1 =	vsel vm1, v2, v52;
	v2 =	vsel vm10, $0x3F800000, v0  }
0x4ba: {  	vm12 =	veq.f32 v57, $-2.000000000e+00;
	[tilespmem:$0x174E0] =	vst v1;
	v1 =	vsel vm1, v2, v3;
	v2 =	vsel vm11, $0x3F800000, v0;
	v3 =	vld [tilespmem:$0x175F0]  }
0x4bb: {  	vm13 =	veq.f32 v59, $-2.000000000e+00;
	[tilespmem:$0x17560] =	vst v1;
	v1 =	vsel vm1, v2, v56;
	v2 =	vsel vm12, $0x3F800000, v0  }
0x4bc: {  	vm14 =	veq.f32 v61, $-2.000000000e+00;
	[tilespmem:$0x175E0] =	vst v1;
	v1 =	vsel vm0, v2, v58;
	v2 =	vsel vm13, $0x3F800000, v0  }
0x4bd: {  	vm15 =	veq.f32 v62, $-2.000000000e+00;
	[tilespmem:$0x17470] =	vst v1;
	v1 =	vsel vm0, v2, v60;
	v2 =	vsel vm14, $0x3F800000, v0  }
0x4be: {  	[tilespmem:$0x174F0] =	vst v1;
	v1 =	vsel vm0, v2, v63;
	v2 =	vsel vm15, $0x3F800000, v0  }
0x4bf: {  	[tilespmem:$0x17570] =	vst v1;
	v1 =	vsel vm0, v2, v3  }
0x4c0: {  	[tilespmem:$0x175F0] =	vst v1  }
0x4c1: {  	[hbm4b:s11+s16] =	stream.strided.scatter [tilespmem:s21], [sflag:$0x3], $0x0, s0, s16, $0x38;
	[tilespmem:$0x1AF00] =	vst v63  }
.Ltmp53:
0x4c2: {  	_ = 	snop;
	(pc) =	sbr.rel .LBB2_102-.Ltmp53, $4  }
0x4c3: {  	[hbm4b:s11+s4] =	stream.linear.scatter [tilespmem:s21], [sflag:$0x3], $0x200, $0x38;
	[tilespmem:$0x1AF00] =	vst v63  }
0x4c4: {  	_ =	swait.ge [sflag:s22], $0x200  }
0x4c5: {  	[sflag:s22] =	ssyncset.done $0x0  }
0x4c6: {  	s13 =	simm.s32 $0x2000;
	[sflag:s22] =	ssyncadd.s32 $0xFFFFFE00  }
.LBB2_103:
0x4c7: {  	_ =	sfence.sel $0x180000  }
0x4c8: {  	[bflag:$0x0] =	sbarrier.arrive $0xFFFF  }
0x4c9: {  	_ =	strace $0x90000047  }
0x4ca: {  	s0 =	stileid.u32;
	[bflag:$0x2] =	sbarrier.arrive $0xFFFF  }
0x4cb: {  	p0 =	sne.s32 s0, $0x0;
	s0 =	rddreg [dreg:$0x3]  }
0x4cc: {  	s0 =	sadd.s32 @!p0 $0x100000, s0  }
0x4cd: {  	[sflag:s0] =	ssyncadd.tile.s32 @!p0 $0x1;
	_ =	shalt  }
.Lfunc_end2:
_tile_overlayer_lowered:
.L_overlay_start_2:
0x4ce: {  	(tag) =	ssettag $0x2  }
0x4cf: {  	s0 =	rddreg [dreg:$0x0];
	s2 =	stileid.u32  }
0x4d0: {  	s1 =	rddreg [dreg:$0x1];
	p0 =	sne.s32 s2, $0x0  }
0x4d1: {  	s3 =	rddreg [dreg:$0x2];
	[bflag:$0x3] =	sbarrier.arrive $0xFFFF;
	s2 =	simm.s32 @!p0 $0x1C03  }
0x4d2: {  	[timem:s3], [sflag:s2] =	dma.local @!p0 [hbm:s0], s1  }
0x4d3: {  	s0 =	simm.s32 @!p0 $0x3  }
0x4d4: {  	_ =	swait.ge @!p0 [sflag:s0], s1  }
0x4d5: {  	s1 =	ssub.s32 @!p0 $0x0, s1;
	[sflag:s0] =	ssyncset.done @!p0 $0x0  }
0x4d6: {  	[sflag:s0] =	ssyncadd.s32 @!p0 s1  }
0x4d7: {  	[bflag:$0x3] =	sbarrier.arrive $0xFFFF  }
0x4d8: {  	_ =	shalt  }

</sc_bundles>
